<compile_context>
chip_gen: v7x
topology: tpu7x:2x2x1
jax: 0.10.2.dev20260603
libtpu: 0.0.44.dev20260713+nightly
codegen_flags: <defaults>
</compile_context>

<pallas_src>
import functools

import jax
import jax.numpy as jnp
from jax import lax
from jax.experimental import pallas as pl
from jax.experimental.pallas import tpu as pltpu
from jax.experimental.pallas import tpu_sc as plsc

B, N, M = 8, 4096, 1024
C1, C2, VD, NVD = 64, 128, 32, 512
CIN, CMID, COUT = 224, 128, 128

NT = 1024
GT = N // NT
NTOT = B * N

NC, NS = 2, 16
NW = NC * NS
QW = B * N // NW
CH = 128
NCH = QW // CH

_HI = jax.lax.Precision.HIGHEST


def _argmin_tree(x):
    idx = jax.lax.broadcasted_iota(jnp.int32, x.shape, 0)
    m = x.shape[0]
    n = x.shape[-1]
    while m > 1:
        h = m // 2
        x = x.reshape(2, h, n)
        idx = idx.reshape(2, h, n)
        cmp = x[0] <= x[1]
        x = jnp.where(cmp, x[0], x[1])
        idx = jnp.where(cmp, idx[0], idx[1])
        m = h
    return x, idx


def _gate_kernel(uf_ref, w1_ref, w2_ref, gate_ref):
    g = jnp.max(uf_ref[0], axis=1, keepdims=True)
    h = jnp.maximum(jnp.dot(w1_ref[...], g, precision=_HI), 0.0)
    z = jnp.dot(w2_ref[...], h, precision=_HI)
    gate_ref[0] = jax.nn.sigmoid(z)


def _nn_kernel(u_ref, k_ref, idx_ref, w_ref):
    b = pl.program_id(0)

    u = u_ref[0]
    k = k_ref[0]
    u2 = jnp.sum(u * u, axis=0, keepdims=True)
    k2 = jnp.sum(k * k, axis=1, keepdims=True)
    acc = jnp.dot(k, u)
    d2 = (u2 + k2) - 2.0 * acc

    iota_m = jax.lax.broadcasted_iota(jnp.int32, (M, 1), 0)
    inf = jnp.float32(jnp.inf)
    d2w = d2
    rs = []
    ijs = []
    for j in range(3):
        vj, ij = _argmin_tree(d2w)
        ijs.append(ij)
        dj = jnp.sqrt(jnp.maximum(vj, 0.0))
        rs.append(1.0 / (dj + 1e-8))
        if j < 2:
            sel = iota_m == ij
            d2w = jnp.where(sel, inf, d2w)
    norm = (rs[0] + rs[1]) + rs[2]
    idx_ref[0] = jnp.concatenate(ijs, axis=0) + b * M
    w_ref[0] = jnp.transpose(
        jnp.concatenate([r / norm for r in rs], axis=0), (1, 0))


def _sc_gather_body(table, idxg, out, i0_v, i1_v, i2_v,
                    r0_v, r1_v, r2_v, sem):
    wid = lax.axis_index("s") * NC + lax.axis_index("c")
    wpb = N // QW
    b = wid // wpb
    qoff = (wid % wpb) * QW
    for j, iv in enumerate((i0_v, i1_v, i2_v)):
        pltpu.sync_copy(idxg.at[pl.ds((b * 3 + j) * N + qoff, QW)], iv)
    for c in range(NCH):
        cps = [pltpu.async_copy(table.at[iv.at[pl.ds(c * CH, CH)]], rv, sem)
               for iv, rv in ((i0_v, r0_v), (i1_v, r1_v), (i2_v, r2_v))]
        for cp in cps:
            cp.wait()
        for j, rv in enumerate((r0_v, r1_v, r2_v)):
            dst = (j * B * N) + (b * N) + qoff + c * CH
            pltpu.sync_copy(rv, out.at[pl.ds(dst, CH), :])


def _conv0_kernel(g0_ref, g1_ref, g2_ref, wt_ref, uf_ref, vd_ref, gate_ref,
                  w0_ref, x0_ref, s0_ref, ss0_ref):
    b = pl.program_id(0)
    t = pl.program_id(1)
    w = wt_ref[0]
    interp_t = (w[:, 0:1] * g0_ref[...] + w[:, 1:2] * g1_ref[...]
                + w[:, 2:3] * g2_ref[...])
    interp = jnp.transpose(interp_t, (1, 0))
    uf = uf_ref[0] * gate_ref[0]
    vd = jnp.concatenate([vd_ref[0]] * (NT // NVD), axis=1)
    f = jnp.concatenate([interp, uf, vd], axis=0)
    x0 = jnp.dot(w0_ref[...], f)
    x0_ref[0] = x0

    @pl.when(jnp.logical_and(b == 0, t == 0))
    def _():
        s0_ref[...] = jnp.zeros_like(s0_ref)
        ss0_ref[...] = jnp.zeros_like(ss0_ref)

    s0_ref[...] += jnp.sum(x0, axis=1, keepdims=True)
    ss0_ref[...] += jnp.sum(x0 * x0, axis=1, keepdims=True)


def _mid_kernel(x0_ref, s0_ref, ss0_ref, g0_ref, b0_ref, w1_ref,
                x1_ref, s1_ref, ss1_ref):
    b = pl.program_id(0)
    mean = s0_ref[...] / NTOT
    var = ss0_ref[...] / NTOT - mean * mean
    rstd = jax.lax.rsqrt(var + 1e-5)
    scale = g0_ref[...] * rstd
    shift = b0_ref[...] - mean * scale
    h = jnp.maximum(x0_ref[0] * scale + shift, 0.0)
    x1 = jnp.dot(w1_ref[...], h)
    x1_ref[0] = x1

    @pl.when(b == 0)
    def _():
        s1_ref[...] = jnp.zeros_like(s1_ref)
        ss1_ref[...] = jnp.zeros_like(ss1_ref)

    s1_ref[...] += jnp.sum(x1, axis=1, keepdims=True)
    ss1_ref[...] += jnp.sum(x1 * x1, axis=1, keepdims=True)


def _out_kernel(x1_ref, s1_ref, ss1_ref, g1_ref, b1_ref, out_ref):
    mean = s1_ref[...] / NTOT
    var = ss1_ref[...] / NTOT - mean * mean
    rstd = jax.lax.rsqrt(var + 1e-5)
    scale = g1_ref[...] * rstd
    shift = b1_ref[...] - mean * scale
    out_ref[0] = jnp.maximum(x1_ref[0] * scale + shift, 0.0)


def kernel(unknown, known, unknow_feats, known_feats, vdfeatures,
           lab_w1, lab_w2, conv0_w, bn0_gamma, bn0_beta,
           conv1_w, bn1_gamma, bn1_beta):
    f32 = jnp.float32
    uT = jnp.transpose(unknown, (0, 2, 1))
    table = jnp.transpose(known_feats, (0, 2, 1)).reshape(B * M, C2)

    gate = pl.pallas_call(
        _gate_kernel,
        grid=(B,),
        in_specs=[
            pl.BlockSpec((1, C1, N), lambda b: (b, 0, 0)),
            pl.BlockSpec((C1 // 4, C1), lambda b: (0, 0)),
            pl.BlockSpec((C1, C1 // 4), lambda b: (0, 0)),
        ],
        out_specs=pl.BlockSpec((1, C1, 1), lambda b: (b, 0, 0)),
        out_shape=jax.ShapeDtypeStruct((B, C1, 1), f32),
    )(unknow_feats, lab_w1, lab_w2)

    gidx, wn = pl.pallas_call(
        _nn_kernel,
        grid=(B, GT),
        in_specs=[
            pl.BlockSpec((1, 3, NT), lambda b, t: (b, 0, t)),
            pl.BlockSpec((1, M, 3), lambda b, t: (b, 0, 0)),
        ],
        out_specs=[
            pl.BlockSpec((1, 3, NT), lambda b, t: (b, 0, t)),
            pl.BlockSpec((1, NT, 3), lambda b, t: (b, t, 0)),
        ],
        out_shape=[
            jax.ShapeDtypeStruct((B, 3, N), jnp.int32),
            jax.ShapeDtypeStruct((B, N, 3), f32),
        ],
    )(uT, known)

    sc_gather = functools.partial(
        pl.kernel,
        mesh=plsc.VectorSubcoreMesh(core_axis_name="c", subcore_axis_name="s"),
        out_type=jax.ShapeDtypeStruct((3 * B * N, C2), f32),
        scratch_types=[
            pltpu.VMEM((QW,), jnp.int32),
            pltpu.VMEM((QW,), jnp.int32),
            pltpu.VMEM((QW,), jnp.int32),
            pltpu.VMEM((CH, C2), f32),
            pltpu.VMEM((CH, C2), f32),
            pltpu.VMEM((CH, C2), f32),
            pltpu.SemaphoreType.DMA,
        ],
    )(_sc_gather_body)
    g3 = sc_gather(table, gidx.reshape(B * 3 * N))

    x0, s0, ss0 = pl.pallas_call(
        _conv0_kernel,
        grid=(B, GT),
        in_specs=[
            pl.BlockSpec((NT, C2), lambda b, t: (0 * (B * GT) + b * GT + t, 0)),
            pl.BlockSpec((NT, C2), lambda b, t: (1 * (B * GT) + b * GT + t, 0)),
            pl.BlockSpec((NT, C2), lambda b, t: (2 * (B * GT) + b * GT + t, 0)),
            pl.BlockSpec((1, NT, 3), lambda b, t: (b, t, 0)),
            pl.BlockSpec((1, C1, NT), lambda b, t: (b, 0, t)),
            pl.BlockSpec((1, VD, NVD), lambda b, t: (b, 0, 0)),
            pl.BlockSpec((1, C1, 1), lambda b, t: (b, 0, 0)),
            pl.BlockSpec((CMID, CIN), lambda b, t: (0, 0)),
        ],
        out_specs=[
            pl.BlockSpec((1, CMID, NT), lambda b, t: (b, 0, t)),
            pl.BlockSpec((CMID, 1), lambda b, t: (0, 0)),
            pl.BlockSpec((CMID, 1), lambda b, t: (0, 0)),
        ],
        out_shape=[
            jax.ShapeDtypeStruct((B, CMID, N), f32),
            jax.ShapeDtypeStruct((CMID, 1), f32),
            jax.ShapeDtypeStruct((CMID, 1), f32),
        ],
    )(g3, g3, g3, wn, unknow_feats, vdfeatures, gate, conv0_w)

    x1, s1, ss1 = pl.pallas_call(
        _mid_kernel,
        grid=(B,),
        in_specs=[
            pl.BlockSpec((1, CMID, N), lambda b: (b, 0, 0)),
            pl.BlockSpec((CMID, 1), lambda b: (0, 0)),
            pl.BlockSpec((CMID, 1), lambda b: (0, 0)),
            pl.BlockSpec((CMID, 1), lambda b: (0, 0)),
            pl.BlockSpec((CMID, 1), lambda b: (0, 0)),
            pl.BlockSpec((COUT, CMID), lambda b: (0, 0)),
        ],
        out_specs=[
            pl.BlockSpec((1, COUT, N), lambda b: (b, 0, 0)),
            pl.BlockSpec((COUT, 1), lambda b: (0, 0)),
            pl.BlockSpec((COUT, 1), lambda b: (0, 0)),
        ],
        out_shape=[
            jax.ShapeDtypeStruct((B, COUT, N), f32),
            jax.ShapeDtypeStruct((COUT, 1), f32),
            jax.ShapeDtypeStruct((COUT, 1), f32),
        ],
    )(x0, s0, ss0, bn0_gamma.reshape(CMID, 1), bn0_beta.reshape(CMID, 1),
      conv1_w)

    out = pl.pallas_call(
        _out_kernel,
        grid=(B,),
        in_specs=[
            pl.BlockSpec((1, COUT, N), lambda b: (b, 0, 0)),
            pl.BlockSpec((COUT, 1), lambda b: (0, 0)),
            pl.BlockSpec((COUT, 1), lambda b: (0, 0)),
            pl.BlockSpec((COUT, 1), lambda b: (0, 0)),
            pl.BlockSpec((COUT, 1), lambda b: (0, 0)),
        ],
        out_specs=pl.BlockSpec((1, COUT, N), lambda b: (b, 0, 0)),
        out_shape=jax.ShapeDtypeStruct((B, COUT, N), f32),
    )(x1, s1, ss1, bn1_gamma.reshape(COUT, 1), bn1_beta.reshape(COUT, 1))

    return out

# --- scband reference (transcript-rebuilt; emitter-appended) ---
"""Pipeline reference for scband-fpmodule-26809185861898 (READ-ONLY COPY).

The authoritative reference and input builder live on the scoring server;
editing this copy changes nothing except your own understanding.
"""

import jax, jax.numpy as jnp
import numpy as np

B, N, M = 8, 4096, 1024
C1, C2, VD, NVD = 64, 128, 32, 512
CIN, CMID, COUT = 224, 128, 128


def setup_inputs(seed: int = 0) -> dict:
    key = jax.random.key(seed)
    ks = jax.random.split(key, 12)
    return {
        "unknown": jax.random.normal(ks[0], (B, N, 3), jnp.float32),
        "known": jax.random.normal(ks[1], (B, M, 3), jnp.float32),
        "unknow_feats": jax.random.normal(ks[2], (B, C1, N), jnp.float32),
        "known_feats": jax.random.normal(ks[3], (B, C2, M), jnp.float32),
        "vdfeatures": jax.random.normal(ks[4], (B, VD, NVD), jnp.float32),
        "lab_w1": jax.random.normal(ks[5], (C1 // 4, C1), jnp.float32) * 0.1,
        "lab_w2": jax.random.normal(ks[6], (C1, C1 // 4), jnp.float32) * 0.1,
        "conv0_w": jax.random.normal(ks[7], (CMID, CIN), jnp.float32) * 0.05,
        "bn0_gamma": jnp.ones((CMID,), jnp.float32),
        "bn0_beta": jnp.zeros((CMID,), jnp.float32),
        "conv1_w": jax.random.normal(ks[8], (COUT, CMID), jnp.float32) * 0.05,
        "bn1_gamma": jnp.ones((COUT,), jnp.float32),
        "bn1_beta": jnp.zeros((COUT,), jnp.float32),
    }


def _three_nn(unknown, known):
    # squared pairwise distances without materializing (B,N,M,3)
    u2 = jnp.sum(unknown * unknown, axis=-1)[:, :, None]
    k2 = jnp.sum(known * known, axis=-1)[:, None, :]
    d2 = u2 + k2 - 2.0 * jnp.einsum('bnd,bmd->bnm', unknown, known)
    neg_vals, idx = jax.lax.top_k(-d2, 3)
    dist = jnp.sqrt(jnp.maximum(-neg_vals, 0.0))
    return dist, idx


def _three_interpolate(known_feats, idx, weight):
    # known_feats: (B, C, M), idx: (B, N, 3), weight: (B, N, 3)
    def gather_one(f, i):
        return f[:, i]  # (C, N, 3)
    g = jax.vmap(gather_one)(known_feats, idx)  # (B, C, N, 3)
    return jnp.sum(g * weight[:, None, :, :], axis=-1)  # (B, C, N)


def _bn(x, gamma, beta, eps=1e-5):
    mean = jnp.mean(x, axis=(0, 2), keepdims=True)
    var = jnp.var(x, axis=(0, 2), keepdims=True)
    xh = (x - mean) / jnp.sqrt(var + eps)
    return xh * gamma[None, :, None] + beta[None, :, None]


def _forward(unknown, known, unknow_feats, known_feats, vdfeatures,
             lab_w1, lab_w2, conv0_w, bn0_gamma, bn0_beta,
             conv1_w, bn1_gamma, bn1_beta):
    dist, idx = _three_nn(unknown, known)
    dist_recip = 1.0 / (dist + 1e-8)
    norm = jnp.sum(dist_recip, axis=2, keepdims=True)
    weight = dist_recip / norm
    interp = _three_interpolate(known_feats, idx, weight)  # (B, C2, N)
    # LabModule: channel gating (dropout is identity in eval)
    g = jnp.max(unknow_feats, axis=2, keepdims=True)  # (B, C1, 1)
    h = jnp.maximum(jnp.einsum('oc,bcn->bon', lab_w1, g), 0.0)
    gate = jax.nn.sigmoid(jnp.einsum('oc,bcn->bon', lab_w2, h))
    uf = gate * unknow_feats
    new_features = jnp.concatenate([interp, uf], axis=1)  # (B, C2+C1, N)
    repeat_times = N // NVD
    vd = jnp.tile(vdfeatures, (1, 1, repeat_times))  # (B, VD, N)
    new_features = jnp.concatenate([new_features, vd], axis=1)  # (B, 224, N)
    # shared MLP: 1x1 conv2d == pointwise matmul (last spatial dim is 1)
    x = jnp.einsum('oc,bcn->bon', conv0_w, new_features)
    x = jnp.maximum(_bn(x, bn0_gamma, bn0_beta), 0.0)
    x = jnp.einsum('oc,bcn->bon', conv1_w, x)
    x = jnp.maximum(_bn(x, bn1_gamma, bn1_beta), 0.0)
    return x


def reference(unknown, known, unknow_feats, known_feats, vdfeatures,
              lab_w1, lab_w2, conv0_w, bn0_gamma, bn0_beta,
              conv1_w, bn1_gamma, bn1_beta):
    return _forward(unknown, known, unknow_feats, known_feats, vdfeatures,
                    lab_w1, lab_w2, conv0_w, bn0_gamma, bn0_beta,
                    conv1_w, bn1_gamma, bn1_beta)

if __name__ == "__main__":
    import jax
    _d = setup_inputs()
    print(jax.jit(kernel)(*tuple(_d.values())))

</pallas_src>

<mosaic_0001>
#map = affine_map<(d0, d1) -> (0, 0)>
#map1 = affine_map<(d0, d1) -> (0)>
module attributes {stable_mosaic.version = 14 : i64} {
  func.func @_sc_gather_body(%arg0: i32, %arg1: i32, %arg2: memref<8192x128xf32, #tpu.memory_space<hbm>>, %arg3: memref<98304xi32, #tpu.memory_space<hbm>>, %arg4: memref<98304x128xf32, #tpu.memory_space<hbm>>, %arg5: memref<1024xi32, #tpu.memory_space<vmem>>, %arg6: memref<1024xi32, #tpu.memory_space<vmem>>, %arg7: memref<1024xi32, #tpu.memory_space<vmem>>, %arg8: memref<128x128xf32, #tpu.memory_space<vmem>>, %arg9: memref<128x128xf32, #tpu.memory_space<vmem>>, %arg10: memref<128x128xf32, #tpu.memory_space<vmem>>, %arg11: memref<!tpu.dma_semaphore, #tpu.memory_space<semaphore_mem>>) attributes {dimension_semantics = [#tpu.dimension_semantics<core_parallel>, #tpu.dimension_semantics<subcore_parallel>], iteration_bounds = array<i64: 2, 16>, scalar_prefetch = 0 : i64, scratch_operands = 7 : i64, tpu.core_type = #tpu.core_type<sc_vector_subcore>, window_params = [{transform_indices = #map}, {transform_indices = #map1}, {transform_indices = #map}]} {
    %mul3A = arith.constant 2 : i32
    %mul3A_0 = arith.muli %arg1, %mul3A : i32
    %add3A = arith.addi %mul3A_0, %arg0 : i32
    %jit3A = arith.constant 4 : i32
    %div3A = arith.divsi %add3A, %jit3A : i32
    %sign3A = arith.constant 0 : i32
    %sign3A_1 = arith.cmpi sgt, %add3A, %sign3A : i32
    %sign3A_2 = arith.extui %sign3A_1 : i1 to i32
    %sign3A_3 = arith.constant 0 : i32
    %sign3A_4 = arith.cmpi slt, %add3A, %sign3A_3 : i32
    %sign3A_5 = arith.extui %sign3A_4 : i1 to i32
    %sign3A_6 = arith.subi %sign3A_2, %sign3A_5 : i32
    %sign3A_7 = arith.constant 0 : i32
    %sign3A_8 = arith.cmpi sgt, %jit3A, %sign3A_7 : i32
    %sign3A_9 = arith.extui %sign3A_8 : i1 to i32
    %sign3A_10 = arith.constant 0 : i32
    %sign3A_11 = arith.cmpi slt, %jit3A, %sign3A_10 : i32
    %sign3A_12 = arith.extui %sign3A_11 : i1 to i32
    %sign3A_13 = arith.subi %sign3A_9, %sign3A_12 : i32
    %ne3A = arith.cmpi ne, %sign3A_6, %sign3A_13 : i32
    %rem3A = arith.remsi %add3A, %jit3A : i32
    %ne3A_14 = arith.constant 0 : i32
    %ne3A_15 = arith.cmpi ne, %rem3A, %ne3A_14 : i32
    %and3A = arith.andi %ne3A, %ne3A_15 : i1
    %sub3A = arith.constant 1 : i32
    %sub3A_16 = arith.subi %div3A, %sub3A : i32
    %select_n3A = arith.select %and3A, %sub3A_16, %div3A : i32
    %jit3A_17 = arith.constant 4 : i32
    %eq3A = arith.constant 0 : i32
    %eq3A_18 = arith.cmpi eq, %jit3A_17, %eq3A : i32
    %jit3A_19 = arith.constant 1 : i32
    %select_n3A_20 = arith.select %eq3A_18, %jit3A_19, %jit3A_17 : i32
    %rem3A_21 = arith.remsi %add3A, %select_n3A_20 : i32
    %ne3A_22 = arith.constant 0 : i32
    %ne3A_23 = arith.cmpi ne, %rem3A_21, %ne3A_22 : i32
    %lt3A = arith.constant 0 : i32
    %lt3A_24 = arith.cmpi slt, %rem3A_21, %lt3A : i32
    %lt3A_25 = arith.constant 0 : i32
    %lt3A_26 = arith.cmpi slt, %select_n3A_20, %lt3A_25 : i32
    %ne3A_27 = arith.xori %lt3A_24, %lt3A_26 : i1
    %and3A_28 = arith.andi %ne3A_27, %ne3A_23 : i1
    %add3A_29 = arith.addi %rem3A_21, %select_n3A_20 : i32
    %select_n3A_30 = arith.select %and3A_28, %add3A_29, %rem3A_21 : i32
    %mul3A_31 = arith.constant 1024 : i32
    %mul3A_32 = arith.muli %select_n3A_30, %mul3A_31 : i32
    %mul3A_33 = arith.constant 3 : i32
    %mul3A_34 = arith.muli %select_n3A, %mul3A_33 : i32
    %add3A_35 = arith.constant 0 : i32
    %add3A_36 = arith.addi %mul3A_34, %add3A_35 : i32
    %mul3A_37 = arith.constant 4096 : i32
    %mul3A_38 = arith.muli %add3A_36, %mul3A_37 : i32
    %add3A_39 = arith.addi %mul3A_38, %mul3A_32 : i32
    "tpu.region"() ({
      %run_scoped3A = tpu.sem_alloc : memref<!tpu.dma_semaphore, #tpu.memory_space<semaphore_mem>>
      %dma_start3A_460 = tpu.memref_slice %arg3[%add3A_39] : memref<98304xi32, #tpu.memory_space<hbm>> -> memref<1024xi32, #tpu.memory_space<hbm>>
      %dma_start3A_461 = tpu.memref_slice %arg3[%add3A_39] : memref<98304xi32, #tpu.memory_space<hbm>> -> memref<1024xi32, #tpu.memory_space<hbm>>
      tpu.enqueue_dma source(%dma_start3A_461 : memref<1024xi32, #tpu.memory_space<hbm>>) target(%arg5 : memref<1024xi32, #tpu.memory_space<vmem>>) target_semaphore(%run_scoped3A : memref<!tpu.dma_semaphore, #tpu.memory_space<semaphore_mem>>)
      %dma_wait3A_462 = tpu.memref_slice %arg3[%add3A_39] : memref<98304xi32, #tpu.memory_space<hbm>> -> memref<1024xi32, #tpu.memory_space<hbm>>
      %dma_wait3A_463 = tpu.memref_slice %arg3[%add3A_39] : memref<98304xi32, #tpu.memory_space<hbm>> -> memref<1024xi32, #tpu.memory_space<hbm>>
      tpu.wait_dma2 semaphore(%run_scoped3A : memref<!tpu.dma_semaphore, #tpu.memory_space<semaphore_mem>>) src(%dma_wait3A_463 : memref<1024xi32, #tpu.memory_space<hbm>>) dst(%arg5 : memref<1024xi32, #tpu.memory_space<vmem>>)
      tpu.yield
    }) : () -> ()
    %mul3A_40 = arith.constant 3 : i32
    %mul3A_41 = arith.muli %select_n3A, %mul3A_40 : i32
    %add3A_42 = arith.constant 1 : i32
    %add3A_43 = arith.addi %mul3A_41, %add3A_42 : i32
    %mul3A_44 = arith.constant 4096 : i32
    %mul3A_45 = arith.muli %add3A_43, %mul3A_44 : i32
    %add3A_46 = arith.addi %mul3A_45, %mul3A_32 : i32
    "tpu.region"() ({
      %run_scoped3A = tpu.sem_alloc : memref<!tpu.dma_semaphore, #tpu.memory_space<semaphore_mem>>
      %dma_start3A_460 = tpu.memref_slice %arg3[%add3A_46] : memref<98304xi32, #tpu.memory_space<hbm>> -> memref<1024xi32, #tpu.memory_space<hbm>>
      %dma_start3A_461 = tpu.memref_slice %arg3[%add3A_46] : memref<98304xi32, #tpu.memory_space<hbm>> -> memref<1024xi32, #tpu.memory_space<hbm>>
      tpu.enqueue_dma source(%dma_start3A_461 : memref<1024xi32, #tpu.memory_space<hbm>>) target(%arg6 : memref<1024xi32, #tpu.memory_space<vmem>>) target_semaphore(%run_scoped3A : memref<!tpu.dma_semaphore, #tpu.memory_space<semaphore_mem>>)
      %dma_wait3A_462 = tpu.memref_slice %arg3[%add3A_46] : memref<98304xi32, #tpu.memory_space<hbm>> -> memref<1024xi32, #tpu.memory_space<hbm>>
      %dma_wait3A_463 = tpu.memref_slice %arg3[%add3A_46] : memref<98304xi32, #tpu.memory_space<hbm>> -> memref<1024xi32, #tpu.memory_space<hbm>>
      tpu.wait_dma2 semaphore(%run_scoped3A : memref<!tpu.dma_semaphore, #tpu.memory_space<semaphore_mem>>) src(%dma_wait3A_463 : memref<1024xi32, #tpu.memory_space<hbm>>) dst(%arg6 : memref<1024xi32, #tpu.memory_space<vmem>>)
      tpu.yield
    }) : () -> ()
    %mul3A_47 = arith.constant 3 : i32
    %mul3A_48 = arith.muli %select_n3A, %mul3A_47 : i32
    %add3A_49 = arith.constant 2 : i32
    %add3A_50 = arith.addi %mul3A_48, %add3A_49 : i32
    %mul3A_51 = arith.constant 4096 : i32
    %mul3A_52 = arith.muli %add3A_50, %mul3A_51 : i32
    %add3A_53 = arith.addi %mul3A_52, %mul3A_32 : i32
    "tpu.region"() ({
      %run_scoped3A = tpu.sem_alloc : memref<!tpu.dma_semaphore, #tpu.memory_space<semaphore_mem>>
      %dma_start3A_460 = tpu.memref_slice %arg3[%add3A_53] : memref<98304xi32, #tpu.memory_space<hbm>> -> memref<1024xi32, #tpu.memory_space<hbm>>
      %dma_start3A_461 = tpu.memref_slice %arg3[%add3A_53] : memref<98304xi32, #tpu.memory_space<hbm>> -> memref<1024xi32, #tpu.memory_space<hbm>>
      tpu.enqueue_dma source(%dma_start3A_461 : memref<1024xi32, #tpu.memory_space<hbm>>) target(%arg7 : memref<1024xi32, #tpu.memory_space<vmem>>) target_semaphore(%run_scoped3A : memref<!tpu.dma_semaphore, #tpu.memory_space<semaphore_mem>>)
      %dma_wait3A_462 = tpu.memref_slice %arg3[%add3A_53] : memref<98304xi32, #tpu.memory_space<hbm>> -> memref<1024xi32, #tpu.memory_space<hbm>>
      %dma_wait3A_463 = tpu.memref_slice %arg3[%add3A_53] : memref<98304xi32, #tpu.memory_space<hbm>> -> memref<1024xi32, #tpu.memory_space<hbm>>
      tpu.wait_dma2 semaphore(%run_scoped3A : memref<!tpu.dma_semaphore, #tpu.memory_space<semaphore_mem>>) src(%dma_wait3A_463 : memref<1024xi32, #tpu.memory_space<hbm>>) dst(%arg7 : memref<1024xi32, #tpu.memory_space<vmem>>)
      tpu.yield
    }) : () -> ()
    %dma_start3A = arith.constant 0 : i32
    %dma_start3A_54 = tpu.memref_slice %arg5[%dma_start3A] : memref<1024xi32, #tpu.memory_space<vmem>> -> memref<128xi32, #tpu.memory_space<vmem>>
    %dma_start3A_55 = arith.constant 0 : i32
    %dma_start3A_56 = arith.constant 0 : i32
    %dma_start3A_57 = tpu.memref_slice %arg2[%dma_start3A_55, %dma_start3A_56] : memref<8192x128xf32, #tpu.memory_space<hbm>> -> memref<8192x128xf32, #tpu.memory_space<hbm>>
    tpu.enqueue_indirect_dma source(%dma_start3A_57 : memref<8192x128xf32, #tpu.memory_space<hbm>>) target(%arg8 : memref<128x128xf32, #tpu.memory_space<vmem>>) offsets(%dma_start3A_54 : memref<128xi32, #tpu.memory_space<vmem>>) semaphore(%arg11 : memref<!tpu.dma_semaphore, #tpu.memory_space<semaphore_mem>>)
    %dma_start3A_58 = arith.constant 0 : i32
    %dma_start3A_59 = tpu.memref_slice %arg6[%dma_start3A_58] : memref<1024xi32, #tpu.memory_space<vmem>> -> memref<128xi32, #tpu.memory_space<vmem>>
    %dma_start3A_60 = arith.constant 0 : i32
    %dma_start3A_61 = arith.constant 0 : i32
    %dma_start3A_62 = tpu.memref_slice %arg2[%dma_start3A_60, %dma_start3A_61] : memref<8192x128xf32, #tpu.memory_space<hbm>> -> memref<8192x128xf32, #tpu.memory_space<hbm>>
    tpu.enqueue_indirect_dma source(%dma_start3A_62 : memref<8192x128xf32, #tpu.memory_space<hbm>>) target(%arg9 : memref<128x128xf32, #tpu.memory_space<vmem>>) offsets(%dma_start3A_59 : memref<128xi32, #tpu.memory_space<vmem>>) semaphore(%arg11 : memref<!tpu.dma_semaphore, #tpu.memory_space<semaphore_mem>>)
    %dma_start3A_63 = arith.constant 0 : i32
    %dma_start3A_64 = tpu.memref_slice %arg7[%dma_start3A_63] : memref<1024xi32, #tpu.memory_space<vmem>> -> memref<128xi32, #tpu.memory_space<vmem>>
    %dma_start3A_65 = arith.constant 0 : i32
    %dma_start3A_66 = arith.constant 0 : i32
    %dma_start3A_67 = tpu.memref_slice %arg2[%dma_start3A_65, %dma_start3A_66] : memref<8192x128xf32, #tpu.memory_space<hbm>> -> memref<8192x128xf32, #tpu.memory_space<hbm>>
    tpu.enqueue_indirect_dma source(%dma_start3A_67 : memref<8192x128xf32, #tpu.memory_space<hbm>>) target(%arg10 : memref<128x128xf32, #tpu.memory_space<vmem>>) offsets(%dma_start3A_64 : memref<128xi32, #tpu.memory_space<vmem>>) semaphore(%arg11 : memref<!tpu.dma_semaphore, #tpu.memory_space<semaphore_mem>>)
    %dma_wait3A = arith.constant 0 : i32
    %dma_wait3A_68 = tpu.memref_slice %arg5[%dma_wait3A] : memref<1024xi32, #tpu.memory_space<vmem>> -> memref<128xi32, #tpu.memory_space<vmem>>
    %dma_wait3A_69 = arith.constant 0 : i32
    %dma_wait3A_70 = arith.constant 0 : i32
    %dma_wait3A_71 = tpu.memref_slice %arg2[%dma_wait3A_69, %dma_wait3A_70] : memref<8192x128xf32, #tpu.memory_space<hbm>> -> memref<8192x128xf32, #tpu.memory_space<hbm>>
    tpu.wait_indirect_dma semaphore(%arg11 : memref<!tpu.dma_semaphore, #tpu.memory_space<semaphore_mem>>) src(%dma_wait3A_71 : memref<8192x128xf32, #tpu.memory_space<hbm>>) dst(%arg8 : memref<128x128xf32, #tpu.memory_space<vmem>>)
    %dma_wait3A_72 = arith.constant 0 : i32
    %dma_wait3A_73 = tpu.memref_slice %arg6[%dma_wait3A_72] : memref<1024xi32, #tpu.memory_space<vmem>> -> memref<128xi32, #tpu.memory_space<vmem>>
    %dma_wait3A_74 = arith.constant 0 : i32
    %dma_wait3A_75 = arith.constant 0 : i32
    %dma_wait3A_76 = tpu.memref_slice %arg2[%dma_wait3A_74, %dma_wait3A_75] : memref<8192x128xf32, #tpu.memory_space<hbm>> -> memref<8192x128xf32, #tpu.memory_space<hbm>>
    tpu.wait_indirect_dma semaphore(%arg11 : memref<!tpu.dma_semaphore, #tpu.memory_space<semaphore_mem>>) src(%dma_wait3A_76 : memref<8192x128xf32, #tpu.memory_space<hbm>>) dst(%arg9 : memref<128x128xf32, #tpu.memory_space<vmem>>)
    %dma_wait3A_77 = arith.constant 0 : i32
    %dma_wait3A_78 = tpu.memref_slice %arg7[%dma_wait3A_77] : memref<1024xi32, #tpu.memory_space<vmem>> -> memref<128xi32, #tpu.memory_space<vmem>>
    %dma_wait3A_79 = arith.constant 0 : i32
    %dma_wait3A_80 = arith.constant 0 : i32
    %dma_wait3A_81 = tpu.memref_slice %arg2[%dma_wait3A_79, %dma_wait3A_80] : memref<8192x128xf32, #tpu.memory_space<hbm>> -> memref<8192x128xf32, #tpu.memory_space<hbm>>
    tpu.wait_indirect_dma semaphore(%arg11 : memref<!tpu.dma_semaphore, #tpu.memory_space<semaphore_mem>>) src(%dma_wait3A_81 : memref<8192x128xf32, #tpu.memory_space<hbm>>) dst(%arg10 : memref<128x128xf32, #tpu.memory_space<vmem>>)
    %mul3A_82 = arith.constant 4096 : i32
    %mul3A_83 = arith.muli %select_n3A, %mul3A_82 : i32
    %add3A_84 = arith.constant 0 : i32
    %add3A_85 = arith.addi %add3A_84, %mul3A_83 : i32
    %add3A_86 = arith.addi %add3A_85, %mul3A_32 : i32
    %add3A_87 = arith.constant 0 : i32
    %add3A_88 = arith.addi %add3A_86, %add3A_87 : i32
    "tpu.region"() ({
      %run_scoped3A = tpu.sem_alloc : memref<!tpu.dma_semaphore, #tpu.memory_space<semaphore_mem>>
      %dma_start3A_460 = arith.constant 0 : i32
      %dma_start3A_461 = tpu.memref_slice %arg4[%add3A_88, %dma_start3A_460] : memref<98304x128xf32, #tpu.memory_space<hbm>> -> memref<128x128xf32, #tpu.memory_space<hbm>>
      %dma_start3A_462 = arith.constant 0 : i32
      %dma_start3A_463 = tpu.memref_slice %arg4[%add3A_88, %dma_start3A_462] : memref<98304x128xf32, #tpu.memory_space<hbm>> -> memref<128x128xf32, #tpu.memory_space<hbm>>
      tpu.enqueue_dma source(%arg8 : memref<128x128xf32, #tpu.memory_space<vmem>>) target(%dma_start3A_463 : memref<128x128xf32, #tpu.memory_space<hbm>>) target_semaphore(%run_scoped3A : memref<!tpu.dma_semaphore, #tpu.memory_space<semaphore_mem>>)
      %dma_wait3A_464 = arith.constant 0 : i32
      %dma_wait3A_465 = tpu.memref_slice %arg4[%add3A_88, %dma_wait3A_464] : memref<98304x128xf32, #tpu.memory_space<hbm>> -> memref<128x128xf32, #tpu.memory_space<hbm>>
      %dma_wait3A_466 = arith.constant 0 : i32
      %dma_wait3A_467 = tpu.memref_slice %arg4[%add3A_88, %dma_wait3A_466] : memref<98304x128xf32, #tpu.memory_space<hbm>> -> memref<128x128xf32, #tpu.memory_space<hbm>>
      tpu.wait_dma2 semaphore(%run_scoped3A : memref<!tpu.dma_semaphore, #tpu.memory_space<semaphore_mem>>) src(%arg8 : memref<128x128xf32, #tpu.memory_space<vmem>>) dst(%dma_wait3A_467 : memref<128x128xf32, #tpu.memory_space<hbm>>)
      tpu.yield
    }) : () -> ()
    %mul3A_89 = arith.constant 4096 : i32
    %mul3A_90 = arith.muli %select_n3A, %mul3A_89 : i32
    %add3A_91 = arith.constant 32768 : i32
    %add3A_92 = arith.addi %add3A_91, %mul3A_90 : i32
    %add3A_93 = arith.addi %add3A_92, %mul3A_32 : i32
    %add3A_94 = arith.constant 0 : i32
    %add3A_95 = arith.addi %add3A_93, %add3A_94 : i32
    "tpu.region"() ({
      %run_scoped3A = tpu.sem_alloc : memref<!tpu.dma_semaphore, #tpu.memory_space<semaphore_mem>>
      %dma_start3A_460 = arith.constant 0 : i32
      %dma_start3A_461 = tpu.memref_slice %arg4[%add3A_95, %dma_start3A_460] : memref<98304x128xf32, #tpu.memory_space<hbm>> -> memref<128x128xf32, #tpu.memory_space<hbm>>
      %dma_start3A_462 = arith.constant 0 : i32
      %dma_start3A_463 = tpu.memref_slice %arg4[%add3A_95, %dma_start3A_462] : memref<98304x128xf32, #tpu.memory_space<hbm>> -> memref<128x128xf32, #tpu.memory_space<hbm>>
      tpu.enqueue_dma source(%arg9 : memref<128x128xf32, #tpu.memory_space<vmem>>) target(%dma_start3A_463 : memref<128x128xf32, #tpu.memory_space<hbm>>) target_semaphore(%run_scoped3A : memref<!tpu.dma_semaphore, #tpu.memory_space<semaphore_mem>>)
      %dma_wait3A_464 = arith.constant 0 : i32
      %dma_wait3A_465 = tpu.memref_slice %arg4[%add3A_95, %dma_wait3A_464] : memref<98304x128xf32, #tpu.memory_space<hbm>> -> memref<128x128xf32, #tpu.memory_space<hbm>>
      %dma_wait3A_466 = arith.constant 0 : i32
      %dma_wait3A_467 = tpu.memref_slice %arg4[%add3A_95, %dma_wait3A_466] : memref<98304x128xf32, #tpu.memory_space<hbm>> -> memref<128x128xf32, #tpu.memory_space<hbm>>
      tpu.wait_dma2 semaphore(%run_scoped3A : memref<!tpu.dma_semaphore, #tpu.memory_space<semaphore_mem>>) src(%arg9 : memref<128x128xf32, #tpu.memory_space<vmem>>) dst(%dma_wait3A_467 : memref<128x128xf32, #tpu.memory_space<hbm>>)
      tpu.yield
    }) : () -> ()
    %mul3A_96 = arith.constant 4096 : i32
    %mul3A_97 = arith.muli %select_n3A, %mul3A_96 : i32
    %add3A_98 = arith.constant 65536 : i32
    %add3A_99 = arith.addi %add3A_98, %mul3A_97 : i32
    %add3A_100 = arith.addi %add3A_99, %mul3A_32 : i32
    %add3A_101 = arith.constant 0 : i32
    %add3A_102 = arith.addi %add3A_100, %add3A_101 : i32
    "tpu.region"() ({
      %run_scoped3A = tpu.sem_alloc : memref<!tpu.dma_semaphore, #tpu.memory_space<semaphore_mem>>
      %dma_start3A_460 = arith.constant 0 : i32
      %dma_start3A_461 = tpu.memref_slice %arg4[%add3A_102, %dma_start3A_460] : memref<98304x128xf32, #tpu.memory_space<hbm>> -> memref<128x128xf32, #tpu.memory_space<hbm>>
      %dma_start3A_462 = arith.constant 0 : i32
      %dma_start3A_463 = tpu.memref_slice %arg4[%add3A_102, %dma_start3A_462] : memref<98304x128xf32, #tpu.memory_space<hbm>> -> memref<128x128xf32, #tpu.memory_space<hbm>>
      tpu.enqueue_dma source(%arg10 : memref<128x128xf32, #tpu.memory_space<vmem>>) target(%dma_start3A_463 : memref<128x128xf32, #tpu.memory_space<hbm>>) target_semaphore(%run_scoped3A : memref<!tpu.dma_semaphore, #tpu.memory_space<semaphore_mem>>)
      %dma_wait3A_464 = arith.constant 0 : i32
      %dma_wait3A_465 = tpu.memref_slice %arg4[%add3A_102, %dma_wait3A_464] : memref<98304x128xf32, #tpu.memory_space<hbm>> -> memref<128x128xf32, #tpu.memory_space<hbm>>
      %dma_wait3A_466 = arith.constant 0 : i32
      %dma_wait3A_467 = tpu.memref_slice %arg4[%add3A_102, %dma_wait3A_466] : memref<98304x128xf32, #tpu.memory_space<hbm>> -> memref<128x128xf32, #tpu.memory_space<hbm>>
      tpu.wait_dma2 semaphore(%run_scoped3A : memref<!tpu.dma_semaphore, #tpu.memory_space<semaphore_mem>>) src(%arg10 : memref<128x128xf32, #tpu.memory_space<vmem>>) dst(%dma_wait3A_467 : memref<128x128xf32, #tpu.memory_space<hbm>>)
      tpu.yield
    }) : () -> ()
    %dma_start3A_103 = arith.constant 128 : i32
    %dma_start3A_104 = tpu.memref_slice %arg5[%dma_start3A_103] : memref<1024xi32, #tpu.memory_space<vmem>> -> memref<128xi32, #tpu.memory_space<vmem>>
    %dma_start3A_105 = arith.constant 0 : i32
    %dma_start3A_106 = arith.constant 0 : i32
    %dma_start3A_107 = tpu.memref_slice %arg2[%dma_start3A_105, %dma_start3A_106] : memref<8192x128xf32, #tpu.memory_space<hbm>> -> memref<8192x128xf32, #tpu.memory_space<hbm>>
    tpu.enqueue_indirect_dma source(%dma_start3A_107 : memref<8192x128xf32, #tpu.memory_space<hbm>>) target(%arg8 : memref<128x128xf32, #tpu.memory_space<vmem>>) offsets(%dma_start3A_104 : memref<128xi32, #tpu.memory_space<vmem>>) semaphore(%arg11 : memref<!tpu.dma_semaphore, #tpu.memory_space<semaphore_mem>>)
    %dma_start3A_108 = arith.constant 128 : i32
    %dma_start3A_109 = tpu.memref_slice %arg6[%dma_start3A_108] : memref<1024xi32, #tpu.memory_space<vmem>> -> memref<128xi32, #tpu.memory_space<vmem>>
    %dma_start3A_110 = arith.constant 0 : i32
    %dma_start3A_111 = arith.constant 0 : i32
    %dma_start3A_112 = tpu.memref_slice %arg2[%dma_start3A_110, %dma_start3A_111] : memref<8192x128xf32, #tpu.memory_space<hbm>> -> memref<8192x128xf32, #tpu.memory_space<hbm>>
    tpu.enqueue_indirect_dma source(%dma_start3A_112 : memref<8192x128xf32, #tpu.memory_space<hbm>>) target(%arg9 : memref<128x128xf32, #tpu.memory_space<vmem>>) offsets(%dma_start3A_109 : memref<128xi32, #tpu.memory_space<vmem>>) semaphore(%arg11 : memref<!tpu.dma_semaphore, #tpu.memory_space<semaphore_mem>>)
    %dma_start3A_113 = arith.constant 128 : i32
    %dma_start3A_114 = tpu.memref_slice %arg7[%dma_start3A_113] : memref<1024xi32, #tpu.memory_space<vmem>> -> memref<128xi32, #tpu.memory_space<vmem>>
    %dma_start3A_115 = arith.constant 0 : i32
    %dma_start3A_116 = arith.constant 0 : i32
    %dma_start3A_117 = tpu.memref_slice %arg2[%dma_start3A_115, %dma_start3A_116] : memref<8192x128xf32, #tpu.memory_space<hbm>> -> memref<8192x128xf32, #tpu.memory_space<hbm>>
    tpu.enqueue_indirect_dma source(%dma_start3A_117 : memref<8192x128xf32, #tpu.memory_space<hbm>>) target(%arg10 : memref<128x128xf32, #tpu.memory_space<vmem>>) offsets(%dma_start3A_114 : memref<128xi32, #tpu.memory_space<vmem>>) semaphore(%arg11 : memref<!tpu.dma_semaphore, #tpu.memory_space<semaphore_mem>>)
    %dma_wait3A_118 = arith.constant 128 : i32
    %dma_wait3A_119 = tpu.memref_slice %arg5[%dma_wait3A_118] : memref<1024xi32, #tpu.memory_space<vmem>> -> memref<128xi32, #tpu.memory_space<vmem>>
    %dma_wait3A_120 = arith.constant 0 : i32
    %dma_wait3A_121 = arith.constant 0 : i32
    %dma_wait3A_122 = tpu.memref_slice %arg2[%dma_wait3A_120, %dma_wait3A_121] : memref<8192x128xf32, #tpu.memory_space<hbm>> -> memref<8192x128xf32, #tpu.memory_space<hbm>>
    tpu.wait_indirect_dma semaphore(%arg11 : memref<!tpu.dma_semaphore, #tpu.memory_space<semaphore_mem>>) src(%dma_wait3A_122 : memref<8192x128xf32, #tpu.memory_space<hbm>>) dst(%arg8 : memref<128x128xf32, #tpu.memory_space<vmem>>)
    %dma_wait3A_123 = arith.constant 128 : i32
    %dma_wait3A_124 = tpu.memref_slice %arg6[%dma_wait3A_123] : memref<1024xi32, #tpu.memory_space<vmem>> -> memref<128xi32, #tpu.memory_space<vmem>>
    %dma_wait3A_125 = arith.constant 0 : i32
    %dma_wait3A_126 = arith.constant 0 : i32
    %dma_wait3A_127 = tpu.memref_slice %arg2[%dma_wait3A_125, %dma_wait3A_126] : memref<8192x128xf32, #tpu.memory_space<hbm>> -> memref<8192x128xf32, #tpu.memory_space<hbm>>
    tpu.wait_indirect_dma semaphore(%arg11 : memref<!tpu.dma_semaphore, #tpu.memory_space<semaphore_mem>>) src(%dma_wait3A_127 : memref<8192x128xf32, #tpu.memory_space<hbm>>) dst(%arg9 : memref<128x128xf32, #tpu.memory_space<vmem>>)
    %dma_wait3A_128 = arith.constant 128 : i32
    %dma_wait3A_129 = tpu.memref_slice %arg7[%dma_wait3A_128] : memref<1024xi32, #tpu.memory_space<vmem>> -> memref<128xi32, #tpu.memory_space<vmem>>
    %dma_wait3A_130 = arith.constant 0 : i32
    %dma_wait3A_131 = arith.constant 0 : i32
    %dma_wait3A_132 = tpu.memref_slice %arg2[%dma_wait3A_130, %dma_wait3A_131] : memref<8192x128xf32, #tpu.memory_space<hbm>> -> memref<8192x128xf32, #tpu.memory_space<hbm>>
    tpu.wait_indirect_dma semaphore(%arg11 : memref<!tpu.dma_semaphore, #tpu.memory_space<semaphore_mem>>) src(%dma_wait3A_132 : memref<8192x128xf32, #tpu.memory_space<hbm>>) dst(%arg10 : memref<128x128xf32, #tpu.memory_space<vmem>>)
    %mul3A_133 = arith.constant 4096 : i32
    %mul3A_134 = arith.muli %select_n3A, %mul3A_133 : i32
    %add3A_135 = arith.constant 0 : i32
    %add3A_136 = arith.addi %add3A_135, %mul3A_134 : i32
    %add3A_137 = arith.addi %add3A_136, %mul3A_32 : i32
    %add3A_138 = arith.constant 128 : i32
    %add3A_139 = arith.addi %add3A_137, %add3A_138 : i32
    "tpu.region"() ({
      %run_scoped3A = tpu.sem_alloc : memref<!tpu.dma_semaphore, #tpu.memory_space<semaphore_mem>>
      %dma_start3A_460 = arith.constant 0 : i32
      %dma_start3A_461 = tpu.memref_slice %arg4[%add3A_139, %dma_start3A_460] : memref<98304x128xf32, #tpu.memory_space<hbm>> -> memref<128x128xf32, #tpu.memory_space<hbm>>
      %dma_start3A_462 = arith.constant 0 : i32
      %dma_start3A_463 = tpu.memref_slice %arg4[%add3A_139, %dma_start3A_462] : memref<98304x128xf32, #tpu.memory_space<hbm>> -> memref<128x128xf32, #tpu.memory_space<hbm>>
      tpu.enqueue_dma source(%arg8 : memref<128x128xf32, #tpu.memory_space<vmem>>) target(%dma_start3A_463 : memref<128x128xf32, #tpu.memory_space<hbm>>) target_semaphore(%run_scoped3A : memref<!tpu.dma_semaphore, #tpu.memory_space<semaphore_mem>>)
      %dma_wait3A_464 = arith.constant 0 : i32
      %dma_wait3A_465 = tpu.memref_slice %arg4[%add3A_139, %dma_wait3A_464] : memref<98304x128xf32, #tpu.memory_space<hbm>> -> memref<128x128xf32, #tpu.memory_space<hbm>>
      %dma_wait3A_466 = arith.constant 0 : i32
      %dma_wait3A_467 = tpu.memref_slice %arg4[%add3A_139, %dma_wait3A_466] : memref<98304x128xf32, #tpu.memory_space<hbm>> -> memref<128x128xf32, #tpu.memory_space<hbm>>
      tpu.wait_dma2 semaphore(%run_scoped3A : memref<!tpu.dma_semaphore, #tpu.memory_space<semaphore_mem>>) src(%arg8 : memref<128x128xf32, #tpu.memory_space<vmem>>) dst(%dma_wait3A_467 : memref<128x128xf32, #tpu.memory_space<hbm>>)
      tpu.yield
    }) : () -> ()
    %mul3A_140 = arith.constant 4096 : i32
    %mul3A_141 = arith.muli %select_n3A, %mul3A_140 : i32
    %add3A_142 = arith.constant 32768 : i32
    %add3A_143 = arith.addi %add3A_142, %mul3A_141 : i32
    %add3A_144 = arith.addi %add3A_143, %mul3A_32 : i32
    %add3A_145 = arith.constant 128 : i32
    %add3A_146 = arith.addi %add3A_144, %add3A_145 : i32
    "tpu.region"() ({
      %run_scoped3A = tpu.sem_alloc : memref<!tpu.dma_semaphore, #tpu.memory_space<semaphore_mem>>
      %dma_start3A_460 = arith.constant 0 : i32
      %dma_start3A_461 = tpu.memref_slice %arg4[%add3A_146, %dma_start3A_460] : memref<98304x128xf32, #tpu.memory_space<hbm>> -> memref<128x128xf32, #tpu.memory_space<hbm>>
      %dma_start3A_462 = arith.constant 0 : i32
      %dma_start3A_463 = tpu.memref_slice %arg4[%add3A_146, %dma_start3A_462] : memref<98304x128xf32, #tpu.memory_space<hbm>> -> memref<128x128xf32, #tpu.memory_space<hbm>>
      tpu.enqueue_dma source(%arg9 : memref<128x128xf32, #tpu.memory_space<vmem>>) target(%dma_start3A_463 : memref<128x128xf32, #tpu.memory_space<hbm>>) target_semaphore(%run_scoped3A : memref<!tpu.dma_semaphore, #tpu.memory_space<semaphore_mem>>)
      %dma_wait3A_464 = arith.constant 0 : i32
      %dma_wait3A_465 = tpu.memref_slice %arg4[%add3A_146, %dma_wait3A_464] : memref<98304x128xf32, #tpu.memory_space<hbm>> -> memref<128x128xf32, #tpu.memory_space<hbm>>
      %dma_wait3A_466 = arith.constant 0 : i32
      %dma_wait3A_467 = tpu.memref_slice %arg4[%add3A_146, %dma_wait3A_466] : memref<98304x128xf32, #tpu.memory_space<hbm>> -> memref<128x128xf32, #tpu.memory_space<hbm>>
      tpu.wait_dma2 semaphore(%run_scoped3A : memref<!tpu.dma_semaphore, #tpu.memory_space<semaphore_mem>>) src(%arg9 : memref<128x128xf32, #tpu.memory_space<vmem>>) dst(%dma_wait3A_467 : memref<128x128xf32, #tpu.memory_space<hbm>>)
      tpu.yield
    }) : () -> ()
    %mul3A_147 = arith.constant 4096 : i32
    %mul3A_148 = arith.muli %select_n3A, %mul3A_147 : i32
    %add3A_149 = arith.constant 65536 : i32
    %add3A_150 = arith.addi %add3A_149, %mul3A_148 : i32
    %add3A_151 = arith.addi %add3A_150, %mul3A_32 : i32
    %add3A_152 = arith.constant 128 : i32
    %add3A_153 = arith.addi %add3A_151, %add3A_152 : i32
    "tpu.region"() ({
      %run_scoped3A = tpu.sem_alloc : memref<!tpu.dma_semaphore, #tpu.memory_space<semaphore_mem>>
      %dma_start3A_460 = arith.constant 0 : i32
      %dma_start3A_461 = tpu.memref_slice %arg4[%add3A_153, %dma_start3A_460] : memref<98304x128xf32, #tpu.memory_space<hbm>> -> memref<128x128xf32, #tpu.memory_space<hbm>>
      %dma_start3A_462 = arith.constant 0 : i32
      %dma_start3A_463 = tpu.memref_slice %arg4[%add3A_153, %dma_start3A_462] : memref<98304x128xf32, #tpu.memory_space<hbm>> -> memref<128x128xf32, #tpu.memory_space<hbm>>
      tpu.enqueue_dma source(%arg10 : memref<128x128xf32, #tpu.memory_space<vmem>>) target(%dma_start3A_463 : memref<128x128xf32, #tpu.memory_space<hbm>>) target_semaphore(%run_scoped3A : memref<!tpu.dma_semaphore, #tpu.memory_space<semaphore_mem>>)
      %dma_wait3A_464 = arith.constant 0 : i32
      %dma_wait3A_465 = tpu.memref_slice %arg4[%add3A_153, %dma_wait3A_464] : memref<98304x128xf32, #tpu.memory_space<hbm>> -> memref<128x128xf32, #tpu.memory_space<hbm>>
      %dma_wait3A_466 = arith.constant 0 : i32
      %dma_wait3A_467 = tpu.memref_slice %arg4[%add3A_153, %dma_wait3A_466] : memref<98304x128xf32, #tpu.memory_space<hbm>> -> memref<128x128xf32, #tpu.memory_space<hbm>>
      tpu.wait_dma2 semaphore(%run_scoped3A : memref<!tpu.dma_semaphore, #tpu.memory_space<semaphore_mem>>) src(%arg10 : memref<128x128xf32, #tpu.memory_space<vmem>>) dst(%dma_wait3A_467 : memref<128x128xf32, #tpu.memory_space<hbm>>)
      tpu.yield
    }) : () -> ()
    %dma_start3A_154 = arith.constant 256 : i32
    %dma_start3A_155 = tpu.memref_slice %arg5[%dma_start3A_154] : memref<1024xi32, #tpu.memory_space<vmem>> -> memref<128xi32, #tpu.memory_space<vmem>>
    %dma_start3A_156 = arith.constant 0 : i32
    %dma_start3A_157 = arith.constant 0 : i32
    %dma_start3A_158 = tpu.memref_slice %arg2[%dma_start3A_156, %dma_start3A_157] : memref<8192x128xf32, #tpu.memory_space<hbm>> -> memref<8192x128xf32, #tpu.memory_space<hbm>>
    tpu.enqueue_indirect_dma source(%dma_start3A_158 : memref<8192x128xf32, #tpu.memory_space<hbm>>) target(%arg8 : memref<128x128xf32, #tpu.memory_space<vmem>>) offsets(%dma_start3A_155 : memref<128xi32, #tpu.memory_space<vmem>>) semaphore(%arg11 : memref<!tpu.dma_semaphore, #tpu.memory_space<semaphore_mem>>)
    %dma_start3A_159 = arith.constant 256 : i32
    %dma_start3A_160 = tpu.memref_slice %arg6[%dma_start3A_159] : memref<1024xi32, #tpu.memory_space<vmem>> -> memref<128xi32, #tpu.memory_space<vmem>>
    %dma_start3A_161 = arith.constant 0 : i32
    %dma_start3A_162 = arith.constant 0 : i32
    %dma_start3A_163 = tpu.memref_slice %arg2[%dma_start3A_161, %dma_start3A_162] : memref<8192x128xf32, #tpu.memory_space<hbm>> -> memref<8192x128xf32, #tpu.memory_space<hbm>>
    tpu.enqueue_indirect_dma source(%dma_start3A_163 : memref<8192x128xf32, #tpu.memory_space<hbm>>) target(%arg9 : memref<128x128xf32, #tpu.memory_space<vmem>>) offsets(%dma_start3A_160 : memref<128xi32, #tpu.memory_space<vmem>>) semaphore(%arg11 : memref<!tpu.dma_semaphore, #tpu.memory_space<semaphore_mem>>)
    %dma_start3A_164 = arith.constant 256 : i32
    %dma_start3A_165 = tpu.memref_slice %arg7[%dma_start3A_164] : memref<1024xi32, #tpu.memory_space<vmem>> -> memref<128xi32, #tpu.memory_space<vmem>>
    %dma_start3A_166 = arith.constant 0 : i32
    %dma_start3A_167 = arith.constant 0 : i32
    %dma_start3A_168 = tpu.memref_slice %arg2[%dma_start3A_166, %dma_start3A_167] : memref<8192x128xf32, #tpu.memory_space<hbm>> -> memref<8192x128xf32, #tpu.memory_space<hbm>>
    tpu.enqueue_indirect_dma source(%dma_start3A_168 : memref<8192x128xf32, #tpu.memory_space<hbm>>) target(%arg10 : memref<128x128xf32, #tpu.memory_space<vmem>>) offsets(%dma_start3A_165 : memref<128xi32, #tpu.memory_space<vmem>>) semaphore(%arg11 : memref<!tpu.dma_semaphore, #tpu.memory_space<semaphore_mem>>)
    %dma_wait3A_169 = arith.constant 256 : i32
    %dma_wait3A_170 = tpu.memref_slice %arg5[%dma_wait3A_169] : memref<1024xi32, #tpu.memory_space<vmem>> -> memref<128xi32, #tpu.memory_space<vmem>>
    %dma_wait3A_171 = arith.constant 0 : i32
    %dma_wait3A_172 = arith.constant 0 : i32
    %dma_wait3A_173 = tpu.memref_slice %arg2[%dma_wait3A_171, %dma_wait3A_172] : memref<8192x128xf32, #tpu.memory_space<hbm>> -> memref<8192x128xf32, #tpu.memory_space<hbm>>
    tpu.wait_indirect_dma semaphore(%arg11 : memref<!tpu.dma_semaphore, #tpu.memory_space<semaphore_mem>>) src(%dma_wait3A_173 : memref<8192x128xf32, #tpu.memory_space<hbm>>) dst(%arg8 : memref<128x128xf32, #tpu.memory_space<vmem>>)
    %dma_wait3A_174 = arith.constant 256 : i32
    %dma_wait3A_175 = tpu.memref_slice %arg6[%dma_wait3A_174] : memref<1024xi32, #tpu.memory_space<vmem>> -> memref<128xi32, #tpu.memory_space<vmem>>
    %dma_wait3A_176 = arith.constant 0 : i32
    %dma_wait3A_177 = arith.constant 0 : i32
    %dma_wait3A_178 = tpu.memref_slice %arg2[%dma_wait3A_176, %dma_wait3A_177] : memref<8192x128xf32, #tpu.memory_space<hbm>> -> memref<8192x128xf32, #tpu.memory_space<hbm>>
    tpu.wait_indirect_dma semaphore(%arg11 : memref<!tpu.dma_semaphore, #tpu.memory_space<semaphore_mem>>) src(%dma_wait3A_178 : memref<8192x128xf32, #tpu.memory_space<hbm>>) dst(%arg9 : memref<128x128xf32, #tpu.memory_space<vmem>>)
    %dma_wait3A_179 = arith.constant 256 : i32
    %dma_wait3A_180 = tpu.memref_slice %arg7[%dma_wait3A_179] : memref<1024xi32, #tpu.memory_space<vmem>> -> memref<128xi32, #tpu.memory_space<vmem>>
    %dma_wait3A_181 = arith.constant 0 : i32
    %dma_wait3A_182 = arith.constant 0 : i32
    %dma_wait3A_183 = tpu.memref_slice %arg2[%dma_wait3A_181, %dma_wait3A_182] : memref<8192x128xf32, #tpu.memory_space<hbm>> -> memref<8192x128xf32, #tpu.memory_space<hbm>>
    tpu.wait_indirect_dma semaphore(%arg11 : memref<!tpu.dma_semaphore, #tpu.memory_space<semaphore_mem>>) src(%dma_wait3A_183 : memref<8192x128xf32, #tpu.memory_space<hbm>>) dst(%arg10 : memref<128x128xf32, #tpu.memory_space<vmem>>)
    %mul3A_184 = arith.constant 4096 : i32
    %mul3A_185 = arith.muli %select_n3A, %mul3A_184 : i32
    %add3A_186 = arith.constant 0 : i32
    %add3A_187 = arith.addi %add3A_186, %mul3A_185 : i32
    %add3A_188 = arith.addi %add3A_187, %mul3A_32 : i32
    %add3A_189 = arith.constant 256 : i32
    %add3A_190 = arith.addi %add3A_188, %add3A_189 : i32
    "tpu.region"() ({
      %run_scoped3A = tpu.sem_alloc : memref<!tpu.dma_semaphore, #tpu.memory_space<semaphore_mem>>
      %dma_start3A_460 = arith.constant 0 : i32
      %dma_start3A_461 = tpu.memref_slice %arg4[%add3A_190, %dma_start3A_460] : memref<98304x128xf32, #tpu.memory_space<hbm>> -> memref<128x128xf32, #tpu.memory_space<hbm>>
      %dma_start3A_462 = arith.constant 0 : i32
      %dma_start3A_463 = tpu.memref_slice %arg4[%add3A_190, %dma_start3A_462] : memref<98304x128xf32, #tpu.memory_space<hbm>> -> memref<128x128xf32, #tpu.memory_space<hbm>>
      tpu.enqueue_dma source(%arg8 : memref<128x128xf32, #tpu.memory_space<vmem>>) target(%dma_start3A_463 : memref<128x128xf32, #tpu.memory_space<hbm>>) target_semaphore(%run_scoped3A : memref<!tpu.dma_semaphore, #tpu.memory_space<semaphore_mem>>)
      %dma_wait3A_464 = arith.constant 0 : i32
      %dma_wait3A_465 = tpu.memref_slice %arg4[%add3A_190, %dma_wait3A_464] : memref<98304x128xf32, #tpu.memory_space<hbm>> -> memref<128x128xf32, #tpu.memory_space<hbm>>
      %dma_wait3A_466 = arith.constant 0 : i32
      %dma_wait3A_467 = tpu.memref_slice %arg4[%add3A_190, %dma_wait3A_466] : memref<98304x128xf32, #tpu.memory_space<hbm>> -> memref<128x128xf32, #tpu.memory_space<hbm>>
      tpu.wait_dma2 semaphore(%run_scoped3A : memref<!tpu.dma_semaphore, #tpu.memory_space<semaphore_mem>>) src(%arg8 : memref<128x128xf32, #tpu.memory_space<vmem>>) dst(%dma_wait3A_467 : memref<128x128xf32, #tpu.memory_space<hbm>>)
      tpu.yield
    }) : () -> ()
    %mul3A_191 = arith.constant 4096 : i32
    %mul3A_192 = arith.muli %select_n3A, %mul3A_191 : i32
    %add3A_193 = arith.constant 32768 : i32
    %add3A_194 = arith.addi %add3A_193, %mul3A_192 : i32
    %add3A_195 = arith.addi %add3A_194, %mul3A_32 : i32
    %add3A_196 = arith.constant 256 : i32
    %add3A_197 = arith.addi %add3A_195, %add3A_196 : i32
    "tpu.region"() ({
      %run_scoped3A = tpu.sem_alloc : memref<!tpu.dma_semaphore, #tpu.memory_space<semaphore_mem>>
      %dma_start3A_460 = arith.constant 0 : i32
      %dma_start3A_461 = tpu.memref_slice %arg4[%add3A_197, %dma_start3A_460] : memref<98304x128xf32, #tpu.memory_space<hbm>> -> memref<128x128xf32, #tpu.memory_space<hbm>>
      %dma_start3A_462 = arith.constant 0 : i32
      %dma_start3A_463 = tpu.memref_slice %arg4[%add3A_197, %dma_start3A_462] : memref<98304x128xf32, #tpu.memory_space<hbm>> -> memref<128x128xf32, #tpu.memory_space<hbm>>
      tpu.enqueue_dma source(%arg9 : memref<128x128xf32, #tpu.memory_space<vmem>>) target(%dma_start3A_463 : memref<128x128xf32, #tpu.memory_space<hbm>>) target_semaphore(%run_scoped3A : memref<!tpu.dma_semaphore, #tpu.memory_space<semaphore_mem>>)
      %dma_wait3A_464 = arith.constant 0 : i32
      %dma_wait3A_465 = tpu.memref_slice %arg4[%add3A_197, %dma_wait3A_464] : memref<98304x128xf32, #tpu.memory_space<hbm>> -> memref<128x128xf32, #tpu.memory_space<hbm>>
      %dma_wait3A_466 = arith.constant 0 : i32
      %dma_wait3A_467 = tpu.memref_slice %arg4[%add3A_197, %dma_wait3A_466] : memref<98304x128xf32, #tpu.memory_space<hbm>> -> memref<128x128xf32, #tpu.memory_space<hbm>>
      tpu.wait_dma2 semaphore(%run_scoped3A : memref<!tpu.dma_semaphore, #tpu.memory_space<semaphore_mem>>) src(%arg9 : memref<128x128xf32, #tpu.memory_space<vmem>>) dst(%dma_wait3A_467 : memref<128x128xf32, #tpu.memory_space<hbm>>)
      tpu.yield
    }) : () -> ()
    %mul3A_198 = arith.constant 4096 : i32
    %mul3A_199 = arith.muli %select_n3A, %mul3A_198 : i32
    %add3A_200 = arith.constant 65536 : i32
    %add3A_201 = arith.addi %add3A_200, %mul3A_199 : i32
    %add3A_202 = arith.addi %add3A_201, %mul3A_32 : i32
    %add3A_203 = arith.constant 256 : i32
    %add3A_204 = arith.addi %add3A_202, %add3A_203 : i32
    "tpu.region"() ({
      %run_scoped3A = tpu.sem_alloc : memref<!tpu.dma_semaphore, #tpu.memory_space<semaphore_mem>>
      %dma_start3A_460 = arith.constant 0 : i32
      %dma_start3A_461 = tpu.memref_slice %arg4[%add3A_204, %dma_start3A_460] : memref<98304x128xf32, #tpu.memory_space<hbm>> -> memref<128x128xf32, #tpu.memory_space<hbm>>
      %dma_start3A_462 = arith.constant 0 : i32
      %dma_start3A_463 = tpu.memref_slice %arg4[%add3A_204, %dma_start3A_462] : memref<98304x128xf32, #tpu.memory_space<hbm>> -> memref<128x128xf32, #tpu.memory_space<hbm>>
      tpu.enqueue_dma source(%arg10 : memref<128x128xf32, #tpu.memory_space<vmem>>) target(%dma_start3A_463 : memref<128x128xf32, #tpu.memory_space<hbm>>) target_semaphore(%run_scoped3A : memref<!tpu.dma_semaphore, #tpu.memory_space<semaphore_mem>>)
      %dma_wait3A_464 = arith.constant 0 : i32
      %dma_wait3A_465 = tpu.memref_slice %arg4[%add3A_204, %dma_wait3A_464] : memref<98304x128xf32, #tpu.memory_space<hbm>> -> memref<128x128xf32, #tpu.memory_space<hbm>>
      %dma_wait3A_466 = arith.constant 0 : i32
      %dma_wait3A_467 = tpu.memref_slice %arg4[%add3A_204, %dma_wait3A_466] : memref<98304x128xf32, #tpu.memory_space<hbm>> -> memref<128x128xf32, #tpu.memory_space<hbm>>
      tpu.wait_dma2 semaphore(%run_scoped3A : memref<!tpu.dma_semaphore, #tpu.memory_space<semaphore_mem>>) src(%arg10 : memref<128x128xf32, #tpu.memory_space<vmem>>) dst(%dma_wait3A_467 : memref<128x128xf32, #tpu.memory_space<hbm>>)
      tpu.yield
    }) : () -> ()
    %dma_start3A_205 = arith.constant 384 : i32
    %dma_start3A_206 = tpu.memref_slice %arg5[%dma_start3A_205] : memref<1024xi32, #tpu.memory_space<vmem>> -> memref<128xi32, #tpu.memory_space<vmem>>
    %dma_start3A_207 = arith.constant 0 : i32
    %dma_start3A_208 = arith.constant 0 : i32
    %dma_start3A_209 = tpu.memref_slice %arg2[%dma_start3A_207, %dma_start3A_208] : memref<8192x128xf32, #tpu.memory_space<hbm>> -> memref<8192x128xf32, #tpu.memory_space<hbm>>
    tpu.enqueue_indirect_dma source(%dma_start3A_209 : memref<8192x128xf32, #tpu.memory_space<hbm>>) target(%arg8 : memref<128x128xf32, #tpu.memory_space<vmem>>) offsets(%dma_start3A_206 : memref<128xi32, #tpu.memory_space<vmem>>) semaphore(%arg11 : memref<!tpu.dma_semaphore, #tpu.memory_space<semaphore_mem>>)
    %dma_start3A_210 = arith.constant 384 : i32
    %dma_start3A_211 = tpu.memref_slice %arg6[%dma_start3A_210] : memref<1024xi32, #tpu.memory_space<vmem>> -> memref<128xi32, #tpu.memory_space<vmem>>
    %dma_start3A_212 = arith.constant 0 : i32
    %dma_start3A_213 = arith.constant 0 : i32
    %dma_start3A_214 = tpu.memref_slice %arg2[%dma_start3A_212, %dma_start3A_213] : memref<8192x128xf32, #tpu.memory_space<hbm>> -> memref<8192x128xf32, #tpu.memory_space<hbm>>
    tpu.enqueue_indirect_dma source(%dma_start3A_214 : memref<8192x128xf32, #tpu.memory_space<hbm>>) target(%arg9 : memref<128x128xf32, #tpu.memory_space<vmem>>) offsets(%dma_start3A_211 : memref<128xi32, #tpu.memory_space<vmem>>) semaphore(%arg11 : memref<!tpu.dma_semaphore, #tpu.memory_space<semaphore_mem>>)
    %dma_start3A_215 = arith.constant 384 : i32
    %dma_start3A_216 = tpu.memref_slice %arg7[%dma_start3A_215] : memref<1024xi32, #tpu.memory_space<vmem>> -> memref<128xi32, #tpu.memory_space<vmem>>
    %dma_start3A_217 = arith.constant 0 : i32
    %dma_start3A_218 = arith.constant 0 : i32
    %dma_start3A_219 = tpu.memref_slice %arg2[%dma_start3A_217, %dma_start3A_218] : memref<8192x128xf32, #tpu.memory_space<hbm>> -> memref<8192x128xf32, #tpu.memory_space<hbm>>
    tpu.enqueue_indirect_dma source(%dma_start3A_219 : memref<8192x128xf32, #tpu.memory_space<hbm>>) target(%arg10 : memref<128x128xf32, #tpu.memory_space<vmem>>) offsets(%dma_start3A_216 : memref<128xi32, #tpu.memory_space<vmem>>) semaphore(%arg11 : memref<!tpu.dma_semaphore, #tpu.memory_space<semaphore_mem>>)
    %dma_wait3A_220 = arith.constant 384 : i32
    %dma_wait3A_221 = tpu.memref_slice %arg5[%dma_wait3A_220] : memref<1024xi32, #tpu.memory_space<vmem>> -> memref<128xi32, #tpu.memory_space<vmem>>
    %dma_wait3A_222 = arith.constant 0 : i32
    %dma_wait3A_223 = arith.constant 0 : i32
    %dma_wait3A_224 = tpu.memref_slice %arg2[%dma_wait3A_222, %dma_wait3A_223] : memref<8192x128xf32, #tpu.memory_space<hbm>> -> memref<8192x128xf32, #tpu.memory_space<hbm>>
    tpu.wait_indirect_dma semaphore(%arg11 : memref<!tpu.dma_semaphore, #tpu.memory_space<semaphore_mem>>) src(%dma_wait3A_224 : memref<8192x128xf32, #tpu.memory_space<hbm>>) dst(%arg8 : memref<128x128xf32, #tpu.memory_space<vmem>>)
    %dma_wait3A_225 = arith.constant 384 : i32
    %dma_wait3A_226 = tpu.memref_slice %arg6[%dma_wait3A_225] : memref<1024xi32, #tpu.memory_space<vmem>> -> memref<128xi32, #tpu.memory_space<vmem>>
    %dma_wait3A_227 = arith.constant 0 : i32
    %dma_wait3A_228 = arith.constant 0 : i32
    %dma_wait3A_229 = tpu.memref_slice %arg2[%dma_wait3A_227, %dma_wait3A_228] : memref<8192x128xf32, #tpu.memory_space<hbm>> -> memref<8192x128xf32, #tpu.memory_space<hbm>>
    tpu.wait_indirect_dma semaphore(%arg11 : memref<!tpu.dma_semaphore, #tpu.memory_space<semaphore_mem>>) src(%dma_wait3A_229 : memref<8192x128xf32, #tpu.memory_space<hbm>>) dst(%arg9 : memref<128x128xf32, #tpu.memory_space<vmem>>)
    %dma_wait3A_230 = arith.constant 384 : i32
    %dma_wait3A_231 = tpu.memref_slice %arg7[%dma_wait3A_230] : memref<1024xi32, #tpu.memory_space<vmem>> -> memref<128xi32, #tpu.memory_space<vmem>>
    %dma_wait3A_232 = arith.constant 0 : i32
    %dma_wait3A_233 = arith.constant 0 : i32
    %dma_wait3A_234 = tpu.memref_slice %arg2[%dma_wait3A_232, %dma_wait3A_233] : memref<8192x128xf32, #tpu.memory_space<hbm>> -> memref<8192x128xf32, #tpu.memory_space<hbm>>
    tpu.wait_indirect_dma semaphore(%arg11 : memref<!tpu.dma_semaphore, #tpu.memory_space<semaphore_mem>>) src(%dma_wait3A_234 : memref<8192x128xf32, #tpu.memory_space<hbm>>) dst(%arg10 : memref<128x128xf32, #tpu.memory_space<vmem>>)
    %mul3A_235 = arith.constant 4096 : i32
    %mul3A_236 = arith.muli %select_n3A, %mul3A_235 : i32
    %add3A_237 = arith.constant 0 : i32
    %add3A_238 = arith.addi %add3A_237, %mul3A_236 : i32
    %add3A_239 = arith.addi %add3A_238, %mul3A_32 : i32
    %add3A_240 = arith.constant 384 : i32
    %add3A_241 = arith.addi %add3A_239, %add3A_240 : i32
    "tpu.region"() ({
      %run_scoped3A = tpu.sem_alloc : memref<!tpu.dma_semaphore, #tpu.memory_space<semaphore_mem>>
      %dma_start3A_460 = arith.constant 0 : i32
      %dma_start3A_461 = tpu.memref_slice %arg4[%add3A_241, %dma_start3A_460] : memref<98304x128xf32, #tpu.memory_space<hbm>> -> memref<128x128xf32, #tpu.memory_space<hbm>>
      %dma_start3A_462 = arith.constant 0 : i32
      %dma_start3A_463 = tpu.memref_slice %arg4[%add3A_241, %dma_start3A_462] : memref<98304x128xf32, #tpu.memory_space<hbm>> -> memref<128x128xf32, #tpu.memory_space<hbm>>
      tpu.enqueue_dma source(%arg8 : memref<128x128xf32, #tpu.memory_space<vmem>>) target(%dma_start3A_463 : memref<128x128xf32, #tpu.memory_space<hbm>>) target_semaphore(%run_scoped3A : memref<!tpu.dma_semaphore, #tpu.memory_space<semaphore_mem>>)
      %dma_wait3A_464 = arith.constant 0 : i32
      %dma_wait3A_465 = tpu.memref_slice %arg4[%add3A_241, %dma_wait3A_464] : memref<98304x128xf32, #tpu.memory_space<hbm>> -> memref<128x128xf32, #tpu.memory_space<hbm>>
      %dma_wait3A_466 = arith.constant 0 : i32
      %dma_wait3A_467 = tpu.memref_slice %arg4[%add3A_241, %dma_wait3A_466] : memref<98304x128xf32, #tpu.memory_space<hbm>> -> memref<128x128xf32, #tpu.memory_space<hbm>>
      tpu.wait_dma2 semaphore(%run_scoped3A : memref<!tpu.dma_semaphore, #tpu.memory_space<semaphore_mem>>) src(%arg8 : memref<128x128xf32, #tpu.memory_space<vmem>>) dst(%dma_wait3A_467 : memref<128x128xf32, #tpu.memory_space<hbm>>)
      tpu.yield
    }) : () -> ()
    %mul3A_242 = arith.constant 4096 : i32
    %mul3A_243 = arith.muli %select_n3A, %mul3A_242 : i32
    %add3A_244 = arith.constant 32768 : i32
    %add3A_245 = arith.addi %add3A_244, %mul3A_243 : i32
    %add3A_246 = arith.addi %add3A_245, %mul3A_32 : i32
    %add3A_247 = arith.constant 384 : i32
    %add3A_248 = arith.addi %add3A_246, %add3A_247 : i32
    "tpu.region"() ({
      %run_scoped3A = tpu.sem_alloc : memref<!tpu.dma_semaphore, #tpu.memory_space<semaphore_mem>>
      %dma_start3A_460 = arith.constant 0 : i32
      %dma_start3A_461 = tpu.memref_slice %arg4[%add3A_248, %dma_start3A_460] : memref<98304x128xf32, #tpu.memory_space<hbm>> -> memref<128x128xf32, #tpu.memory_space<hbm>>
      %dma_start3A_462 = arith.constant 0 : i32
      %dma_start3A_463 = tpu.memref_slice %arg4[%add3A_248, %dma_start3A_462] : memref<98304x128xf32, #tpu.memory_space<hbm>> -> memref<128x128xf32, #tpu.memory_space<hbm>>
      tpu.enqueue_dma source(%arg9 : memref<128x128xf32, #tpu.memory_space<vmem>>) target(%dma_start3A_463 : memref<128x128xf32, #tpu.memory_space<hbm>>) target_semaphore(%run_scoped3A : memref<!tpu.dma_semaphore, #tpu.memory_space<semaphore_mem>>)
      %dma_wait3A_464 = arith.constant 0 : i32
      %dma_wait3A_465 = tpu.memref_slice %arg4[%add3A_248, %dma_wait3A_464] : memref<98304x128xf32, #tpu.memory_space<hbm>> -> memref<128x128xf32, #tpu.memory_space<hbm>>
      %dma_wait3A_466 = arith.constant 0 : i32
      %dma_wait3A_467 = tpu.memref_slice %arg4[%add3A_248, %dma_wait3A_466] : memref<98304x128xf32, #tpu.memory_space<hbm>> -> memref<128x128xf32, #tpu.memory_space<hbm>>
      tpu.wait_dma2 semaphore(%run_scoped3A : memref<!tpu.dma_semaphore, #tpu.memory_space<semaphore_mem>>) src(%arg9 : memref<128x128xf32, #tpu.memory_space<vmem>>) dst(%dma_wait3A_467 : memref<128x128xf32, #tpu.memory_space<hbm>>)
      tpu.yield
    }) : () -> ()
    %mul3A_249 = arith.constant 4096 : i32
    %mul3A_250 = arith.muli %select_n3A, %mul3A_249 : i32
    %add3A_251 = arith.constant 65536 : i32
    %add3A_252 = arith.addi %add3A_251, %mul3A_250 : i32
    %add3A_253 = arith.addi %add3A_252, %mul3A_32 : i32
    %add3A_254 = arith.constant 384 : i32
    %add3A_255 = arith.addi %add3A_253, %add3A_254 : i32
    "tpu.region"() ({
      %run_scoped3A = tpu.sem_alloc : memref<!tpu.dma_semaphore, #tpu.memory_space<semaphore_mem>>
      %dma_start3A_460 = arith.constant 0 : i32
      %dma_start3A_461 = tpu.memref_slice %arg4[%add3A_255, %dma_start3A_460] : memref<98304x128xf32, #tpu.memory_space<hbm>> -> memref<128x128xf32, #tpu.memory_space<hbm>>
      %dma_start3A_462 = arith.constant 0 : i32
      %dma_start3A_463 = tpu.memref_slice %arg4[%add3A_255, %dma_start3A_462] : memref<98304x128xf32, #tpu.memory_space<hbm>> -> memref<128x128xf32, #tpu.memory_space<hbm>>
      tpu.enqueue_dma source(%arg10 : memref<128x128xf32, #tpu.memory_space<vmem>>) target(%dma_start3A_463 : memref<128x128xf32, #tpu.memory_space<hbm>>) target_semaphore(%run_scoped3A : memref<!tpu.dma_semaphore, #tpu.memory_space<semaphore_mem>>)
      %dma_wait3A_464 = arith.constant 0 : i32
      %dma_wait3A_465 = tpu.memref_slice %arg4[%add3A_255, %dma_wait3A_464] : memref<98304x128xf32, #tpu.memory_space<hbm>> -> memref<128x128xf32, #tpu.memory_space<hbm>>
      %dma_wait3A_466 = arith.constant 0 : i32
      %dma_wait3A_467 = tpu.memref_slice %arg4[%add3A_255, %dma_wait3A_466] : memref<98304x128xf32, #tpu.memory_space<hbm>> -> memref<128x128xf32, #tpu.memory_space<hbm>>
      tpu.wait_dma2 semaphore(%run_scoped3A : memref<!tpu.dma_semaphore, #tpu.memory_space<semaphore_mem>>) src(%arg10 : memref<128x128xf32, #tpu.memory_space<vmem>>) dst(%dma_wait3A_467 : memref<128x128xf32, #tpu.memory_space<hbm>>)
      tpu.yield
    }) : () -> ()
    %dma_start3A_256 = arith.constant 512 : i32
    %dma_start3A_257 = tpu.memref_slice %arg5[%dma_start3A_256] : memref<1024xi32, #tpu.memory_space<vmem>> -> memref<128xi32, #tpu.memory_space<vmem>>
    %dma_start3A_258 = arith.constant 0 : i32
    %dma_start3A_259 = arith.constant 0 : i32
    %dma_start3A_260 = tpu.memref_slice %arg2[%dma_start3A_258, %dma_start3A_259] : memref<8192x128xf32, #tpu.memory_space<hbm>> -> memref<8192x128xf32, #tpu.memory_space<hbm>>
    tpu.enqueue_indirect_dma source(%dma_start3A_260 : memref<8192x128xf32, #tpu.memory_space<hbm>>) target(%arg8 : memref<128x128xf32, #tpu.memory_space<vmem>>) offsets(%dma_start3A_257 : memref<128xi32, #tpu.memory_space<vmem>>) semaphore(%arg11 : memref<!tpu.dma_semaphore, #tpu.memory_space<semaphore_mem>>)
    %dma_start3A_261 = arith.constant 512 : i32
    %dma_start3A_262 = tpu.memref_slice %arg6[%dma_start3A_261] : memref<1024xi32, #tpu.memory_space<vmem>> -> memref<128xi32, #tpu.memory_space<vmem>>
    %dma_start3A_263 = arith.constant 0 : i32
    %dma_start3A_264 = arith.constant 0 : i32
    %dma_start3A_265 = tpu.memref_slice %arg2[%dma_start3A_263, %dma_start3A_264] : memref<8192x128xf32, #tpu.memory_space<hbm>> -> memref<8192x128xf32, #tpu.memory_space<hbm>>
    tpu.enqueue_indirect_dma source(%dma_start3A_265 : memref<8192x128xf32, #tpu.memory_space<hbm>>) target(%arg9 : memref<128x128xf32, #tpu.memory_space<vmem>>) offsets(%dma_start3A_262 : memref<128xi32, #tpu.memory_space<vmem>>) semaphore(%arg11 : memref<!tpu.dma_semaphore, #tpu.memory_space<semaphore_mem>>)
    %dma_start3A_266 = arith.constant 512 : i32
    %dma_start3A_267 = tpu.memref_slice %arg7[%dma_start3A_266] : memref<1024xi32, #tpu.memory_space<vmem>> -> memref<128xi32, #tpu.memory_space<vmem>>
    %dma_start3A_268 = arith.constant 0 : i32
    %dma_start3A_269 = arith.constant 0 : i32
    %dma_start3A_270 = tpu.memref_slice %arg2[%dma_start3A_268, %dma_start3A_269] : memref<8192x128xf32, #tpu.memory_space<hbm>> -> memref<8192x128xf32, #tpu.memory_space<hbm>>
    tpu.enqueue_indirect_dma source(%dma_start3A_270 : memref<8192x128xf32, #tpu.memory_space<hbm>>) target(%arg10 : memref<128x128xf32, #tpu.memory_space<vmem>>) offsets(%dma_start3A_267 : memref<128xi32, #tpu.memory_space<vmem>>) semaphore(%arg11 : memref<!tpu.dma_semaphore, #tpu.memory_space<semaphore_mem>>)
    %dma_wait3A_271 = arith.constant 512 : i32
    %dma_wait3A_272 = tpu.memref_slice %arg5[%dma_wait3A_271] : memref<1024xi32, #tpu.memory_space<vmem>> -> memref<128xi32, #tpu.memory_space<vmem>>
    %dma_wait3A_273 = arith.constant 0 : i32
    %dma_wait3A_274 = arith.constant 0 : i32
    %dma_wait3A_275 = tpu.memref_slice %arg2[%dma_wait3A_273, %dma_wait3A_274] : memref<8192x128xf32, #tpu.memory_space<hbm>> -> memref<8192x128xf32, #tpu.memory_space<hbm>>
    tpu.wait_indirect_dma semaphore(%arg11 : memref<!tpu.dma_semaphore, #tpu.memory_space<semaphore_mem>>) src(%dma_wait3A_275 : memref<8192x128xf32, #tpu.memory_space<hbm>>) dst(%arg8 : memref<128x128xf32, #tpu.memory_space<vmem>>)
    %dma_wait3A_276 = arith.constant 512 : i32
    %dma_wait3A_277 = tpu.memref_slice %arg6[%dma_wait3A_276] : memref<1024xi32, #tpu.memory_space<vmem>> -> memref<128xi32, #tpu.memory_space<vmem>>
    %dma_wait3A_278 = arith.constant 0 : i32
    %dma_wait3A_279 = arith.constant 0 : i32
    %dma_wait3A_280 = tpu.memref_slice %arg2[%dma_wait3A_278, %dma_wait3A_279] : memref<8192x128xf32, #tpu.memory_space<hbm>> -> memref<8192x128xf32, #tpu.memory_space<hbm>>
    tpu.wait_indirect_dma semaphore(%arg11 : memref<!tpu.dma_semaphore, #tpu.memory_space<semaphore_mem>>) src(%dma_wait3A_280 : memref<8192x128xf32, #tpu.memory_space<hbm>>) dst(%arg9 : memref<128x128xf32, #tpu.memory_space<vmem>>)
    %dma_wait3A_281 = arith.constant 512 : i32
    %dma_wait3A_282 = tpu.memref_slice %arg7[%dma_wait3A_281] : memref<1024xi32, #tpu.memory_space<vmem>> -> memref<128xi32, #tpu.memory_space<vmem>>
    %dma_wait3A_283 = arith.constant 0 : i32
    %dma_wait3A_284 = arith.constant 0 : i32
    %dma_wait3A_285 = tpu.memref_slice %arg2[%dma_wait3A_283, %dma_wait3A_284] : memref<8192x128xf32, #tpu.memory_space<hbm>> -> memref<8192x128xf32, #tpu.memory_space<hbm>>
    tpu.wait_indirect_dma semaphore(%arg11 : memref<!tpu.dma_semaphore, #tpu.memory_space<semaphore_mem>>) src(%dma_wait3A_285 : memref<8192x128xf32, #tpu.memory_space<hbm>>) dst(%arg10 : memref<128x128xf32, #tpu.memory_space<vmem>>)
    %mul3A_286 = arith.constant 4096 : i32
    %mul3A_287 = arith.muli %select_n3A, %mul3A_286 : i32
    %add3A_288 = arith.constant 0 : i32
    %add3A_289 = arith.addi %add3A_288, %mul3A_287 : i32
    %add3A_290 = arith.addi %add3A_289, %mul3A_32 : i32
    %add3A_291 = arith.constant 512 : i32
    %add3A_292 = arith.addi %add3A_290, %add3A_291 : i32
    "tpu.region"() ({
      %run_scoped3A = tpu.sem_alloc : memref<!tpu.dma_semaphore, #tpu.memory_space<semaphore_mem>>
      %dma_start3A_460 = arith.constant 0 : i32
      %dma_start3A_461 = tpu.memref_slice %arg4[%add3A_292, %dma_start3A_460] : memref<98304x128xf32, #tpu.memory_space<hbm>> -> memref<128x128xf32, #tpu.memory_space<hbm>>
      %dma_start3A_462 = arith.constant 0 : i32
      %dma_start3A_463 = tpu.memref_slice %arg4[%add3A_292, %dma_start3A_462] : memref<98304x128xf32, #tpu.memory_space<hbm>> -> memref<128x128xf32, #tpu.memory_space<hbm>>
      tpu.enqueue_dma source(%arg8 : memref<128x128xf32, #tpu.memory_space<vmem>>) target(%dma_start3A_463 : memref<128x128xf32, #tpu.memory_space<hbm>>) target_semaphore(%run_scoped3A : memref<!tpu.dma_semaphore, #tpu.memory_space<semaphore_mem>>)
      %dma_wait3A_464 = arith.constant 0 : i32
      %dma_wait3A_465 = tpu.memref_slice %arg4[%add3A_292, %dma_wait3A_464] : memref<98304x128xf32, #tpu.memory_space<hbm>> -> memref<128x128xf32, #tpu.memory_space<hbm>>
      %dma_wait3A_466 = arith.constant 0 : i32
      %dma_wait3A_467 = tpu.memref_slice %arg4[%add3A_292, %dma_wait3A_466] : memref<98304x128xf32, #tpu.memory_space<hbm>> -> memref<128x128xf32, #tpu.memory_space<hbm>>
      tpu.wait_dma2 semaphore(%run_scoped3A : memref<!tpu.dma_semaphore, #tpu.memory_space<semaphore_mem>>) src(%arg8 : memref<128x128xf32, #tpu.memory_space<vmem>>) dst(%dma_wait3A_467 : memref<128x128xf32, #tpu.memory_space<hbm>>)
      tpu.yield
    }) : () -> ()
    %mul3A_293 = arith.constant 4096 : i32
    %mul3A_294 = arith.muli %select_n3A, %mul3A_293 : i32
    %add3A_295 = arith.constant 32768 : i32
    %add3A_296 = arith.addi %add3A_295, %mul3A_294 : i32
    %add3A_297 = arith.addi %add3A_296, %mul3A_32 : i32
    %add3A_298 = arith.constant 512 : i32
    %add3A_299 = arith.addi %add3A_297, %add3A_298 : i32
    "tpu.region"() ({
      %run_scoped3A = tpu.sem_alloc : memref<!tpu.dma_semaphore, #tpu.memory_space<semaphore_mem>>
      %dma_start3A_460 = arith.constant 0 : i32
      %dma_start3A_461 = tpu.memref_slice %arg4[%add3A_299, %dma_start3A_460] : memref<98304x128xf32, #tpu.memory_space<hbm>> -> memref<128x128xf32, #tpu.memory_space<hbm>>
      %dma_start3A_462 = arith.constant 0 : i32
      %dma_start3A_463 = tpu.memref_slice %arg4[%add3A_299, %dma_start3A_462] : memref<98304x128xf32, #tpu.memory_space<hbm>> -> memref<128x128xf32, #tpu.memory_space<hbm>>
      tpu.enqueue_dma source(%arg9 : memref<128x128xf32, #tpu.memory_space<vmem>>) target(%dma_start3A_463 : memref<128x128xf32, #tpu.memory_space<hbm>>) target_semaphore(%run_scoped3A : memref<!tpu.dma_semaphore, #tpu.memory_space<semaphore_mem>>)
      %dma_wait3A_464 = arith.constant 0 : i32
      %dma_wait3A_465 = tpu.memref_slice %arg4[%add3A_299, %dma_wait3A_464] : memref<98304x128xf32, #tpu.memory_space<hbm>> -> memref<128x128xf32, #tpu.memory_space<hbm>>
      %dma_wait3A_466 = arith.constant 0 : i32
      %dma_wait3A_467 = tpu.memref_slice %arg4[%add3A_299, %dma_wait3A_466] : memref<98304x128xf32, #tpu.memory_space<hbm>> -> memref<128x128xf32, #tpu.memory_space<hbm>>
      tpu.wait_dma2 semaphore(%run_scoped3A : memref<!tpu.dma_semaphore, #tpu.memory_space<semaphore_mem>>) src(%arg9 : memref<128x128xf32, #tpu.memory_space<vmem>>) dst(%dma_wait3A_467 : memref<128x128xf32, #tpu.memory_space<hbm>>)
      tpu.yield
    }) : () -> ()
    %mul3A_300 = arith.constant 4096 : i32
    %mul3A_301 = arith.muli %select_n3A, %mul3A_300 : i32
    %add3A_302 = arith.constant 65536 : i32
    %add3A_303 = arith.addi %add3A_302, %mul3A_301 : i32
    %add3A_304 = arith.addi %add3A_303, %mul3A_32 : i32
    %add3A_305 = arith.constant 512 : i32
    %add3A_306 = arith.addi %add3A_304, %add3A_305 : i32
    "tpu.region"() ({
      %run_scoped3A = tpu.sem_alloc : memref<!tpu.dma_semaphore, #tpu.memory_space<semaphore_mem>>
      %dma_start3A_460 = arith.constant 0 : i32
      %dma_start3A_461 = tpu.memref_slice %arg4[%add3A_306, %dma_start3A_460] : memref<98304x128xf32, #tpu.memory_space<hbm>> -> memref<128x128xf32, #tpu.memory_space<hbm>>
      %dma_start3A_462 = arith.constant 0 : i32
      %dma_start3A_463 = tpu.memref_slice %arg4[%add3A_306, %dma_start3A_462] : memref<98304x128xf32, #tpu.memory_space<hbm>> -> memref<128x128xf32, #tpu.memory_space<hbm>>
      tpu.enqueue_dma source(%arg10 : memref<128x128xf32, #tpu.memory_space<vmem>>) target(%dma_start3A_463 : memref<128x128xf32, #tpu.memory_space<hbm>>) target_semaphore(%run_scoped3A : memref<!tpu.dma_semaphore, #tpu.memory_space<semaphore_mem>>)
      %dma_wait3A_464 = arith.constant 0 : i32
      %dma_wait3A_465 = tpu.memref_slice %arg4[%add3A_306, %dma_wait3A_464] : memref<98304x128xf32, #tpu.memory_space<hbm>> -> memref<128x128xf32, #tpu.memory_space<hbm>>
      %dma_wait3A_466 = arith.constant 0 : i32
      %dma_wait3A_467 = tpu.memref_slice %arg4[%add3A_306, %dma_wait3A_466] : memref<98304x128xf32, #tpu.memory_space<hbm>> -> memref<128x128xf32, #tpu.memory_space<hbm>>
      tpu.wait_dma2 semaphore(%run_scoped3A : memref<!tpu.dma_semaphore, #tpu.memory_space<semaphore_mem>>) src(%arg10 : memref<128x128xf32, #tpu.memory_space<vmem>>) dst(%dma_wait3A_467 : memref<128x128xf32, #tpu.memory_space<hbm>>)
      tpu.yield
    }) : () -> ()
    %dma_start3A_307 = arith.constant 640 : i32
    %dma_start3A_308 = tpu.memref_slice %arg5[%dma_start3A_307] : memref<1024xi32, #tpu.memory_space<vmem>> -> memref<128xi32, #tpu.memory_space<vmem>>
    %dma_start3A_309 = arith.constant 0 : i32
    %dma_start3A_310 = arith.constant 0 : i32
    %dma_start3A_311 = tpu.memref_slice %arg2[%dma_start3A_309, %dma_start3A_310] : memref<8192x128xf32, #tpu.memory_space<hbm>> -> memref<8192x128xf32, #tpu.memory_space<hbm>>
    tpu.enqueue_indirect_dma source(%dma_start3A_311 : memref<8192x128xf32, #tpu.memory_space<hbm>>) target(%arg8 : memref<128x128xf32, #tpu.memory_space<vmem>>) offsets(%dma_start3A_308 : memref<128xi32, #tpu.memory_space<vmem>>) semaphore(%arg11 : memref<!tpu.dma_semaphore, #tpu.memory_space<semaphore_mem>>)
    %dma_start3A_312 = arith.constant 640 : i32
    %dma_start3A_313 = tpu.memref_slice %arg6[%dma_start3A_312] : memref<1024xi32, #tpu.memory_space<vmem>> -> memref<128xi32, #tpu.memory_space<vmem>>
    %dma_start3A_314 = arith.constant 0 : i32
    %dma_start3A_315 = arith.constant 0 : i32
    %dma_start3A_316 = tpu.memref_slice %arg2[%dma_start3A_314, %dma_start3A_315] : memref<8192x128xf32, #tpu.memory_space<hbm>> -> memref<8192x128xf32, #tpu.memory_space<hbm>>
    tpu.enqueue_indirect_dma source(%dma_start3A_316 : memref<8192x128xf32, #tpu.memory_space<hbm>>) target(%arg9 : memref<128x128xf32, #tpu.memory_space<vmem>>) offsets(%dma_start3A_313 : memref<128xi32, #tpu.memory_space<vmem>>) semaphore(%arg11 : memref<!tpu.dma_semaphore, #tpu.memory_space<semaphore_mem>>)
    %dma_start3A_317 = arith.constant 640 : i32
    %dma_start3A_318 = tpu.memref_slice %arg7[%dma_start3A_317] : memref<1024xi32, #tpu.memory_space<vmem>> -> memref<128xi32, #tpu.memory_space<vmem>>
    %dma_start3A_319 = arith.constant 0 : i32
    %dma_start3A_320 = arith.constant 0 : i32
    %dma_start3A_321 = tpu.memref_slice %arg2[%dma_start3A_319, %dma_start3A_320] : memref<8192x128xf32, #tpu.memory_space<hbm>> -> memref<8192x128xf32, #tpu.memory_space<hbm>>
    tpu.enqueue_indirect_dma source(%dma_start3A_321 : memref<8192x128xf32, #tpu.memory_space<hbm>>) target(%arg10 : memref<128x128xf32, #tpu.memory_space<vmem>>) offsets(%dma_start3A_318 : memref<128xi32, #tpu.memory_space<vmem>>) semaphore(%arg11 : memref<!tpu.dma_semaphore, #tpu.memory_space<semaphore_mem>>)
    %dma_wait3A_322 = arith.constant 640 : i32
    %dma_wait3A_323 = tpu.memref_slice %arg5[%dma_wait3A_322] : memref<1024xi32, #tpu.memory_space<vmem>> -> memref<128xi32, #tpu.memory_space<vmem>>
    %dma_wait3A_324 = arith.constant 0 : i32
    %dma_wait3A_325 = arith.constant 0 : i32
    %dma_wait3A_326 = tpu.memref_slice %arg2[%dma_wait3A_324, %dma_wait3A_325] : memref<8192x128xf32, #tpu.memory_space<hbm>> -> memref<8192x128xf32, #tpu.memory_space<hbm>>
    tpu.wait_indirect_dma semaphore(%arg11 : memref<!tpu.dma_semaphore, #tpu.memory_space<semaphore_mem>>) src(%dma_wait3A_326 : memref<8192x128xf32, #tpu.memory_space<hbm>>) dst(%arg8 : memref<128x128xf32, #tpu.memory_space<vmem>>)
    %dma_wait3A_327 = arith.constant 640 : i32
    %dma_wait3A_328 = tpu.memref_slice %arg6[%dma_wait3A_327] : memref<1024xi32, #tpu.memory_space<vmem>> -> memref<128xi32, #tpu.memory_space<vmem>>
    %dma_wait3A_329 = arith.constant 0 : i32
    %dma_wait3A_330 = arith.constant 0 : i32
    %dma_wait3A_331 = tpu.memref_slice %arg2[%dma_wait3A_329, %dma_wait3A_330] : memref<8192x128xf32, #tpu.memory_space<hbm>> -> memref<8192x128xf32, #tpu.memory_space<hbm>>
    tpu.wait_indirect_dma semaphore(%arg11 : memref<!tpu.dma_semaphore, #tpu.memory_space<semaphore_mem>>) src(%dma_wait3A_331 : memref<8192x128xf32, #tpu.memory_space<hbm>>) dst(%arg9 : memref<128x128xf32, #tpu.memory_space<vmem>>)
    %dma_wait3A_332 = arith.constant 640 : i32
    %dma_wait3A_333 = tpu.memref_slice %arg7[%dma_wait3A_332] : memref<1024xi32, #tpu.memory_space<vmem>> -> memref<128xi32, #tpu.memory_space<vmem>>
    %dma_wait3A_334 = arith.constant 0 : i32
    %dma_wait3A_335 = arith.constant 0 : i32
    %dma_wait3A_336 = tpu.memref_slice %arg2[%dma_wait3A_334, %dma_wait3A_335] : memref<8192x128xf32, #tpu.memory_space<hbm>> -> memref<8192x128xf32, #tpu.memory_space<hbm>>
    tpu.wait_indirect_dma semaphore(%arg11 : memref<!tpu.dma_semaphore, #tpu.memory_space<semaphore_mem>>) src(%dma_wait3A_336 : memref<8192x128xf32, #tpu.memory_space<hbm>>) dst(%arg10 : memref<128x128xf32, #tpu.memory_space<vmem>>)
    %mul3A_337 = arith.constant 4096 : i32
    %mul3A_338 = arith.muli %select_n3A, %mul3A_337 : i32
    %add3A_339 = arith.constant 0 : i32
    %add3A_340 = arith.addi %add3A_339, %mul3A_338 : i32
    %add3A_341 = arith.addi %add3A_340, %mul3A_32 : i32
    %add3A_342 = arith.constant 640 : i32
    %add3A_343 = arith.addi %add3A_341, %add3A_342 : i32
    "tpu.region"() ({
      %run_scoped3A = tpu.sem_alloc : memref<!tpu.dma_semaphore, #tpu.memory_space<semaphore_mem>>
      %dma_start3A_460 = arith.constant 0 : i32
      %dma_start3A_461 = tpu.memref_slice %arg4[%add3A_343, %dma_start3A_460] : memref<98304x128xf32, #tpu.memory_space<hbm>> -> memref<128x128xf32, #tpu.memory_space<hbm>>
      %dma_start3A_462 = arith.constant 0 : i32
      %dma_start3A_463 = tpu.memref_slice %arg4[%add3A_343, %dma_start3A_462] : memref<98304x128xf32, #tpu.memory_space<hbm>> -> memref<128x128xf32, #tpu.memory_space<hbm>>
      tpu.enqueue_dma source(%arg8 : memref<128x128xf32, #tpu.memory_space<vmem>>) target(%dma_start3A_463 : memref<128x128xf32, #tpu.memory_space<hbm>>) target_semaphore(%run_scoped3A : memref<!tpu.dma_semaphore, #tpu.memory_space<semaphore_mem>>)
      %dma_wait3A_464 = arith.constant 0 : i32
      %dma_wait3A_465 = tpu.memref_slice %arg4[%add3A_343, %dma_wait3A_464] : memref<98304x128xf32, #tpu.memory_space<hbm>> -> memref<128x128xf32, #tpu.memory_space<hbm>>
      %dma_wait3A_466 = arith.constant 0 : i32
      %dma_wait3A_467 = tpu.memref_slice %arg4[%add3A_343, %dma_wait3A_466] : memref<98304x128xf32, #tpu.memory_space<hbm>> -> memref<128x128xf32, #tpu.memory_space<hbm>>
      tpu.wait_dma2 semaphore(%run_scoped3A : memref<!tpu.dma_semaphore, #tpu.memory_space<semaphore_mem>>) src(%arg8 : memref<128x128xf32, #tpu.memory_space<vmem>>) dst(%dma_wait3A_467 : memref<128x128xf32, #tpu.memory_space<hbm>>)
      tpu.yield
    }) : () -> ()
    %mul3A_344 = arith.constant 4096 : i32
    %mul3A_345 = arith.muli %select_n3A, %mul3A_344 : i32
    %add3A_346 = arith.constant 32768 : i32
    %add3A_347 = arith.addi %add3A_346, %mul3A_345 : i32
    %add3A_348 = arith.addi %add3A_347, %mul3A_32 : i32
    %add3A_349 = arith.constant 640 : i32
    %add3A_350 = arith.addi %add3A_348, %add3A_349 : i32
    "tpu.region"() ({
      %run_scoped3A = tpu.sem_alloc : memref<!tpu.dma_semaphore, #tpu.memory_space<semaphore_mem>>
      %dma_start3A_460 = arith.constant 0 : i32
      %dma_start3A_461 = tpu.memref_slice %arg4[%add3A_350, %dma_start3A_460] : memref<98304x128xf32, #tpu.memory_space<hbm>> -> memref<128x128xf32, #tpu.memory_space<hbm>>
      %dma_start3A_462 = arith.constant 0 : i32
      %dma_start3A_463 = tpu.memref_slice %arg4[%add3A_350, %dma_start3A_462] : memref<98304x128xf32, #tpu.memory_space<hbm>> -> memref<128x128xf32, #tpu.memory_space<hbm>>
      tpu.enqueue_dma source(%arg9 : memref<128x128xf32, #tpu.memory_space<vmem>>) target(%dma_start3A_463 : memref<128x128xf32, #tpu.memory_space<hbm>>) target_semaphore(%run_scoped3A : memref<!tpu.dma_semaphore, #tpu.memory_space<semaphore_mem>>)
      %dma_wait3A_464 = arith.constant 0 : i32
      %dma_wait3A_465 = tpu.memref_slice %arg4[%add3A_350, %dma_wait3A_464] : memref<98304x128xf32, #tpu.memory_space<hbm>> -> memref<128x128xf32, #tpu.memory_space<hbm>>
      %dma_wait3A_466 = arith.constant 0 : i32
      %dma_wait3A_467 = tpu.memref_slice %arg4[%add3A_350, %dma_wait3A_466] : memref<98304x128xf32, #tpu.memory_space<hbm>> -> memref<128x128xf32, #tpu.memory_space<hbm>>
      tpu.wait_dma2 semaphore(%run_scoped3A : memref<!tpu.dma_semaphore, #tpu.memory_space<semaphore_mem>>) src(%arg9 : memref<128x128xf32, #tpu.memory_space<vmem>>) dst(%dma_wait3A_467 : memref<128x128xf32, #tpu.memory_space<hbm>>)
      tpu.yield
    }) : () -> ()
    %mul3A_351 = arith.constant 4096 : i32
    %mul3A_352 = arith.muli %select_n3A, %mul3A_351 : i32
    %add3A_353 = arith.constant 65536 : i32
    %add3A_354 = arith.addi %add3A_353, %mul3A_352 : i32
    %add3A_355 = arith.addi %add3A_354, %mul3A_32 : i32
    %add3A_356 = arith.constant 640 : i32
    %add3A_357 = arith.addi %add3A_355, %add3A_356 : i32
    "tpu.region"() ({
      %run_scoped3A = tpu.sem_alloc : memref<!tpu.dma_semaphore, #tpu.memory_space<semaphore_mem>>
      %dma_start3A_460 = arith.constant 0 : i32
      %dma_start3A_461 = tpu.memref_slice %arg4[%add3A_357, %dma_start3A_460] : memref<98304x128xf32, #tpu.memory_space<hbm>> -> memref<128x128xf32, #tpu.memory_space<hbm>>
      %dma_start3A_462 = arith.constant 0 : i32
      %dma_start3A_463 = tpu.memref_slice %arg4[%add3A_357, %dma_start3A_462] : memref<98304x128xf32, #tpu.memory_space<hbm>> -> memref<128x128xf32, #tpu.memory_space<hbm>>
      tpu.enqueue_dma source(%arg10 : memref<128x128xf32, #tpu.memory_space<vmem>>) target(%dma_start3A_463 : memref<128x128xf32, #tpu.memory_space<hbm>>) target_semaphore(%run_scoped3A : memref<!tpu.dma_semaphore, #tpu.memory_space<semaphore_mem>>)
      %dma_wait3A_464 = arith.constant 0 : i32
      %dma_wait3A_465 = tpu.memref_slice %arg4[%add3A_357, %dma_wait3A_464] : memref<98304x128xf32, #tpu.memory_space<hbm>> -> memref<128x128xf32, #tpu.memory_space<hbm>>
      %dma_wait3A_466 = arith.constant 0 : i32
      %dma_wait3A_467 = tpu.memref_slice %arg4[%add3A_357, %dma_wait3A_466] : memref<98304x128xf32, #tpu.memory_space<hbm>> -> memref<128x128xf32, #tpu.memory_space<hbm>>
      tpu.wait_dma2 semaphore(%run_scoped3A : memref<!tpu.dma_semaphore, #tpu.memory_space<semaphore_mem>>) src(%arg10 : memref<128x128xf32, #tpu.memory_space<vmem>>) dst(%dma_wait3A_467 : memref<128x128xf32, #tpu.memory_space<hbm>>)
      tpu.yield
    }) : () -> ()
    %dma_start3A_358 = arith.constant 768 : i32
    %dma_start3A_359 = tpu.memref_slice %arg5[%dma_start3A_358] : memref<1024xi32, #tpu.memory_space<vmem>> -> memref<128xi32, #tpu.memory_space<vmem>>
    %dma_start3A_360 = arith.constant 0 : i32
    %dma_start3A_361 = arith.constant 0 : i32
    %dma_start3A_362 = tpu.memref_slice %arg2[%dma_start3A_360, %dma_start3A_361] : memref<8192x128xf32, #tpu.memory_space<hbm>> -> memref<8192x128xf32, #tpu.memory_space<hbm>>
    tpu.enqueue_indirect_dma source(%dma_start3A_362 : memref<8192x128xf32, #tpu.memory_space<hbm>>) target(%arg8 : memref<128x128xf32, #tpu.memory_space<vmem>>) offsets(%dma_start3A_359 : memref<128xi32, #tpu.memory_space<vmem>>) semaphore(%arg11 : memref<!tpu.dma_semaphore, #tpu.memory_space<semaphore_mem>>)
    %dma_start3A_363 = arith.constant 768 : i32
    %dma_start3A_364 = tpu.memref_slice %arg6[%dma_start3A_363] : memref<1024xi32, #tpu.memory_space<vmem>> -> memref<128xi32, #tpu.memory_space<vmem>>
    %dma_start3A_365 = arith.constant 0 : i32
    %dma_start3A_366 = arith.constant 0 : i32
    %dma_start3A_367 = tpu.memref_slice %arg2[%dma_start3A_365, %dma_start3A_366] : memref<8192x128xf32, #tpu.memory_space<hbm>> -> memref<8192x128xf32, #tpu.memory_space<hbm>>
    tpu.enqueue_indirect_dma source(%dma_start3A_367 : memref<8192x128xf32, #tpu.memory_space<hbm>>) target(%arg9 : memref<128x128xf32, #tpu.memory_space<vmem>>) offsets(%dma_start3A_364 : memref<128xi32, #tpu.memory_space<vmem>>) semaphore(%arg11 : memref<!tpu.dma_semaphore, #tpu.memory_space<semaphore_mem>>)
    %dma_start3A_368 = arith.constant 768 : i32
    %dma_start3A_369 = tpu.memref_slice %arg7[%dma_start3A_368] : memref<1024xi32, #tpu.memory_space<vmem>> -> memref<128xi32, #tpu.memory_space<vmem>>
    %dma_start3A_370 = arith.constant 0 : i32
    %dma_start3A_371 = arith.constant 0 : i32
    %dma_start3A_372 = tpu.memref_slice %arg2[%dma_start3A_370, %dma_start3A_371] : memref<8192x128xf32, #tpu.memory_space<hbm>> -> memref<8192x128xf32, #tpu.memory_space<hbm>>
    tpu.enqueue_indirect_dma source(%dma_start3A_372 : memref<8192x128xf32, #tpu.memory_space<hbm>>) target(%arg10 : memref<128x128xf32, #tpu.memory_space<vmem>>) offsets(%dma_start3A_369 : memref<128xi32, #tpu.memory_space<vmem>>) semaphore(%arg11 : memref<!tpu.dma_semaphore, #tpu.memory_space<semaphore_mem>>)
    %dma_wait3A_373 = arith.constant 768 : i32
    %dma_wait3A_374 = tpu.memref_slice %arg5[%dma_wait3A_373] : memref<1024xi32, #tpu.memory_space<vmem>> -> memref<128xi32, #tpu.memory_space<vmem>>
    %dma_wait3A_375 = arith.constant 0 : i32
    %dma_wait3A_376 = arith.constant 0 : i32
    %dma_wait3A_377 = tpu.memref_slice %arg2[%dma_wait3A_375, %dma_wait3A_376] : memref<8192x128xf32, #tpu.memory_space<hbm>> -> memref<8192x128xf32, #tpu.memory_space<hbm>>
    tpu.wait_indirect_dma semaphore(%arg11 : memref<!tpu.dma_semaphore, #tpu.memory_space<semaphore_mem>>) src(%dma_wait3A_377 : memref<8192x128xf32, #tpu.memory_space<hbm>>) dst(%arg8 : memref<128x128xf32, #tpu.memory_space<vmem>>)
    %dma_wait3A_378 = arith.constant 768 : i32
    %dma_wait3A_379 = tpu.memref_slice %arg6[%dma_wait3A_378] : memref<1024xi32, #tpu.memory_space<vmem>> -> memref<128xi32, #tpu.memory_space<vmem>>
    %dma_wait3A_380 = arith.constant 0 : i32
    %dma_wait3A_381 = arith.constant 0 : i32
    %dma_wait3A_382 = tpu.memref_slice %arg2[%dma_wait3A_380, %dma_wait3A_381] : memref<8192x128xf32, #tpu.memory_space<hbm>> -> memref<8192x128xf32, #tpu.memory_space<hbm>>
    tpu.wait_indirect_dma semaphore(%arg11 : memref<!tpu.dma_semaphore, #tpu.memory_space<semaphore_mem>>) src(%dma_wait3A_382 : memref<8192x128xf32, #tpu.memory_space<hbm>>) dst(%arg9 : memref<128x128xf32, #tpu.memory_space<vmem>>)
    %dma_wait3A_383 = arith.constant 768 : i32
    %dma_wait3A_384 = tpu.memref_slice %arg7[%dma_wait3A_383] : memref<1024xi32, #tpu.memory_space<vmem>> -> memref<128xi32, #tpu.memory_space<vmem>>
    %dma_wait3A_385 = arith.constant 0 : i32
    %dma_wait3A_386 = arith.constant 0 : i32
    %dma_wait3A_387 = tpu.memref_slice %arg2[%dma_wait3A_385, %dma_wait3A_386] : memref<8192x128xf32, #tpu.memory_space<hbm>> -> memref<8192x128xf32, #tpu.memory_space<hbm>>
    tpu.wait_indirect_dma semaphore(%arg11 : memref<!tpu.dma_semaphore, #tpu.memory_space<semaphore_mem>>) src(%dma_wait3A_387 : memref<8192x128xf32, #tpu.memory_space<hbm>>) dst(%arg10 : memref<128x128xf32, #tpu.memory_space<vmem>>)
    %mul3A_388 = arith.constant 4096 : i32
    %mul3A_389 = arith.muli %select_n3A, %mul3A_388 : i32
    %add3A_390 = arith.constant 0 : i32
    %add3A_391 = arith.addi %add3A_390, %mul3A_389 : i32
    %add3A_392 = arith.addi %add3A_391, %mul3A_32 : i32
    %add3A_393 = arith.constant 768 : i32
    %add3A_394 = arith.addi %add3A_392, %add3A_393 : i32
    "tpu.region"() ({
      %run_scoped3A = tpu.sem_alloc : memref<!tpu.dma_semaphore, #tpu.memory_space<semaphore_mem>>
      %dma_start3A_460 = arith.constant 0 : i32
      %dma_start3A_461 = tpu.memref_slice %arg4[%add3A_394, %dma_start3A_460] : memref<98304x128xf32, #tpu.memory_space<hbm>> -> memref<128x128xf32, #tpu.memory_space<hbm>>
      %dma_start3A_462 = arith.constant 0 : i32
      %dma_start3A_463 = tpu.memref_slice %arg4[%add3A_394, %dma_start3A_462] : memref<98304x128xf32, #tpu.memory_space<hbm>> -> memref<128x128xf32, #tpu.memory_space<hbm>>
      tpu.enqueue_dma source(%arg8 : memref<128x128xf32, #tpu.memory_space<vmem>>) target(%dma_start3A_463 : memref<128x128xf32, #tpu.memory_space<hbm>>) target_semaphore(%run_scoped3A : memref<!tpu.dma_semaphore, #tpu.memory_space<semaphore_mem>>)
      %dma_wait3A_464 = arith.constant 0 : i32
      %dma_wait3A_465 = tpu.memref_slice %arg4[%add3A_394, %dma_wait3A_464] : memref<98304x128xf32, #tpu.memory_space<hbm>> -> memref<128x128xf32, #tpu.memory_space<hbm>>
      %dma_wait3A_466 = arith.constant 0 : i32
      %dma_wait3A_467 = tpu.memref_slice %arg4[%add3A_394, %dma_wait3A_466] : memref<98304x128xf32, #tpu.memory_space<hbm>> -> memref<128x128xf32, #tpu.memory_space<hbm>>
      tpu.wait_dma2 semaphore(%run_scoped3A : memref<!tpu.dma_semaphore, #tpu.memory_space<semaphore_mem>>) src(%arg8 : memref<128x128xf32, #tpu.memory_space<vmem>>) dst(%dma_wait3A_467 : memref<128x128xf32, #tpu.memory_space<hbm>>)
      tpu.yield
    }) : () -> ()
    %mul3A_395 = arith.constant 4096 : i32
    %mul3A_396 = arith.muli %select_n3A, %mul3A_395 : i32
    %add3A_397 = arith.constant 32768 : i32
    %add3A_398 = arith.addi %add3A_397, %mul3A_396 : i32
    %add3A_399 = arith.addi %add3A_398, %mul3A_32 : i32
    %add3A_400 = arith.constant 768 : i32
    %add3A_401 = arith.addi %add3A_399, %add3A_400 : i32
    "tpu.region"() ({
      %run_scoped3A = tpu.sem_alloc : memref<!tpu.dma_semaphore, #tpu.memory_space<semaphore_mem>>
      %dma_start3A_460 = arith.constant 0 : i32
      %dma_start3A_461 = tpu.memref_slice %arg4[%add3A_401, %dma_start3A_460] : memref<98304x128xf32, #tpu.memory_space<hbm>> -> memref<128x128xf32, #tpu.memory_space<hbm>>
      %dma_start3A_462 = arith.constant 0 : i32
      %dma_start3A_463 = tpu.memref_slice %arg4[%add3A_401, %dma_start3A_462] : memref<98304x128xf32, #tpu.memory_space<hbm>> -> memref<128x128xf32, #tpu.memory_space<hbm>>
      tpu.enqueue_dma source(%arg9 : memref<128x128xf32, #tpu.memory_space<vmem>>) target(%dma_start3A_463 : memref<128x128xf32, #tpu.memory_space<hbm>>) target_semaphore(%run_scoped3A : memref<!tpu.dma_semaphore, #tpu.memory_space<semaphore_mem>>)
      %dma_wait3A_464 = arith.constant 0 : i32
      %dma_wait3A_465 = tpu.memref_slice %arg4[%add3A_401, %dma_wait3A_464] : memref<98304x128xf32, #tpu.memory_space<hbm>> -> memref<128x128xf32, #tpu.memory_space<hbm>>
      %dma_wait3A_466 = arith.constant 0 : i32
      %dma_wait3A_467 = tpu.memref_slice %arg4[%add3A_401, %dma_wait3A_466] : memref<98304x128xf32, #tpu.memory_space<hbm>> -> memref<128x128xf32, #tpu.memory_space<hbm>>
      tpu.wait_dma2 semaphore(%run_scoped3A : memref<!tpu.dma_semaphore, #tpu.memory_space<semaphore_mem>>) src(%arg9 : memref<128x128xf32, #tpu.memory_space<vmem>>) dst(%dma_wait3A_467 : memref<128x128xf32, #tpu.memory_space<hbm>>)
      tpu.yield
    }) : () -> ()
    %mul3A_402 = arith.constant 4096 : i32
    %mul3A_403 = arith.muli %select_n3A, %mul3A_402 : i32
    %add3A_404 = arith.constant 65536 : i32
    %add3A_405 = arith.addi %add3A_404, %mul3A_403 : i32
    %add3A_406 = arith.addi %add3A_405, %mul3A_32 : i32
    %add3A_407 = arith.constant 768 : i32
    %add3A_408 = arith.addi %add3A_406, %add3A_407 : i32
    "tpu.region"() ({
      %run_scoped3A = tpu.sem_alloc : memref<!tpu.dma_semaphore, #tpu.memory_space<semaphore_mem>>
      %dma_start3A_460 = arith.constant 0 : i32
      %dma_start3A_461 = tpu.memref_slice %arg4[%add3A_408, %dma_start3A_460] : memref<98304x128xf32, #tpu.memory_space<hbm>> -> memref<128x128xf32, #tpu.memory_space<hbm>>
      %dma_start3A_462 = arith.constant 0 : i32
      %dma_start3A_463 = tpu.memref_slice %arg4[%add3A_408, %dma_start3A_462] : memref<98304x128xf32, #tpu.memory_space<hbm>> -> memref<128x128xf32, #tpu.memory_space<hbm>>
      tpu.enqueue_dma source(%arg10 : memref<128x128xf32, #tpu.memory_space<vmem>>) target(%dma_start3A_463 : memref<128x128xf32, #tpu.memory_space<hbm>>) target_semaphore(%run_scoped3A : memref<!tpu.dma_semaphore, #tpu.memory_space<semaphore_mem>>)
      %dma_wait3A_464 = arith.constant 0 : i32
      %dma_wait3A_465 = tpu.memref_slice %arg4[%add3A_408, %dma_wait3A_464] : memref<98304x128xf32, #tpu.memory_space<hbm>> -> memref<128x128xf32, #tpu.memory_space<hbm>>
      %dma_wait3A_466 = arith.constant 0 : i32
      %dma_wait3A_467 = tpu.memref_slice %arg4[%add3A_408, %dma_wait3A_466] : memref<98304x128xf32, #tpu.memory_space<hbm>> -> memref<128x128xf32, #tpu.memory_space<hbm>>
      tpu.wait_dma2 semaphore(%run_scoped3A : memref<!tpu.dma_semaphore, #tpu.memory_space<semaphore_mem>>) src(%arg10 : memref<128x128xf32, #tpu.memory_space<vmem>>) dst(%dma_wait3A_467 : memref<128x128xf32, #tpu.memory_space<hbm>>)
      tpu.yield
    }) : () -> ()
    %dma_start3A_409 = arith.constant 896 : i32
    %dma_start3A_410 = tpu.memref_slice %arg5[%dma_start3A_409] : memref<1024xi32, #tpu.memory_space<vmem>> -> memref<128xi32, #tpu.memory_space<vmem>>
    %dma_start3A_411 = arith.constant 0 : i32
    %dma_start3A_412 = arith.constant 0 : i32
    %dma_start3A_413 = tpu.memref_slice %arg2[%dma_start3A_411, %dma_start3A_412] : memref<8192x128xf32, #tpu.memory_space<hbm>> -> memref<8192x128xf32, #tpu.memory_space<hbm>>
    tpu.enqueue_indirect_dma source(%dma_start3A_413 : memref<8192x128xf32, #tpu.memory_space<hbm>>) target(%arg8 : memref<128x128xf32, #tpu.memory_space<vmem>>) offsets(%dma_start3A_410 : memref<128xi32, #tpu.memory_space<vmem>>) semaphore(%arg11 : memref<!tpu.dma_semaphore, #tpu.memory_space<semaphore_mem>>)
    %dma_start3A_414 = arith.constant 896 : i32
    %dma_start3A_415 = tpu.memref_slice %arg6[%dma_start3A_414] : memref<1024xi32, #tpu.memory_space<vmem>> -> memref<128xi32, #tpu.memory_space<vmem>>
    %dma_start3A_416 = arith.constant 0 : i32
    %dma_start3A_417 = arith.constant 0 : i32
    %dma_start3A_418 = tpu.memref_slice %arg2[%dma_start3A_416, %dma_start3A_417] : memref<8192x128xf32, #tpu.memory_space<hbm>> -> memref<8192x128xf32, #tpu.memory_space<hbm>>
    tpu.enqueue_indirect_dma source(%dma_start3A_418 : memref<8192x128xf32, #tpu.memory_space<hbm>>) target(%arg9 : memref<128x128xf32, #tpu.memory_space<vmem>>) offsets(%dma_start3A_415 : memref<128xi32, #tpu.memory_space<vmem>>) semaphore(%arg11 : memref<!tpu.dma_semaphore, #tpu.memory_space<semaphore_mem>>)
    %dma_start3A_419 = arith.constant 896 : i32
    %dma_start3A_420 = tpu.memref_slice %arg7[%dma_start3A_419] : memref<1024xi32, #tpu.memory_space<vmem>> -> memref<128xi32, #tpu.memory_space<vmem>>
    %dma_start3A_421 = arith.constant 0 : i32
    %dma_start3A_422 = arith.constant 0 : i32
    %dma_start3A_423 = tpu.memref_slice %arg2[%dma_start3A_421, %dma_start3A_422] : memref<8192x128xf32, #tpu.memory_space<hbm>> -> memref<8192x128xf32, #tpu.memory_space<hbm>>
    tpu.enqueue_indirect_dma source(%dma_start3A_423 : memref<8192x128xf32, #tpu.memory_space<hbm>>) target(%arg10 : memref<128x128xf32, #tpu.memory_space<vmem>>) offsets(%dma_start3A_420 : memref<128xi32, #tpu.memory_space<vmem>>) semaphore(%arg11 : memref<!tpu.dma_semaphore, #tpu.memory_space<semaphore_mem>>)
    %dma_wait3A_424 = arith.constant 896 : i32
    %dma_wait3A_425 = tpu.memref_slice %arg5[%dma_wait3A_424] : memref<1024xi32, #tpu.memory_space<vmem>> -> memref<128xi32, #tpu.memory_space<vmem>>
    %dma_wait3A_426 = arith.constant 0 : i32
    %dma_wait3A_427 = arith.constant 0 : i32
    %dma_wait3A_428 = tpu.memref_slice %arg2[%dma_wait3A_426, %dma_wait3A_427] : memref<8192x128xf32, #tpu.memory_space<hbm>> -> memref<8192x128xf32, #tpu.memory_space<hbm>>
    tpu.wait_indirect_dma semaphore(%arg11 : memref<!tpu.dma_semaphore, #tpu.memory_space<semaphore_mem>>) src(%dma_wait3A_428 : memref<8192x128xf32, #tpu.memory_space<hbm>>) dst(%arg8 : memref<128x128xf32, #tpu.memory_space<vmem>>)
    %dma_wait3A_429 = arith.constant 896 : i32
    %dma_wait3A_430 = tpu.memref_slice %arg6[%dma_wait3A_429] : memref<1024xi32, #tpu.memory_space<vmem>> -> memref<128xi32, #tpu.memory_space<vmem>>
    %dma_wait3A_431 = arith.constant 0 : i32
    %dma_wait3A_432 = arith.constant 0 : i32
    %dma_wait3A_433 = tpu.memref_slice %arg2[%dma_wait3A_431, %dma_wait3A_432] : memref<8192x128xf32, #tpu.memory_space<hbm>> -> memref<8192x128xf32, #tpu.memory_space<hbm>>
    tpu.wait_indirect_dma semaphore(%arg11 : memref<!tpu.dma_semaphore, #tpu.memory_space<semaphore_mem>>) src(%dma_wait3A_433 : memref<8192x128xf32, #tpu.memory_space<hbm>>) dst(%arg9 : memref<128x128xf32, #tpu.memory_space<vmem>>)
    %dma_wait3A_434 = arith.constant 896 : i32
    %dma_wait3A_435 = tpu.memref_slice %arg7[%dma_wait3A_434] : memref<1024xi32, #tpu.memory_space<vmem>> -> memref<128xi32, #tpu.memory_space<vmem>>
    %dma_wait3A_436 = arith.constant 0 : i32
    %dma_wait3A_437 = arith.constant 0 : i32
    %dma_wait3A_438 = tpu.memref_slice %arg2[%dma_wait3A_436, %dma_wait3A_437] : memref<8192x128xf32, #tpu.memory_space<hbm>> -> memref<8192x128xf32, #tpu.memory_space<hbm>>
    tpu.wait_indirect_dma semaphore(%arg11 : memref<!tpu.dma_semaphore, #tpu.memory_space<semaphore_mem>>) src(%dma_wait3A_438 : memref<8192x128xf32, #tpu.memory_space<hbm>>) dst(%arg10 : memref<128x128xf32, #tpu.memory_space<vmem>>)
    %mul3A_439 = arith.constant 4096 : i32
    %mul3A_440 = arith.muli %select_n3A, %mul3A_439 : i32
    %add3A_441 = arith.constant 0 : i32
    %add3A_442 = arith.addi %add3A_441, %mul3A_440 : i32
    %add3A_443 = arith.addi %add3A_442, %mul3A_32 : i32
    %add3A_444 = arith.constant 896 : i32
    %add3A_445 = arith.addi %add3A_443, %add3A_444 : i32
    "tpu.region"() ({
      %run_scoped3A = tpu.sem_alloc : memref<!tpu.dma_semaphore, #tpu.memory_space<semaphore_mem>>
      %dma_start3A_460 = arith.constant 0 : i32
      %dma_start3A_461 = tpu.memref_slice %arg4[%add3A_445, %dma_start3A_460] : memref<98304x128xf32, #tpu.memory_space<hbm>> -> memref<128x128xf32, #tpu.memory_space<hbm>>
      %dma_start3A_462 = arith.constant 0 : i32
      %dma_start3A_463 = tpu.memref_slice %arg4[%add3A_445, %dma_start3A_462] : memref<98304x128xf32, #tpu.memory_space<hbm>> -> memref<128x128xf32, #tpu.memory_space<hbm>>
      tpu.enqueue_dma source(%arg8 : memref<128x128xf32, #tpu.memory_space<vmem>>) target(%dma_start3A_463 : memref<128x128xf32, #tpu.memory_space<hbm>>) target_semaphore(%run_scoped3A : memref<!tpu.dma_semaphore, #tpu.memory_space<semaphore_mem>>)
      %dma_wait3A_464 = arith.constant 0 : i32
      %dma_wait3A_465 = tpu.memref_slice %arg4[%add3A_445, %dma_wait3A_464] : memref<98304x128xf32, #tpu.memory_space<hbm>> -> memref<128x128xf32, #tpu.memory_space<hbm>>
      %dma_wait3A_466 = arith.constant 0 : i32
      %dma_wait3A_467 = tpu.memref_slice %arg4[%add3A_445, %dma_wait3A_466] : memref<98304x128xf32, #tpu.memory_space<hbm>> -> memref<128x128xf32, #tpu.memory_space<hbm>>
      tpu.wait_dma2 semaphore(%run_scoped3A : memref<!tpu.dma_semaphore, #tpu.memory_space<semaphore_mem>>) src(%arg8 : memref<128x128xf32, #tpu.memory_space<vmem>>) dst(%dma_wait3A_467 : memref<128x128xf32, #tpu.memory_space<hbm>>)
      tpu.yield
    }) : () -> ()
    %mul3A_446 = arith.constant 4096 : i32
    %mul3A_447 = arith.muli %select_n3A, %mul3A_446 : i32
    %add3A_448 = arith.constant 32768 : i32
    %add3A_449 = arith.addi %add3A_448, %mul3A_447 : i32
    %add3A_450 = arith.addi %add3A_449, %mul3A_32 : i32
    %add3A_451 = arith.constant 896 : i32
    %add3A_452 = arith.addi %add3A_450, %add3A_451 : i32
    "tpu.region"() ({
      %run_scoped3A = tpu.sem_alloc : memref<!tpu.dma_semaphore, #tpu.memory_space<semaphore_mem>>
      %dma_start3A_460 = arith.constant 0 : i32
      %dma_start3A_461 = tpu.memref_slice %arg4[%add3A_452, %dma_start3A_460] : memref<98304x128xf32, #tpu.memory_space<hbm>> -> memref<128x128xf32, #tpu.memory_space<hbm>>
      %dma_start3A_462 = arith.constant 0 : i32
      %dma_start3A_463 = tpu.memref_slice %arg4[%add3A_452, %dma_start3A_462] : memref<98304x128xf32, #tpu.memory_space<hbm>> -> memref<128x128xf32, #tpu.memory_space<hbm>>
      tpu.enqueue_dma source(%arg9 : memref<128x128xf32, #tpu.memory_space<vmem>>) target(%dma_start3A_463 : memref<128x128xf32, #tpu.memory_space<hbm>>) target_semaphore(%run_scoped3A : memref<!tpu.dma_semaphore, #tpu.memory_space<semaphore_mem>>)
      %dma_wait3A_464 = arith.constant 0 : i32
      %dma_wait3A_465 = tpu.memref_slice %arg4[%add3A_452, %dma_wait3A_464] : memref<98304x128xf32, #tpu.memory_space<hbm>> -> memref<128x128xf32, #tpu.memory_space<hbm>>
      %dma_wait3A_466 = arith.constant 0 : i32
      %dma_wait3A_467 = tpu.memref_slice %arg4[%add3A_452, %dma_wait3A_466] : memref<98304x128xf32, #tpu.memory_space<hbm>> -> memref<128x128xf32, #tpu.memory_space<hbm>>
      tpu.wait_dma2 semaphore(%run_scoped3A : memref<!tpu.dma_semaphore, #tpu.memory_space<semaphore_mem>>) src(%arg9 : memref<128x128xf32, #tpu.memory_space<vmem>>) dst(%dma_wait3A_467 : memref<128x128xf32, #tpu.memory_space<hbm>>)
      tpu.yield
    }) : () -> ()
    %mul3A_453 = arith.constant 4096 : i32
    %mul3A_454 = arith.muli %select_n3A, %mul3A_453 : i32
    %add3A_455 = arith.constant 65536 : i32
    %add3A_456 = arith.addi %add3A_455, %mul3A_454 : i32
    %add3A_457 = arith.addi %add3A_456, %mul3A_32 : i32
    %add3A_458 = arith.constant 896 : i32
    %add3A_459 = arith.addi %add3A_457, %add3A_458 : i32
    "tpu.region"() ({
      %run_scoped3A = tpu.sem_alloc : memref<!tpu.dma_semaphore, #tpu.memory_space<semaphore_mem>>
      %dma_start3A_460 = arith.constant 0 : i32
      %dma_start3A_461 = tpu.memref_slice %arg4[%add3A_459, %dma_start3A_460] : memref<98304x128xf32, #tpu.memory_space<hbm>> -> memref<128x128xf32, #tpu.memory_space<hbm>>
      %dma_start3A_462 = arith.constant 0 : i32
      %dma_start3A_463 = tpu.memref_slice %arg4[%add3A_459, %dma_start3A_462] : memref<98304x128xf32, #tpu.memory_space<hbm>> -> memref<128x128xf32, #tpu.memory_space<hbm>>
      tpu.enqueue_dma source(%arg10 : memref<128x128xf32, #tpu.memory_space<vmem>>) target(%dma_start3A_463 : memref<128x128xf32, #tpu.memory_space<hbm>>) target_semaphore(%run_scoped3A : memref<!tpu.dma_semaphore, #tpu.memory_space<semaphore_mem>>)
      %dma_wait3A_464 = arith.constant 0 : i32
      %dma_wait3A_465 = tpu.memref_slice %arg4[%add3A_459, %dma_wait3A_464] : memref<98304x128xf32, #tpu.memory_space<hbm>> -> memref<128x128xf32, #tpu.memory_space<hbm>>
      %dma_wait3A_466 = arith.constant 0 : i32
      %dma_wait3A_467 = tpu.memref_slice %arg4[%add3A_459, %dma_wait3A_466] : memref<98304x128xf32, #tpu.memory_space<hbm>> -> memref<128x128xf32, #tpu.memory_space<hbm>>
      tpu.wait_dma2 semaphore(%run_scoped3A : memref<!tpu.dma_semaphore, #tpu.memory_space<semaphore_mem>>) src(%arg10 : memref<128x128xf32, #tpu.memory_space<vmem>>) dst(%dma_wait3A_467 : memref<128x128xf32, #tpu.memory_space<hbm>>)
      tpu.yield
    }) : () -> ()
    return
  }
}

module attributes {stable_mosaic.version = 14 : i64} {
  func.func @_nn_kernel(%arg0: i32, %arg1: i32, %arg2: memref<1x3x1024xf32, #tpu.memory_space<vmem>>, %arg3: memref<1x1024x3xf32, #tpu.memory_space<vmem>>, %arg4: memref<1x3x1024xi32, #tpu.memory_space<vmem>>, %arg5: memref<1x1024x3xf32, #tpu.memory_space<vmem>>) attributes {dimension_semantics = [#tpu.dimension_semantics<arbitrary>, #tpu.dimension_semantics<arbitrary>], iteration_bounds = array<i64: 8, 4>, scalar_prefetch = 0 : i64, scratch_operands = 0 : i64, tpu.core_type = #tpu.core_type<tc>, window_params = [{transform_indices = @transform_0, window_bounds = array<i64: 1, 3, 1024>}, {transform_indices = @transform_1, window_bounds = array<i64: 1, 1024, 3>}, {transform_indices = @transform_2, window_bounds = array<i64: 1, 3, 1024>}, {transform_indices = @transform_3, window_bounds = array<i64: 1, 1024, 3>}]} {
    %get3A = arith.constant 0 : index
    %get3A_0 = arith.constant 0 : index
    %get3A_1 = arith.constant 0 : index
    %get3A_2 = vector.load %arg2[%get3A, %get3A_0, %get3A_1] : memref<1x3x1024xf32, #tpu.memory_space<vmem>>, vector<1x3x1024xf32>
    %get3A_3 = vector.shape_cast %get3A_2 : vector<1x3x1024xf32> to vector<3x1024xf32>
    %get3A_4 = arith.constant 0 : index
    %get3A_5 = arith.constant 0 : index
    %get3A_6 = arith.constant 0 : index
    %get3A_7 = vector.load %arg3[%get3A_4, %get3A_5, %get3A_6] : memref<1x1024x3xf32, #tpu.memory_space<vmem>>, vector<1x1024x3xf32>
    %get3A_8 = vector.shape_cast %get3A_7 : vector<1x1024x3xf32> to vector<1024x3xf32>
    %mul3A = arith.mulf %get3A_3, %get3A_3 : vector<3x1024xf32>
    %reduce_sum3A = arith.constant dense<0.000000e+00> : vector<1024xf32>
    %reduce_sum3A_9 = vector.multi_reduction <add>, %mul3A, %reduce_sum3A [0] : vector<3x1024xf32> to vector<1024xf32>
    %broadcast_in_dim3A = vector.shape_cast %reduce_sum3A_9 : vector<1024xf32> to vector<1x1024xf32>
    %mul3A_10 = arith.mulf %get3A_8, %get3A_8 : vector<1024x3xf32>
    %reduce_sum3A_11 = arith.constant dense<0.000000e+00> : vector<1024xf32>
    %reduce_sum3A_12 = vector.multi_reduction <add>, %mul3A_10, %reduce_sum3A_11 [1] : vector<1024x3xf32> to vector<1024xf32>
    %broadcast_in_dim3A_13 = vector.shape_cast %reduce_sum3A_12 : vector<1024xf32> to vector<1024x1xf32>
    %dot_general3A = arith.constant dense<0.000000e+00> : vector<1024x1024xf32>
    %dot_general3A_14 = tpu.matmul %get3A_8, %get3A_3, %dot_general3A {dimension_numbers = #tpu.dot_dimension_numbers<[1], [0], [0], [1], [0, 0, 1, 1], [], []>, transpose_lhs_hint = false} : vector<1024x3xf32>, vector<3x1024xf32>, vector<1024x1024xf32> -> vector<1024x1024xf32>
    %add3A = vector.broadcast %broadcast_in_dim3A : vector<1x1024xf32> to vector<1024x1024xf32>
    %add3A_15 = vector.broadcast %broadcast_in_dim3A_13 : vector<1024x1xf32> to vector<1024x1024xf32>
    %add3A_16 = arith.addf %add3A, %add3A_15 : vector<1024x1024xf32>
    %mul3A_17 = arith.constant 2.000000e+00 : f32
    %mul3A_18 = vector.broadcast %mul3A_17 : f32 to vector<1024x1024xf32>
    %mul3A_19 = arith.mulf %mul3A_18, %dot_general3A_14 : vector<1024x1024xf32>
    %sub3A = arith.subf %add3A_16, %mul3A_19 : vector<1024x1024xf32>
    %iota3A = tpu.iota {dimensions = array<i32: 0>} : vector<1024x1xi32>
    %iota3A_20 = tpu.iota {dimensions = array<i32: 0>} : vector<1024x1024xi32>
    %reshape3A = vector.shape_cast %sub3A : vector<1024x1024xf32> to vector<2x512x1024xf32>
    %reshape3A_21 = vector.shape_cast %iota3A_20 : vector<1024x1024xi32> to vector<2x512x1024xi32>
    %slice3A = vector.extract_strided_slice %reshape3A {offsets = [0, 0, 0], sizes = [1, 512, 1024], strides = [1, 1, 1]} : vector<2x512x1024xf32> to vector<1x512x1024xf32>
    %squeeze3A = vector.shape_cast %slice3A : vector<1x512x1024xf32> to vector<512x1024xf32>
    %slice3A_22 = vector.extract_strided_slice %reshape3A {offsets = [1, 0, 0], sizes = [1, 512, 1024], strides = [1, 1, 1]} : vector<2x512x1024xf32> to vector<1x512x1024xf32>
    %squeeze3A_23 = vector.shape_cast %slice3A_22 : vector<1x512x1024xf32> to vector<512x1024xf32>
    %le3A = arith.cmpf ole, %squeeze3A, %squeeze3A_23 : vector<512x1024xf32>
    %slice3A_24 = vector.extract_strided_slice %reshape3A {offsets = [0, 0, 0], sizes = [1, 512, 1024], strides = [1, 1, 1]} : vector<2x512x1024xf32> to vector<1x512x1024xf32>
    %squeeze3A_25 = vector.shape_cast %slice3A_24 : vector<1x512x1024xf32> to vector<512x1024xf32>
    %slice3A_26 = vector.extract_strided_slice %reshape3A {offsets = [1, 0, 0], sizes = [1, 512, 1024], strides = [1, 1, 1]} : vector<2x512x1024xf32> to vector<1x512x1024xf32>
    %squeeze3A_27 = vector.shape_cast %slice3A_26 : vector<1x512x1024xf32> to vector<512x1024xf32>
    %select_n3A = arith.select %le3A, %squeeze3A_25, %squeeze3A_27 : vector<512x1024xi1>, vector<512x1024xf32>
    %slice3A_28 = vector.extract_strided_slice %reshape3A_21 {offsets = [0, 0, 0], sizes = [1, 512, 1024], strides = [1, 1, 1]} : vector<2x512x1024xi32> to vector<1x512x1024xi32>
    %squeeze3A_29 = vector.shape_cast %slice3A_28 : vector<1x512x1024xi32> to vector<512x1024xi32>
    %slice3A_30 = vector.extract_strided_slice %reshape3A_21 {offsets = [1, 0, 0], sizes = [1, 512, 1024], strides = [1, 1, 1]} : vector<2x512x1024xi32> to vector<1x512x1024xi32>
    %squeeze3A_31 = vector.shape_cast %slice3A_30 : vector<1x512x1024xi32> to vector<512x1024xi32>
    %select_n3A_32 = arith.select %le3A, %squeeze3A_29, %squeeze3A_31 : vector<512x1024xi1>, vector<512x1024xi32>
    %reshape3A_33 = vector.shape_cast %select_n3A : vector<512x1024xf32> to vector<2x256x1024xf32>
    %reshape3A_34 = vector.shape_cast %select_n3A_32 : vector<512x1024xi32> to vector<2x256x1024xi32>
    %slice3A_35 = vector.extract_strided_slice %reshape3A_33 {offsets = [0, 0, 0], sizes = [1, 256, 1024], strides = [1, 1, 1]} : vector<2x256x1024xf32> to vector<1x256x1024xf32>
    %squeeze3A_36 = vector.shape_cast %slice3A_35 : vector<1x256x1024xf32> to vector<256x1024xf32>
    %slice3A_37 = vector.extract_strided_slice %reshape3A_33 {offsets = [1, 0, 0], sizes = [1, 256, 1024], strides = [1, 1, 1]} : vector<2x256x1024xf32> to vector<1x256x1024xf32>
    %squeeze3A_38 = vector.shape_cast %slice3A_37 : vector<1x256x1024xf32> to vector<256x1024xf32>
    %le3A_39 = arith.cmpf ole, %squeeze3A_36, %squeeze3A_38 : vector<256x1024xf32>
    %slice3A_40 = vector.extract_strided_slice %reshape3A_33 {offsets = [0, 0, 0], sizes = [1, 256, 1024], strides = [1, 1, 1]} : vector<2x256x1024xf32> to vector<1x256x1024xf32>
    %squeeze3A_41 = vector.shape_cast %slice3A_40 : vector<1x256x1024xf32> to vector<256x1024xf32>
    %slice3A_42 = vector.extract_strided_slice %reshape3A_33 {offsets = [1, 0, 0], sizes = [1, 256, 1024], strides = [1, 1, 1]} : vector<2x256x1024xf32> to vector<1x256x1024xf32>
    %squeeze3A_43 = vector.shape_cast %slice3A_42 : vector<1x256x1024xf32> to vector<256x1024xf32>
    %select_n3A_44 = arith.select %le3A_39, %squeeze3A_41, %squeeze3A_43 : vector<256x1024xi1>, vector<256x1024xf32>
    %slice3A_45 = vector.extract_strided_slice %reshape3A_34 {offsets = [0, 0, 0], sizes = [1, 256, 1024], strides = [1, 1, 1]} : vector<2x256x1024xi32> to vector<1x256x1024xi32>
    %squeeze3A_46 = vector.shape_cast %slice3A_45 : vector<1x256x1024xi32> to vector<256x1024xi32>
    %slice3A_47 = vector.extract_strided_slice %reshape3A_34 {offsets = [1, 0, 0], sizes = [1, 256, 1024], strides = [1, 1, 1]} : vector<2x256x1024xi32> to vector<1x256x1024xi32>
    %squeeze3A_48 = vector.shape_cast %slice3A_47 : vector<1x256x1024xi32> to vector<256x1024xi32>
    %select_n3A_49 = arith.select %le3A_39, %squeeze3A_46, %squeeze3A_48 : vector<256x1024xi1>, vector<256x1024xi32>
    %reshape3A_50 = vector.shape_cast %select_n3A_44 : vector<256x1024xf32> to vector<2x128x1024xf32>
    %reshape3A_51 = vector.shape_cast %select_n3A_49 : vector<256x1024xi32> to vector<2x128x1024xi32>
    %slice3A_52 = vector.extract_strided_slice %reshape3A_50 {offsets = [0, 0, 0], sizes = [1, 128, 1024], strides = [1, 1, 1]} : vector<2x128x1024xf32> to vector<1x128x1024xf32>
    %squeeze3A_53 = vector.shape_cast %slice3A_52 : vector<1x128x1024xf32> to vector<128x1024xf32>
    %slice3A_54 = vector.extract_strided_slice %reshape3A_50 {offsets = [1, 0, 0], sizes = [1, 128, 1024], strides = [1, 1, 1]} : vector<2x128x1024xf32> to vector<1x128x1024xf32>
    %squeeze3A_55 = vector.shape_cast %slice3A_54 : vector<1x128x1024xf32> to vector<128x1024xf32>
    %le3A_56 = arith.cmpf ole, %squeeze3A_53, %squeeze3A_55 : vector<128x1024xf32>
    %slice3A_57 = vector.extract_strided_slice %reshape3A_50 {offsets = [0, 0, 0], sizes = [1, 128, 1024], strides = [1, 1, 1]} : vector<2x128x1024xf32> to vector<1x128x1024xf32>
    %squeeze3A_58 = vector.shape_cast %slice3A_57 : vector<1x128x1024xf32> to vector<128x1024xf32>
    %slice3A_59 = vector.extract_strided_slice %reshape3A_50 {offsets = [1, 0, 0], sizes = [1, 128, 1024], strides = [1, 1, 1]} : vector<2x128x1024xf32> to vector<1x128x1024xf32>
    %squeeze3A_60 = vector.shape_cast %slice3A_59 : vector<1x128x1024xf32> to vector<128x1024xf32>
    %select_n3A_61 = arith.select %le3A_56, %squeeze3A_58, %squeeze3A_60 : vector<128x1024xi1>, vector<128x1024xf32>
    %slice3A_62 = vector.extract_strided_slice %reshape3A_51 {offsets = [0, 0, 0], sizes = [1, 128, 1024], strides = [1, 1, 1]} : vector<2x128x1024xi32> to vector<1x128x1024xi32>
    %squeeze3A_63 = vector.shape_cast %slice3A_62 : vector<1x128x1024xi32> to vector<128x1024xi32>
    %slice3A_64 = vector.extract_strided_slice %reshape3A_51 {offsets = [1, 0, 0], sizes = [1, 128, 1024], strides = [1, 1, 1]} : vector<2x128x1024xi32> to vector<1x128x1024xi32>
    %squeeze3A_65 = vector.shape_cast %slice3A_64 : vector<1x128x1024xi32> to vector<128x1024xi32>
    %select_n3A_66 = arith.select %le3A_56, %squeeze3A_63, %squeeze3A_65 : vector<128x1024xi1>, vector<128x1024xi32>
    %reshape3A_67 = vector.shape_cast %select_n3A_61 : vector<128x1024xf32> to vector<2x64x1024xf32>
    %reshape3A_68 = vector.shape_cast %select_n3A_66 : vector<128x1024xi32> to vector<2x64x1024xi32>
    %slice3A_69 = vector.extract_strided_slice %reshape3A_67 {offsets = [0, 0, 0], sizes = [1, 64, 1024], strides = [1, 1, 1]} : vector<2x64x1024xf32> to vector<1x64x1024xf32>
    %squeeze3A_70 = vector.shape_cast %slice3A_69 : vector<1x64x1024xf32> to vector<64x1024xf32>
    %slice3A_71 = vector.extract_strided_slice %reshape3A_67 {offsets = [1, 0, 0], sizes = [1, 64, 1024], strides = [1, 1, 1]} : vector<2x64x1024xf32> to vector<1x64x1024xf32>
    %squeeze3A_72 = vector.shape_cast %slice3A_71 : vector<1x64x1024xf32> to vector<64x1024xf32>
    %le3A_73 = arith.cmpf ole, %squeeze3A_70, %squeeze3A_72 : vector<64x1024xf32>
    %slice3A_74 = vector.extract_strided_slice %reshape3A_67 {offsets = [0, 0, 0], sizes = [1, 64, 1024], strides = [1, 1, 1]} : vector<2x64x1024xf32> to vector<1x64x1024xf32>
    %squeeze3A_75 = vector.shape_cast %slice3A_74 : vector<1x64x1024xf32> to vector<64x1024xf32>
    %slice3A_76 = vector.extract_strided_slice %reshape3A_67 {offsets = [1, 0, 0], sizes = [1, 64, 1024], strides = [1, 1, 1]} : vector<2x64x1024xf32> to vector<1x64x1024xf32>
    %squeeze3A_77 = vector.shape_cast %slice3A_76 : vector<1x64x1024xf32> to vector<64x1024xf32>
    %select_n3A_78 = arith.select %le3A_73, %squeeze3A_75, %squeeze3A_77 : vector<64x1024xi1>, vector<64x1024xf32>
    %slice3A_79 = vector.extract_strided_slice %reshape3A_68 {offsets = [0, 0, 0], sizes = [1, 64, 1024], strides = [1, 1, 1]} : vector<2x64x1024xi32> to vector<1x64x1024xi32>
    %squeeze3A_80 = vector.shape_cast %slice3A_79 : vector<1x64x1024xi32> to vector<64x1024xi32>
    %slice3A_81 = vector.extract_strided_slice %reshape3A_68 {offsets = [1, 0, 0], sizes = [1, 64, 1024], strides = [1, 1, 1]} : vector<2x64x1024xi32> to vector<1x64x1024xi32>
    %squeeze3A_82 = vector.shape_cast %slice3A_81 : vector<1x64x1024xi32> to vector<64x1024xi32>
    %select_n3A_83 = arith.select %le3A_73, %squeeze3A_80, %squeeze3A_82 : vector<64x1024xi1>, vector<64x1024xi32>
    %reshape3A_84 = vector.shape_cast %select_n3A_78 : vector<64x1024xf32> to vector<2x32x1024xf32>
    %reshape3A_85 = vector.shape_cast %select_n3A_83 : vector<64x1024xi32> to vector<2x32x1024xi32>
    %slice3A_86 = vector.extract_strided_slice %reshape3A_84 {offsets = [0, 0, 0], sizes = [1, 32, 1024], strides = [1, 1, 1]} : vector<2x32x1024xf32> to vector<1x32x1024xf32>
    %squeeze3A_87 = vector.shape_cast %slice3A_86 : vector<1x32x1024xf32> to vector<32x1024xf32>
    %slice3A_88 = vector.extract_strided_slice %reshape3A_84 {offsets = [1, 0, 0], sizes = [1, 32, 1024], strides = [1, 1, 1]} : vector<2x32x1024xf32> to vector<1x32x1024xf32>
    %squeeze3A_89 = vector.shape_cast %slice3A_88 : vector<1x32x1024xf32> to vector<32x1024xf32>
    %le3A_90 = arith.cmpf ole, %squeeze3A_87, %squeeze3A_89 : vector<32x1024xf32>
    %slice3A_91 = vector.extract_strided_slice %reshape3A_84 {offsets = [0, 0, 0], sizes = [1, 32, 1024], strides = [1, 1, 1]} : vector<2x32x1024xf32> to vector<1x32x1024xf32>
    %squeeze3A_92 = vector.shape_cast %slice3A_91 : vector<1x32x1024xf32> to vector<32x1024xf32>
    %slice3A_93 = vector.extract_strided_slice %reshape3A_84 {offsets = [1, 0, 0], sizes = [1, 32, 1024], strides = [1, 1, 1]} : vector<2x32x1024xf32> to vector<1x32x1024xf32>
    %squeeze3A_94 = vector.shape_cast %slice3A_93 : vector<1x32x1024xf32> to vector<32x1024xf32>
    %select_n3A_95 = arith.select %le3A_90, %squeeze3A_92, %squeeze3A_94 : vector<32x1024xi1>, vector<32x1024xf32>
    %slice3A_96 = vector.extract_strided_slice %reshape3A_85 {offsets = [0, 0, 0], sizes = [1, 32, 1024], strides = [1, 1, 1]} : vector<2x32x1024xi32> to vector<1x32x1024xi32>
    %squeeze3A_97 = vector.shape_cast %slice3A_96 : vector<1x32x1024xi32> to vector<32x1024xi32>
    %slice3A_98 = vector.extract_strided_slice %reshape3A_85 {offsets = [1, 0, 0], sizes = [1, 32, 1024], strides = [1, 1, 1]} : vector<2x32x1024xi32> to vector<1x32x1024xi32>
    %squeeze3A_99 = vector.shape_cast %slice3A_98 : vector<1x32x1024xi32> to vector<32x1024xi32>
    %select_n3A_100 = arith.select %le3A_90, %squeeze3A_97, %squeeze3A_99 : vector<32x1024xi1>, vector<32x1024xi32>
    %reshape3A_101 = vector.shape_cast %select_n3A_95 : vector<32x1024xf32> to vector<2x16x1024xf32>
    %reshape3A_102 = vector.shape_cast %select_n3A_100 : vector<32x1024xi32> to vector<2x16x1024xi32>
    %slice3A_103 = vector.extract_strided_slice %reshape3A_101 {offsets = [0, 0, 0], sizes = [1, 16, 1024], strides = [1, 1, 1]} : vector<2x16x1024xf32> to vector<1x16x1024xf32>
    %squeeze3A_104 = vector.shape_cast %slice3A_103 : vector<1x16x1024xf32> to vector<16x1024xf32>
    %slice3A_105 = vector.extract_strided_slice %reshape3A_101 {offsets = [1, 0, 0], sizes = [1, 16, 1024], strides = [1, 1, 1]} : vector<2x16x1024xf32> to vector<1x16x1024xf32>
    %squeeze3A_106 = vector.shape_cast %slice3A_105 : vector<1x16x1024xf32> to vector<16x1024xf32>
    %le3A_107 = arith.cmpf ole, %squeeze3A_104, %squeeze3A_106 : vector<16x1024xf32>
    %slice3A_108 = vector.extract_strided_slice %reshape3A_101 {offsets = [0, 0, 0], sizes = [1, 16, 1024], strides = [1, 1, 1]} : vector<2x16x1024xf32> to vector<1x16x1024xf32>
    %squeeze3A_109 = vector.shape_cast %slice3A_108 : vector<1x16x1024xf32> to vector<16x1024xf32>
    %slice3A_110 = vector.extract_strided_slice %reshape3A_101 {offsets = [1, 0, 0], sizes = [1, 16, 1024], strides = [1, 1, 1]} : vector<2x16x1024xf32> to vector<1x16x1024xf32>
    %squeeze3A_111 = vector.shape_cast %slice3A_110 : vector<1x16x1024xf32> to vector<16x1024xf32>
    %select_n3A_112 = arith.select %le3A_107, %squeeze3A_109, %squeeze3A_111 : vector<16x1024xi1>, vector<16x1024xf32>
    %slice3A_113 = vector.extract_strided_slice %reshape3A_102 {offsets = [0, 0, 0], sizes = [1, 16, 1024], strides = [1, 1, 1]} : vector<2x16x1024xi32> to vector<1x16x1024xi32>
    %squeeze3A_114 = vector.shape_cast %slice3A_113 : vector<1x16x1024xi32> to vector<16x1024xi32>
    %slice3A_115 = vector.extract_strided_slice %reshape3A_102 {offsets = [1, 0, 0], sizes = [1, 16, 1024], strides = [1, 1, 1]} : vector<2x16x1024xi32> to vector<1x16x1024xi32>
    %squeeze3A_116 = vector.shape_cast %slice3A_115 : vector<1x16x1024xi32> to vector<16x1024xi32>
    %select_n3A_117 = arith.select %le3A_107, %squeeze3A_114, %squeeze3A_116 : vector<16x1024xi1>, vector<16x1024xi32>
    %reshape3A_118 = vector.shape_cast %select_n3A_112 : vector<16x1024xf32> to vector<2x8x1024xf32>
    %reshape3A_119 = vector.shape_cast %select_n3A_117 : vector<16x1024xi32> to vector<2x8x1024xi32>
    %slice3A_120 = vector.extract_strided_slice %reshape3A_118 {offsets = [0, 0, 0], sizes = [1, 8, 1024], strides = [1, 1, 1]} : vector<2x8x1024xf32> to vector<1x8x1024xf32>
    %squeeze3A_121 = vector.shape_cast %slice3A_120 : vector<1x8x1024xf32> to vector<8x1024xf32>
    %slice3A_122 = vector.extract_strided_slice %reshape3A_118 {offsets = [1, 0, 0], sizes = [1, 8, 1024], strides = [1, 1, 1]} : vector<2x8x1024xf32> to vector<1x8x1024xf32>
    %squeeze3A_123 = vector.shape_cast %slice3A_122 : vector<1x8x1024xf32> to vector<8x1024xf32>
    %le3A_124 = arith.cmpf ole, %squeeze3A_121, %squeeze3A_123 : vector<8x1024xf32>
    %slice3A_125 = vector.extract_strided_slice %reshape3A_118 {offsets = [0, 0, 0], sizes = [1, 8, 1024], strides = [1, 1, 1]} : vector<2x8x1024xf32> to vector<1x8x1024xf32>
    %squeeze3A_126 = vector.shape_cast %slice3A_125 : vector<1x8x1024xf32> to vector<8x1024xf32>
    %slice3A_127 = vector.extract_strided_slice %reshape3A_118 {offsets = [1, 0, 0], sizes = [1, 8, 1024], strides = [1, 1, 1]} : vector<2x8x1024xf32> to vector<1x8x1024xf32>
    %squeeze3A_128 = vector.shape_cast %slice3A_127 : vector<1x8x1024xf32> to vector<8x1024xf32>
    %select_n3A_129 = arith.select %le3A_124, %squeeze3A_126, %squeeze3A_128 : vector<8x1024xi1>, vector<8x1024xf32>
    %slice3A_130 = vector.extract_strided_slice %reshape3A_119 {offsets = [0, 0, 0], sizes = [1, 8, 1024], strides = [1, 1, 1]} : vector<2x8x1024xi32> to vector<1x8x1024xi32>
    %squeeze3A_131 = vector.shape_cast %slice3A_130 : vector<1x8x1024xi32> to vector<8x1024xi32>
    %slice3A_132 = vector.extract_strided_slice %reshape3A_119 {offsets = [1, 0, 0], sizes = [1, 8, 1024], strides = [1, 1, 1]} : vector<2x8x1024xi32> to vector<1x8x1024xi32>
    %squeeze3A_133 = vector.shape_cast %slice3A_132 : vector<1x8x1024xi32> to vector<8x1024xi32>
    %select_n3A_134 = arith.select %le3A_124, %squeeze3A_131, %squeeze3A_133 : vector<8x1024xi1>, vector<8x1024xi32>
    %reshape3A_135 = vector.shape_cast %select_n3A_129 : vector<8x1024xf32> to vector<2x4x1024xf32>
    %reshape3A_136 = vector.shape_cast %select_n3A_134 : vector<8x1024xi32> to vector<2x4x1024xi32>
    %slice3A_137 = vector.extract_strided_slice %reshape3A_135 {offsets = [0, 0, 0], sizes = [1, 4, 1024], strides = [1, 1, 1]} : vector<2x4x1024xf32> to vector<1x4x1024xf32>
    %squeeze3A_138 = vector.shape_cast %slice3A_137 : vector<1x4x1024xf32> to vector<4x1024xf32>
    %slice3A_139 = vector.extract_strided_slice %reshape3A_135 {offsets = [1, 0, 0], sizes = [1, 4, 1024], strides = [1, 1, 1]} : vector<2x4x1024xf32> to vector<1x4x1024xf32>
    %squeeze3A_140 = vector.shape_cast %slice3A_139 : vector<1x4x1024xf32> to vector<4x1024xf32>
    %le3A_141 = arith.cmpf ole, %squeeze3A_138, %squeeze3A_140 : vector<4x1024xf32>
    %slice3A_142 = vector.extract_strided_slice %reshape3A_135 {offsets = [0, 0, 0], sizes = [1, 4, 1024], strides = [1, 1, 1]} : vector<2x4x1024xf32> to vector<1x4x1024xf32>
    %squeeze3A_143 = vector.shape_cast %slice3A_142 : vector<1x4x1024xf32> to vector<4x1024xf32>
    %slice3A_144 = vector.extract_strided_slice %reshape3A_135 {offsets = [1, 0, 0], sizes = [1, 4, 1024], strides = [1, 1, 1]} : vector<2x4x1024xf32> to vector<1x4x1024xf32>
    %squeeze3A_145 = vector.shape_cast %slice3A_144 : vector<1x4x1024xf32> to vector<4x1024xf32>
    %select_n3A_146 = arith.select %le3A_141, %squeeze3A_143, %squeeze3A_145 : vector<4x1024xi1>, vector<4x1024xf32>
    %slice3A_147 = vector.extract_strided_slice %reshape3A_136 {offsets = [0, 0, 0], sizes = [1, 4, 1024], strides = [1, 1, 1]} : vector<2x4x1024xi32> to vector<1x4x1024xi32>
    %squeeze3A_148 = vector.shape_cast %slice3A_147 : vector<1x4x1024xi32> to vector<4x1024xi32>
    %slice3A_149 = vector.extract_strided_slice %reshape3A_136 {offsets = [1, 0, 0], sizes = [1, 4, 1024], strides = [1, 1, 1]} : vector<2x4x1024xi32> to vector<1x4x1024xi32>
    %squeeze3A_150 = vector.shape_cast %slice3A_149 : vector<1x4x1024xi32> to vector<4x1024xi32>
    %select_n3A_151 = arith.select %le3A_141, %squeeze3A_148, %squeeze3A_150 : vector<4x1024xi1>, vector<4x1024xi32>
    %reshape3A_152 = vector.shape_cast %select_n3A_146 : vector<4x1024xf32> to vector<2x2x1024xf32>
    %reshape3A_153 = vector.shape_cast %select_n3A_151 : vector<4x1024xi32> to vector<2x2x1024xi32>
    %slice3A_154 = vector.extract_strided_slice %reshape3A_152 {offsets = [0, 0, 0], sizes = [1, 2, 1024], strides = [1, 1, 1]} : vector<2x2x1024xf32> to vector<1x2x1024xf32>
    %squeeze3A_155 = vector.shape_cast %slice3A_154 : vector<1x2x1024xf32> to vector<2x1024xf32>
    %slice3A_156 = vector.extract_strided_slice %reshape3A_152 {offsets = [1, 0, 0], sizes = [1, 2, 1024], strides = [1, 1, 1]} : vector<2x2x1024xf32> to vector<1x2x1024xf32>
    %squeeze3A_157 = vector.shape_cast %slice3A_156 : vector<1x2x1024xf32> to vector<2x1024xf32>
    %le3A_158 = arith.cmpf ole, %squeeze3A_155, %squeeze3A_157 : vector<2x1024xf32>
    %slice3A_159 = vector.extract_strided_slice %reshape3A_152 {offsets = [0, 0, 0], sizes = [1, 2, 1024], strides = [1, 1, 1]} : vector<2x2x1024xf32> to vector<1x2x1024xf32>
    %squeeze3A_160 = vector.shape_cast %slice3A_159 : vector<1x2x1024xf32> to vector<2x1024xf32>
    %slice3A_161 = vector.extract_strided_slice %reshape3A_152 {offsets = [1, 0, 0], sizes = [1, 2, 1024], strides = [1, 1, 1]} : vector<2x2x1024xf32> to vector<1x2x1024xf32>
    %squeeze3A_162 = vector.shape_cast %slice3A_161 : vector<1x2x1024xf32> to vector<2x1024xf32>
    %select_n3A_163 = arith.select %le3A_158, %squeeze3A_160, %squeeze3A_162 : vector<2x1024xi1>, vector<2x1024xf32>
    %slice3A_164 = vector.extract_strided_slice %reshape3A_153 {offsets = [0, 0, 0], sizes = [1, 2, 1024], strides = [1, 1, 1]} : vector<2x2x1024xi32> to vector<1x2x1024xi32>
    %squeeze3A_165 = vector.shape_cast %slice3A_164 : vector<1x2x1024xi32> to vector<2x1024xi32>
    %slice3A_166 = vector.extract_strided_slice %reshape3A_153 {offsets = [1, 0, 0], sizes = [1, 2, 1024], strides = [1, 1, 1]} : vector<2x2x1024xi32> to vector<1x2x1024xi32>
    %squeeze3A_167 = vector.shape_cast %slice3A_166 : vector<1x2x1024xi32> to vector<2x1024xi32>
    %select_n3A_168 = arith.select %le3A_158, %squeeze3A_165, %squeeze3A_167 : vector<2x1024xi1>, vector<2x1024xi32>
    %reshape3A_169 = vector.shape_cast %select_n3A_163 : vector<2x1024xf32> to vector<2x1x1024xf32>
    %reshape3A_170 = vector.shape_cast %select_n3A_168 : vector<2x1024xi32> to vector<2x1x1024xi32>
    %slice3A_171 = vector.extract_strided_slice %reshape3A_169 {offsets = [0, 0, 0], sizes = [1, 1, 1024], strides = [1, 1, 1]} : vector<2x1x1024xf32> to vector<1x1x1024xf32>
    %squeeze3A_172 = vector.shape_cast %slice3A_171 : vector<1x1x1024xf32> to vector<1x1024xf32>
    %slice3A_173 = vector.extract_strided_slice %reshape3A_169 {offsets = [1, 0, 0], sizes = [1, 1, 1024], strides = [1, 1, 1]} : vector<2x1x1024xf32> to vector<1x1x1024xf32>
    %squeeze3A_174 = vector.shape_cast %slice3A_173 : vector<1x1x1024xf32> to vector<1x1024xf32>
    %le3A_175 = arith.cmpf ole, %squeeze3A_172, %squeeze3A_174 : vector<1x1024xf32>
    %slice3A_176 = vector.extract_strided_slice %reshape3A_169 {offsets = [0, 0, 0], sizes = [1, 1, 1024], strides = [1, 1, 1]} : vector<2x1x1024xf32> to vector<1x1x1024xf32>
    %squeeze3A_177 = vector.shape_cast %slice3A_176 : vector<1x1x1024xf32> to vector<1x1024xf32>
    %slice3A_178 = vector.extract_strided_slice %reshape3A_169 {offsets = [1, 0, 0], sizes = [1, 1, 1024], strides = [1, 1, 1]} : vector<2x1x1024xf32> to vector<1x1x1024xf32>
    %squeeze3A_179 = vector.shape_cast %slice3A_178 : vector<1x1x1024xf32> to vector<1x1024xf32>
    %select_n3A_180 = arith.select %le3A_175, %squeeze3A_177, %squeeze3A_179 : vector<1x1024xi1>, vector<1x1024xf32>
    %slice3A_181 = vector.extract_strided_slice %reshape3A_170 {offsets = [0, 0, 0], sizes = [1, 1, 1024], strides = [1, 1, 1]} : vector<2x1x1024xi32> to vector<1x1x1024xi32>
    %squeeze3A_182 = vector.shape_cast %slice3A_181 : vector<1x1x1024xi32> to vector<1x1024xi32>
    %slice3A_183 = vector.extract_strided_slice %reshape3A_170 {offsets = [1, 0, 0], sizes = [1, 1, 1024], strides = [1, 1, 1]} : vector<2x1x1024xi32> to vector<1x1x1024xi32>
    %squeeze3A_184 = vector.shape_cast %slice3A_183 : vector<1x1x1024xi32> to vector<1x1024xi32>
    %select_n3A_185 = arith.select %le3A_175, %squeeze3A_182, %squeeze3A_184 : vector<1x1024xi1>, vector<1x1024xi32>
    %max3A = arith.constant 0.000000e+00 : f32
    %max3A_186 = vector.broadcast %max3A : f32 to vector<1x1024xf32>
    %max3A_187 = arith.maximumf %select_n3A_180, %max3A_186 : vector<1x1024xf32>
    %sqrt3A = math.sqrt %max3A_187 : vector<1x1024xf32>
    %add3A_188 = arith.constant 9.99999993E-9 : f32
    %add3A_189 = vector.broadcast %add3A_188 : f32 to vector<1x1024xf32>
    %add3A_190 = arith.addf %sqrt3A, %add3A_189 : vector<1x1024xf32>
    %div3A = arith.constant 1.000000e+00 : f32
    %div3A_191 = vector.broadcast %div3A : f32 to vector<1x1024xf32>
    %div3A_192 = arith.divf %div3A_191, %add3A_190 : vector<1x1024xf32>
    %eq3A = vector.broadcast %iota3A : vector<1024x1xi32> to vector<1024x1024xi32>
    %eq3A_193 = vector.broadcast %select_n3A_185 : vector<1x1024xi32> to vector<1024x1024xi32>
    %eq3A_194 = arith.cmpi eq, %eq3A, %eq3A_193 : vector<1024x1024xi32>
    %jit3A = arith.constant 0x7F800000 : f32
    %broadcast_in_dim3A_195 = vector.broadcast %jit3A : f32 to vector<1024x1024xf32>
    %select_n3A_196 = arith.select %eq3A_194, %broadcast_in_dim3A_195, %sub3A : vector<1024x1024xi1>, vector<1024x1024xf32>
    %iota3A_197 = tpu.iota {dimensions = array<i32: 0>} : vector<1024x1024xi32>
    %reshape3A_198 = vector.shape_cast %select_n3A_196 : vector<1024x1024xf32> to vector<2x512x1024xf32>
    %reshape3A_199 = vector.shape_cast %iota3A_197 : vector<1024x1024xi32> to vector<2x512x1024xi32>
    %slice3A_200 = vector.extract_strided_slice %reshape3A_198 {offsets = [0, 0, 0], sizes = [1, 512, 1024], strides = [1, 1, 1]} : vector<2x512x1024xf32> to vector<1x512x1024xf32>
    %squeeze3A_201 = vector.shape_cast %slice3A_200 : vector<1x512x1024xf32> to vector<512x1024xf32>
    %slice3A_202 = vector.extract_strided_slice %reshape3A_198 {offsets = [1, 0, 0], sizes = [1, 512, 1024], strides = [1, 1, 1]} : vector<2x512x1024xf32> to vector<1x512x1024xf32>
    %squeeze3A_203 = vector.shape_cast %slice3A_202 : vector<1x512x1024xf32> to vector<512x1024xf32>
    %le3A_204 = arith.cmpf ole, %squeeze3A_201, %squeeze3A_203 : vector<512x1024xf32>
    %slice3A_205 = vector.extract_strided_slice %reshape3A_198 {offsets = [0, 0, 0], sizes = [1, 512, 1024], strides = [1, 1, 1]} : vector<2x512x1024xf32> to vector<1x512x1024xf32>
    %squeeze3A_206 = vector.shape_cast %slice3A_205 : vector<1x512x1024xf32> to vector<512x1024xf32>
    %slice3A_207 = vector.extract_strided_slice %reshape3A_198 {offsets = [1, 0, 0], sizes = [1, 512, 1024], strides = [1, 1, 1]} : vector<2x512x1024xf32> to vector<1x512x1024xf32>
    %squeeze3A_208 = vector.shape_cast %slice3A_207 : vector<1x512x1024xf32> to vector<512x1024xf32>
    %select_n3A_209 = arith.select %le3A_204, %squeeze3A_206, %squeeze3A_208 : vector<512x1024xi1>, vector<512x1024xf32>
    %slice3A_210 = vector.extract_strided_slice %reshape3A_199 {offsets = [0, 0, 0], sizes = [1, 512, 1024], strides = [1, 1, 1]} : vector<2x512x1024xi32> to vector<1x512x1024xi32>
    %squeeze3A_211 = vector.shape_cast %slice3A_210 : vector<1x512x1024xi32> to vector<512x1024xi32>
    %slice3A_212 = vector.extract_strided_slice %reshape3A_199 {offsets = [1, 0, 0], sizes = [1, 512, 1024], strides = [1, 1, 1]} : vector<2x512x1024xi32> to vector<1x512x1024xi32>
    %squeeze3A_213 = vector.shape_cast %slice3A_212 : vector<1x512x1024xi32> to vector<512x1024xi32>
    %select_n3A_214 = arith.select %le3A_204, %squeeze3A_211, %squeeze3A_213 : vector<512x1024xi1>, vector<512x1024xi32>
    %reshape3A_215 = vector.shape_cast %select_n3A_209 : vector<512x1024xf32> to vector<2x256x1024xf32>
    %reshape3A_216 = vector.shape_cast %select_n3A_214 : vector<512x1024xi32> to vector<2x256x1024xi32>
    %slice3A_217 = vector.extract_strided_slice %reshape3A_215 {offsets = [0, 0, 0], sizes = [1, 256, 1024], strides = [1, 1, 1]} : vector<2x256x1024xf32> to vector<1x256x1024xf32>
    %squeeze3A_218 = vector.shape_cast %slice3A_217 : vector<1x256x1024xf32> to vector<256x1024xf32>
    %slice3A_219 = vector.extract_strided_slice %reshape3A_215 {offsets = [1, 0, 0], sizes = [1, 256, 1024], strides = [1, 1, 1]} : vector<2x256x1024xf32> to vector<1x256x1024xf32>
    %squeeze3A_220 = vector.shape_cast %slice3A_219 : vector<1x256x1024xf32> to vector<256x1024xf32>
    %le3A_221 = arith.cmpf ole, %squeeze3A_218, %squeeze3A_220 : vector<256x1024xf32>
    %slice3A_222 = vector.extract_strided_slice %reshape3A_215 {offsets = [0, 0, 0], sizes = [1, 256, 1024], strides = [1, 1, 1]} : vector<2x256x1024xf32> to vector<1x256x1024xf32>
    %squeeze3A_223 = vector.shape_cast %slice3A_222 : vector<1x256x1024xf32> to vector<256x1024xf32>
    %slice3A_224 = vector.extract_strided_slice %reshape3A_215 {offsets = [1, 0, 0], sizes = [1, 256, 1024], strides = [1, 1, 1]} : vector<2x256x1024xf32> to vector<1x256x1024xf32>
    %squeeze3A_225 = vector.shape_cast %slice3A_224 : vector<1x256x1024xf32> to vector<256x1024xf32>
    %select_n3A_226 = arith.select %le3A_221, %squeeze3A_223, %squeeze3A_225 : vector<256x1024xi1>, vector<256x1024xf32>
    %slice3A_227 = vector.extract_strided_slice %reshape3A_216 {offsets = [0, 0, 0], sizes = [1, 256, 1024], strides = [1, 1, 1]} : vector<2x256x1024xi32> to vector<1x256x1024xi32>
    %squeeze3A_228 = vector.shape_cast %slice3A_227 : vector<1x256x1024xi32> to vector<256x1024xi32>
    %slice3A_229 = vector.extract_strided_slice %reshape3A_216 {offsets = [1, 0, 0], sizes = [1, 256, 1024], strides = [1, 1, 1]} : vector<2x256x1024xi32> to vector<1x256x1024xi32>
    %squeeze3A_230 = vector.shape_cast %slice3A_229 : vector<1x256x1024xi32> to vector<256x1024xi32>
    %select_n3A_231 = arith.select %le3A_221, %squeeze3A_228, %squeeze3A_230 : vector<256x1024xi1>, vector<256x1024xi32>
    %reshape3A_232 = vector.shape_cast %select_n3A_226 : vector<256x1024xf32> to vector<2x128x1024xf32>
    %reshape3A_233 = vector.shape_cast %select_n3A_231 : vector<256x1024xi32> to vector<2x128x1024xi32>
    %slice3A_234 = vector.extract_strided_slice %reshape3A_232 {offsets = [0, 0, 0], sizes = [1, 128, 1024], strides = [1, 1, 1]} : vector<2x128x1024xf32> to vector<1x128x1024xf32>
    %squeeze3A_235 = vector.shape_cast %slice3A_234 : vector<1x128x1024xf32> to vector<128x1024xf32>
    %slice3A_236 = vector.extract_strided_slice %reshape3A_232 {offsets = [1, 0, 0], sizes = [1, 128, 1024], strides = [1, 1, 1]} : vector<2x128x1024xf32> to vector<1x128x1024xf32>
    %squeeze3A_237 = vector.shape_cast %slice3A_236 : vector<1x128x1024xf32> to vector<128x1024xf32>
    %le3A_238 = arith.cmpf ole, %squeeze3A_235, %squeeze3A_237 : vector<128x1024xf32>
    %slice3A_239 = vector.extract_strided_slice %reshape3A_232 {offsets = [0, 0, 0], sizes = [1, 128, 1024], strides = [1, 1, 1]} : vector<2x128x1024xf32> to vector<1x128x1024xf32>
    %squeeze3A_240 = vector.shape_cast %slice3A_239 : vector<1x128x1024xf32> to vector<128x1024xf32>
    %slice3A_241 = vector.extract_strided_slice %reshape3A_232 {offsets = [1, 0, 0], sizes = [1, 128, 1024], strides = [1, 1, 1]} : vector<2x128x1024xf32> to vector<1x128x1024xf32>
    %squeeze3A_242 = vector.shape_cast %slice3A_241 : vector<1x128x1024xf32> to vector<128x1024xf32>
    %select_n3A_243 = arith.select %le3A_238, %squeeze3A_240, %squeeze3A_242 : vector<128x1024xi1>, vector<128x1024xf32>
    %slice3A_244 = vector.extract_strided_slice %reshape3A_233 {offsets = [0, 0, 0], sizes = [1, 128, 1024], strides = [1, 1, 1]} : vector<2x128x1024xi32> to vector<1x128x1024xi32>
    %squeeze3A_245 = vector.shape_cast %slice3A_244 : vector<1x128x1024xi32> to vector<128x1024xi32>
    %slice3A_246 = vector.extract_strided_slice %reshape3A_233 {offsets = [1, 0, 0], sizes = [1, 128, 1024], strides = [1, 1, 1]} : vector<2x128x1024xi32> to vector<1x128x1024xi32>
    %squeeze3A_247 = vector.shape_cast %slice3A_246 : vector<1x128x1024xi32> to vector<128x1024xi32>
    %select_n3A_248 = arith.select %le3A_238, %squeeze3A_245, %squeeze3A_247 : vector<128x1024xi1>, vector<128x1024xi32>
    %reshape3A_249 = vector.shape_cast %select_n3A_243 : vector<128x1024xf32> to vector<2x64x1024xf32>
    %reshape3A_250 = vector.shape_cast %select_n3A_248 : vector<128x1024xi32> to vector<2x64x1024xi32>
    %slice3A_251 = vector.extract_strided_slice %reshape3A_249 {offsets = [0, 0, 0], sizes = [1, 64, 1024], strides = [1, 1, 1]} : vector<2x64x1024xf32> to vector<1x64x1024xf32>
    %squeeze3A_252 = vector.shape_cast %slice3A_251 : vector<1x64x1024xf32> to vector<64x1024xf32>
    %slice3A_253 = vector.extract_strided_slice %reshape3A_249 {offsets = [1, 0, 0], sizes = [1, 64, 1024], strides = [1, 1, 1]} : vector<2x64x1024xf32> to vector<1x64x1024xf32>
    %squeeze3A_254 = vector.shape_cast %slice3A_253 : vector<1x64x1024xf32> to vector<64x1024xf32>
    %le3A_255 = arith.cmpf ole, %squeeze3A_252, %squeeze3A_254 : vector<64x1024xf32>
    %slice3A_256 = vector.extract_strided_slice %reshape3A_249 {offsets = [0, 0, 0], sizes = [1, 64, 1024], strides = [1, 1, 1]} : vector<2x64x1024xf32> to vector<1x64x1024xf32>
    %squeeze3A_257 = vector.shape_cast %slice3A_256 : vector<1x64x1024xf32> to vector<64x1024xf32>
    %slice3A_258 = vector.extract_strided_slice %reshape3A_249 {offsets = [1, 0, 0], sizes = [1, 64, 1024], strides = [1, 1, 1]} : vector<2x64x1024xf32> to vector<1x64x1024xf32>
    %squeeze3A_259 = vector.shape_cast %slice3A_258 : vector<1x64x1024xf32> to vector<64x1024xf32>
    %select_n3A_260 = arith.select %le3A_255, %squeeze3A_257, %squeeze3A_259 : vector<64x1024xi1>, vector<64x1024xf32>
    %slice3A_261 = vector.extract_strided_slice %reshape3A_250 {offsets = [0, 0, 0], sizes = [1, 64, 1024], strides = [1, 1, 1]} : vector<2x64x1024xi32> to vector<1x64x1024xi32>
    %squeeze3A_262 = vector.shape_cast %slice3A_261 : vector<1x64x1024xi32> to vector<64x1024xi32>
    %slice3A_263 = vector.extract_strided_slice %reshape3A_250 {offsets = [1, 0, 0], sizes = [1, 64, 1024], strides = [1, 1, 1]} : vector<2x64x1024xi32> to vector<1x64x1024xi32>
    %squeeze3A_264 = vector.shape_cast %slice3A_263 : vector<1x64x1024xi32> to vector<64x1024xi32>
    %select_n3A_265 = arith.select %le3A_255, %squeeze3A_262, %squeeze3A_264 : vector<64x1024xi1>, vector<64x1024xi32>
    %reshape3A_266 = vector.shape_cast %select_n3A_260 : vector<64x1024xf32> to vector<2x32x1024xf32>
    %reshape3A_267 = vector.shape_cast %select_n3A_265 : vector<64x1024xi32> to vector<2x32x1024xi32>
    %slice3A_268 = vector.extract_strided_slice %reshape3A_266 {offsets = [0, 0, 0], sizes = [1, 32, 1024], strides = [1, 1, 1]} : vector<2x32x1024xf32> to vector<1x32x1024xf32>
    %squeeze3A_269 = vector.shape_cast %slice3A_268 : vector<1x32x1024xf32> to vector<32x1024xf32>
    %slice3A_270 = vector.extract_strided_slice %reshape3A_266 {offsets = [1, 0, 0], sizes = [1, 32, 1024], strides = [1, 1, 1]} : vector<2x32x1024xf32> to vector<1x32x1024xf32>
    %squeeze3A_271 = vector.shape_cast %slice3A_270 : vector<1x32x1024xf32> to vector<32x1024xf32>
    %le3A_272 = arith.cmpf ole, %squeeze3A_269, %squeeze3A_271 : vector<32x1024xf32>
    %slice3A_273 = vector.extract_strided_slice %reshape3A_266 {offsets = [0, 0, 0], sizes = [1, 32, 1024], strides = [1, 1, 1]} : vector<2x32x1024xf32> to vector<1x32x1024xf32>
    %squeeze3A_274 = vector.shape_cast %slice3A_273 : vector<1x32x1024xf32> to vector<32x1024xf32>
    %slice3A_275 = vector.extract_strided_slice %reshape3A_266 {offsets = [1, 0, 0], sizes = [1, 32, 1024], strides = [1, 1, 1]} : vector<2x32x1024xf32> to vector<1x32x1024xf32>
    %squeeze3A_276 = vector.shape_cast %slice3A_275 : vector<1x32x1024xf32> to vector<32x1024xf32>
    %select_n3A_277 = arith.select %le3A_272, %squeeze3A_274, %squeeze3A_276 : vector<32x1024xi1>, vector<32x1024xf32>
    %slice3A_278 = vector.extract_strided_slice %reshape3A_267 {offsets = [0, 0, 0], sizes = [1, 32, 1024], strides = [1, 1, 1]} : vector<2x32x1024xi32> to vector<1x32x1024xi32>
    %squeeze3A_279 = vector.shape_cast %slice3A_278 : vector<1x32x1024xi32> to vector<32x1024xi32>
    %slice3A_280 = vector.extract_strided_slice %reshape3A_267 {offsets = [1, 0, 0], sizes = [1, 32, 1024], strides = [1, 1, 1]} : vector<2x32x1024xi32> to vector<1x32x1024xi32>
    %squeeze3A_281 = vector.shape_cast %slice3A_280 : vector<1x32x1024xi32> to vector<32x1024xi32>
    %select_n3A_282 = arith.select %le3A_272, %squeeze3A_279, %squeeze3A_281 : vector<32x1024xi1>, vector<32x1024xi32>
    %reshape3A_283 = vector.shape_cast %select_n3A_277 : vector<32x1024xf32> to vector<2x16x1024xf32>
    %reshape3A_284 = vector.shape_cast %select_n3A_282 : vector<32x1024xi32> to vector<2x16x1024xi32>
    %slice3A_285 = vector.extract_strided_slice %reshape3A_283 {offsets = [0, 0, 0], sizes = [1, 16, 1024], strides = [1, 1, 1]} : vector<2x16x1024xf32> to vector<1x16x1024xf32>
    %squeeze3A_286 = vector.shape_cast %slice3A_285 : vector<1x16x1024xf32> to vector<16x1024xf32>
    %slice3A_287 = vector.extract_strided_slice %reshape3A_283 {offsets = [1, 0, 0], sizes = [1, 16, 1024], strides = [1, 1, 1]} : vector<2x16x1024xf32> to vector<1x16x1024xf32>
    %squeeze3A_288 = vector.shape_cast %slice3A_287 : vector<1x16x1024xf32> to vector<16x1024xf32>
    %le3A_289 = arith.cmpf ole, %squeeze3A_286, %squeeze3A_288 : vector<16x1024xf32>
    %slice3A_290 = vector.extract_strided_slice %reshape3A_283 {offsets = [0, 0, 0], sizes = [1, 16, 1024], strides = [1, 1, 1]} : vector<2x16x1024xf32> to vector<1x16x1024xf32>
    %squeeze3A_291 = vector.shape_cast %slice3A_290 : vector<1x16x1024xf32> to vector<16x1024xf32>
    %slice3A_292 = vector.extract_strided_slice %reshape3A_283 {offsets = [1, 0, 0], sizes = [1, 16, 1024], strides = [1, 1, 1]} : vector<2x16x1024xf32> to vector<1x16x1024xf32>
    %squeeze3A_293 = vector.shape_cast %slice3A_292 : vector<1x16x1024xf32> to vector<16x1024xf32>
    %select_n3A_294 = arith.select %le3A_289, %squeeze3A_291, %squeeze3A_293 : vector<16x1024xi1>, vector<16x1024xf32>
    %slice3A_295 = vector.extract_strided_slice %reshape3A_284 {offsets = [0, 0, 0], sizes = [1, 16, 1024], strides = [1, 1, 1]} : vector<2x16x1024xi32> to vector<1x16x1024xi32>
    %squeeze3A_296 = vector.shape_cast %slice3A_295 : vector<1x16x1024xi32> to vector<16x1024xi32>
    %slice3A_297 = vector.extract_strided_slice %reshape3A_284 {offsets = [1, 0, 0], sizes = [1, 16, 1024], strides = [1, 1, 1]} : vector<2x16x1024xi32> to vector<1x16x1024xi32>
    %squeeze3A_298 = vector.shape_cast %slice3A_297 : vector<1x16x1024xi32> to vector<16x1024xi32>
    %select_n3A_299 = arith.select %le3A_289, %squeeze3A_296, %squeeze3A_298 : vector<16x1024xi1>, vector<16x1024xi32>
    %reshape3A_300 = vector.shape_cast %select_n3A_294 : vector<16x1024xf32> to vector<2x8x1024xf32>
    %reshape3A_301 = vector.shape_cast %select_n3A_299 : vector<16x1024xi32> to vector<2x8x1024xi32>
    %slice3A_302 = vector.extract_strided_slice %reshape3A_300 {offsets = [0, 0, 0], sizes = [1, 8, 1024], strides = [1, 1, 1]} : vector<2x8x1024xf32> to vector<1x8x1024xf32>
    %squeeze3A_303 = vector.shape_cast %slice3A_302 : vector<1x8x1024xf32> to vector<8x1024xf32>
    %slice3A_304 = vector.extract_strided_slice %reshape3A_300 {offsets = [1, 0, 0], sizes = [1, 8, 1024], strides = [1, 1, 1]} : vector<2x8x1024xf32> to vector<1x8x1024xf32>
    %squeeze3A_305 = vector.shape_cast %slice3A_304 : vector<1x8x1024xf32> to vector<8x1024xf32>
    %le3A_306 = arith.cmpf ole, %squeeze3A_303, %squeeze3A_305 : vector<8x1024xf32>
    %slice3A_307 = vector.extract_strided_slice %reshape3A_300 {offsets = [0, 0, 0], sizes = [1, 8, 1024], strides = [1, 1, 1]} : vector<2x8x1024xf32> to vector<1x8x1024xf32>
    %squeeze3A_308 = vector.shape_cast %slice3A_307 : vector<1x8x1024xf32> to vector<8x1024xf32>
    %slice3A_309 = vector.extract_strided_slice %reshape3A_300 {offsets = [1, 0, 0], sizes = [1, 8, 1024], strides = [1, 1, 1]} : vector<2x8x1024xf32> to vector<1x8x1024xf32>
    %squeeze3A_310 = vector.shape_cast %slice3A_309 : vector<1x8x1024xf32> to vector<8x1024xf32>
    %select_n3A_311 = arith.select %le3A_306, %squeeze3A_308, %squeeze3A_310 : vector<8x1024xi1>, vector<8x1024xf32>
    %slice3A_312 = vector.extract_strided_slice %reshape3A_301 {offsets = [0, 0, 0], sizes = [1, 8, 1024], strides = [1, 1, 1]} : vector<2x8x1024xi32> to vector<1x8x1024xi32>
    %squeeze3A_313 = vector.shape_cast %slice3A_312 : vector<1x8x1024xi32> to vector<8x1024xi32>
    %slice3A_314 = vector.extract_strided_slice %reshape3A_301 {offsets = [1, 0, 0], sizes = [1, 8, 1024], strides = [1, 1, 1]} : vector<2x8x1024xi32> to vector<1x8x1024xi32>
    %squeeze3A_315 = vector.shape_cast %slice3A_314 : vector<1x8x1024xi32> to vector<8x1024xi32>
    %select_n3A_316 = arith.select %le3A_306, %squeeze3A_313, %squeeze3A_315 : vector<8x1024xi1>, vector<8x1024xi32>
    %reshape3A_317 = vector.shape_cast %select_n3A_311 : vector<8x1024xf32> to vector<2x4x1024xf32>
    %reshape3A_318 = vector.shape_cast %select_n3A_316 : vector<8x1024xi32> to vector<2x4x1024xi32>
    %slice3A_319 = vector.extract_strided_slice %reshape3A_317 {offsets = [0, 0, 0], sizes = [1, 4, 1024], strides = [1, 1, 1]} : vector<2x4x1024xf32> to vector<1x4x1024xf32>
    %squeeze3A_320 = vector.shape_cast %slice3A_319 : vector<1x4x1024xf32> to vector<4x1024xf32>
    %slice3A_321 = vector.extract_strided_slice %reshape3A_317 {offsets = [1, 0, 0], sizes = [1, 4, 1024], strides = [1, 1, 1]} : vector<2x4x1024xf32> to vector<1x4x1024xf32>
    %squeeze3A_322 = vector.shape_cast %slice3A_321 : vector<1x4x1024xf32> to vector<4x1024xf32>
    %le3A_323 = arith.cmpf ole, %squeeze3A_320, %squeeze3A_322 : vector<4x1024xf32>
    %slice3A_324 = vector.extract_strided_slice %reshape3A_317 {offsets = [0, 0, 0], sizes = [1, 4, 1024], strides = [1, 1, 1]} : vector<2x4x1024xf32> to vector<1x4x1024xf32>
    %squeeze3A_325 = vector.shape_cast %slice3A_324 : vector<1x4x1024xf32> to vector<4x1024xf32>
    %slice3A_326 = vector.extract_strided_slice %reshape3A_317 {offsets = [1, 0, 0], sizes = [1, 4, 1024], strides = [1, 1, 1]} : vector<2x4x1024xf32> to vector<1x4x1024xf32>
    %squeeze3A_327 = vector.shape_cast %slice3A_326 : vector<1x4x1024xf32> to vector<4x1024xf32>
    %select_n3A_328 = arith.select %le3A_323, %squeeze3A_325, %squeeze3A_327 : vector<4x1024xi1>, vector<4x1024xf32>
    %slice3A_329 = vector.extract_strided_slice %reshape3A_318 {offsets = [0, 0, 0], sizes = [1, 4, 1024], strides = [1, 1, 1]} : vector<2x4x1024xi32> to vector<1x4x1024xi32>
    %squeeze3A_330 = vector.shape_cast %slice3A_329 : vector<1x4x1024xi32> to vector<4x1024xi32>
    %slice3A_331 = vector.extract_strided_slice %reshape3A_318 {offsets = [1, 0, 0], sizes = [1, 4, 1024], strides = [1, 1, 1]} : vector<2x4x1024xi32> to vector<1x4x1024xi32>
    %squeeze3A_332 = vector.shape_cast %slice3A_331 : vector<1x4x1024xi32> to vector<4x1024xi32>
    %select_n3A_333 = arith.select %le3A_323, %squeeze3A_330, %squeeze3A_332 : vector<4x1024xi1>, vector<4x1024xi32>
    %reshape3A_334 = vector.shape_cast %select_n3A_328 : vector<4x1024xf32> to vector<2x2x1024xf32>
    %reshape3A_335 = vector.shape_cast %select_n3A_333 : vector<4x1024xi32> to vector<2x2x1024xi32>
    %slice3A_336 = vector.extract_strided_slice %reshape3A_334 {offsets = [0, 0, 0], sizes = [1, 2, 1024], strides = [1, 1, 1]} : vector<2x2x1024xf32> to vector<1x2x1024xf32>
    %squeeze3A_337 = vector.shape_cast %slice3A_336 : vector<1x2x1024xf32> to vector<2x1024xf32>
    %slice3A_338 = vector.extract_strided_slice %reshape3A_334 {offsets = [1, 0, 0], sizes = [1, 2, 1024], strides = [1, 1, 1]} : vector<2x2x1024xf32> to vector<1x2x1024xf32>
    %squeeze3A_339 = vector.shape_cast %slice3A_338 : vector<1x2x1024xf32> to vector<2x1024xf32>
    %le3A_340 = arith.cmpf ole, %squeeze3A_337, %squeeze3A_339 : vector<2x1024xf32>
    %slice3A_341 = vector.extract_strided_slice %reshape3A_334 {offsets = [0, 0, 0], sizes = [1, 2, 1024], strides = [1, 1, 1]} : vector<2x2x1024xf32> to vector<1x2x1024xf32>
    %squeeze3A_342 = vector.shape_cast %slice3A_341 : vector<1x2x1024xf32> to vector<2x1024xf32>
    %slice3A_343 = vector.extract_strided_slice %reshape3A_334 {offsets = [1, 0, 0], sizes = [1, 2, 1024], strides = [1, 1, 1]} : vector<2x2x1024xf32> to vector<1x2x1024xf32>
    %squeeze3A_344 = vector.shape_cast %slice3A_343 : vector<1x2x1024xf32> to vector<2x1024xf32>
    %select_n3A_345 = arith.select %le3A_340, %squeeze3A_342, %squeeze3A_344 : vector<2x1024xi1>, vector<2x1024xf32>
    %slice3A_346 = vector.extract_strided_slice %reshape3A_335 {offsets = [0, 0, 0], sizes = [1, 2, 1024], strides = [1, 1, 1]} : vector<2x2x1024xi32> to vector<1x2x1024xi32>
    %squeeze3A_347 = vector.shape_cast %slice3A_346 : vector<1x2x1024xi32> to vector<2x1024xi32>
    %slice3A_348 = vector.extract_strided_slice %reshape3A_335 {offsets = [1, 0, 0], sizes = [1, 2, 1024], strides = [1, 1, 1]} : vector<2x2x1024xi32> to vector<1x2x1024xi32>
    %squeeze3A_349 = vector.shape_cast %slice3A_348 : vector<1x2x1024xi32> to vector<2x1024xi32>
    %select_n3A_350 = arith.select %le3A_340, %squeeze3A_347, %squeeze3A_349 : vector<2x1024xi1>, vector<2x1024xi32>
    %reshape3A_351 = vector.shape_cast %select_n3A_345 : vector<2x1024xf32> to vector<2x1x1024xf32>
    %reshape3A_352 = vector.shape_cast %select_n3A_350 : vector<2x1024xi32> to vector<2x1x1024xi32>
    %slice3A_353 = vector.extract_strided_slice %reshape3A_351 {offsets = [0, 0, 0], sizes = [1, 1, 1024], strides = [1, 1, 1]} : vector<2x1x1024xf32> to vector<1x1x1024xf32>
    %squeeze3A_354 = vector.shape_cast %slice3A_353 : vector<1x1x1024xf32> to vector<1x1024xf32>
    %slice3A_355 = vector.extract_strided_slice %reshape3A_351 {offsets = [1, 0, 0], sizes = [1, 1, 1024], strides = [1, 1, 1]} : vector<2x1x1024xf32> to vector<1x1x1024xf32>
    %squeeze3A_356 = vector.shape_cast %slice3A_355 : vector<1x1x1024xf32> to vector<1x1024xf32>
    %le3A_357 = arith.cmpf ole, %squeeze3A_354, %squeeze3A_356 : vector<1x1024xf32>
    %slice3A_358 = vector.extract_strided_slice %reshape3A_351 {offsets = [0, 0, 0], sizes = [1, 1, 1024], strides = [1, 1, 1]} : vector<2x1x1024xf32> to vector<1x1x1024xf32>
    %squeeze3A_359 = vector.shape_cast %slice3A_358 : vector<1x1x1024xf32> to vector<1x1024xf32>
    %slice3A_360 = vector.extract_strided_slice %reshape3A_351 {offsets = [1, 0, 0], sizes = [1, 1, 1024], strides = [1, 1, 1]} : vector<2x1x1024xf32> to vector<1x1x1024xf32>
    %squeeze3A_361 = vector.shape_cast %slice3A_360 : vector<1x1x1024xf32> to vector<1x1024xf32>
    %select_n3A_362 = arith.select %le3A_357, %squeeze3A_359, %squeeze3A_361 : vector<1x1024xi1>, vector<1x1024xf32>
    %slice3A_363 = vector.extract_strided_slice %reshape3A_352 {offsets = [0, 0, 0], sizes = [1, 1, 1024], strides = [1, 1, 1]} : vector<2x1x1024xi32> to vector<1x1x1024xi32>
    %squeeze3A_364 = vector.shape_cast %slice3A_363 : vector<1x1x1024xi32> to vector<1x1024xi32>
    %slice3A_365 = vector.extract_strided_slice %reshape3A_352 {offsets = [1, 0, 0], sizes = [1, 1, 1024], strides = [1, 1, 1]} : vector<2x1x1024xi32> to vector<1x1x1024xi32>
    %squeeze3A_366 = vector.shape_cast %slice3A_365 : vector<1x1x1024xi32> to vector<1x1024xi32>
    %select_n3A_367 = arith.select %le3A_357, %squeeze3A_364, %squeeze3A_366 : vector<1x1024xi1>, vector<1x1024xi32>
    %max3A_368 = arith.constant 0.000000e+00 : f32
    %max3A_369 = vector.broadcast %max3A_368 : f32 to vector<1x1024xf32>
    %max3A_370 = arith.maximumf %select_n3A_362, %max3A_369 : vector<1x1024xf32>
    %sqrt3A_371 = math.sqrt %max3A_370 : vector<1x1024xf32>
    %add3A_372 = arith.constant 9.99999993E-9 : f32
    %add3A_373 = vector.broadcast %add3A_372 : f32 to vector<1x1024xf32>
    %add3A_374 = arith.addf %sqrt3A_371, %add3A_373 : vector<1x1024xf32>
    %div3A_375 = arith.constant 1.000000e+00 : f32
    %div3A_376 = vector.broadcast %div3A_375 : f32 to vector<1x1024xf32>
    %div3A_377 = arith.divf %div3A_376, %add3A_374 : vector<1x1024xf32>
    %eq3A_378 = vector.broadcast %iota3A : vector<1024x1xi32> to vector<1024x1024xi32>
    %eq3A_379 = vector.broadcast %select_n3A_367 : vector<1x1024xi32> to vector<1024x1024xi32>
    %eq3A_380 = arith.cmpi eq, %eq3A_378, %eq3A_379 : vector<1024x1024xi32>
    %jit3A_381 = arith.constant 0x7F800000 : f32
    %broadcast_in_dim3A_382 = vector.broadcast %jit3A_381 : f32 to vector<1024x1024xf32>
    %select_n3A_383 = arith.select %eq3A_380, %broadcast_in_dim3A_382, %select_n3A_196 : vector<1024x1024xi1>, vector<1024x1024xf32>
    %iota3A_384 = tpu.iota {dimensions = array<i32: 0>} : vector<1024x1024xi32>
    %reshape3A_385 = vector.shape_cast %select_n3A_383 : vector<1024x1024xf32> to vector<2x512x1024xf32>
    %reshape3A_386 = vector.shape_cast %iota3A_384 : vector<1024x1024xi32> to vector<2x512x1024xi32>
    %slice3A_387 = vector.extract_strided_slice %reshape3A_385 {offsets = [0, 0, 0], sizes = [1, 512, 1024], strides = [1, 1, 1]} : vector<2x512x1024xf32> to vector<1x512x1024xf32>
    %squeeze3A_388 = vector.shape_cast %slice3A_387 : vector<1x512x1024xf32> to vector<512x1024xf32>
    %slice3A_389 = vector.extract_strided_slice %reshape3A_385 {offsets = [1, 0, 0], sizes = [1, 512, 1024], strides = [1, 1, 1]} : vector<2x512x1024xf32> to vector<1x512x1024xf32>
    %squeeze3A_390 = vector.shape_cast %slice3A_389 : vector<1x512x1024xf32> to vector<512x1024xf32>
    %le3A_391 = arith.cmpf ole, %squeeze3A_388, %squeeze3A_390 : vector<512x1024xf32>
    %slice3A_392 = vector.extract_strided_slice %reshape3A_385 {offsets = [0, 0, 0], sizes = [1, 512, 1024], strides = [1, 1, 1]} : vector<2x512x1024xf32> to vector<1x512x1024xf32>
    %squeeze3A_393 = vector.shape_cast %slice3A_392 : vector<1x512x1024xf32> to vector<512x1024xf32>
    %slice3A_394 = vector.extract_strided_slice %reshape3A_385 {offsets = [1, 0, 0], sizes = [1, 512, 1024], strides = [1, 1, 1]} : vector<2x512x1024xf32> to vector<1x512x1024xf32>
    %squeeze3A_395 = vector.shape_cast %slice3A_394 : vector<1x512x1024xf32> to vector<512x1024xf32>
    %select_n3A_396 = arith.select %le3A_391, %squeeze3A_393, %squeeze3A_395 : vector<512x1024xi1>, vector<512x1024xf32>
    %slice3A_397 = vector.extract_strided_slice %reshape3A_386 {offsets = [0, 0, 0], sizes = [1, 512, 1024], strides = [1, 1, 1]} : vector<2x512x1024xi32> to vector<1x512x1024xi32>
    %squeeze3A_398 = vector.shape_cast %slice3A_397 : vector<1x512x1024xi32> to vector<512x1024xi32>
    %slice3A_399 = vector.extract_strided_slice %reshape3A_386 {offsets = [1, 0, 0], sizes = [1, 512, 1024], strides = [1, 1, 1]} : vector<2x512x1024xi32> to vector<1x512x1024xi32>
    %squeeze3A_400 = vector.shape_cast %slice3A_399 : vector<1x512x1024xi32> to vector<512x1024xi32>
    %select_n3A_401 = arith.select %le3A_391, %squeeze3A_398, %squeeze3A_400 : vector<512x1024xi1>, vector<512x1024xi32>
    %reshape3A_402 = vector.shape_cast %select_n3A_396 : vector<512x1024xf32> to vector<2x256x1024xf32>
    %reshape3A_403 = vector.shape_cast %select_n3A_401 : vector<512x1024xi32> to vector<2x256x1024xi32>
    %slice3A_404 = vector.extract_strided_slice %reshape3A_402 {offsets = [0, 0, 0], sizes = [1, 256, 1024], strides = [1, 1, 1]} : vector<2x256x1024xf32> to vector<1x256x1024xf32>
    %squeeze3A_405 = vector.shape_cast %slice3A_404 : vector<1x256x1024xf32> to vector<256x1024xf32>
    %slice3A_406 = vector.extract_strided_slice %reshape3A_402 {offsets = [1, 0, 0], sizes = [1, 256, 1024], strides = [1, 1, 1]} : vector<2x256x1024xf32> to vector<1x256x1024xf32>
    %squeeze3A_407 = vector.shape_cast %slice3A_406 : vector<1x256x1024xf32> to vector<256x1024xf32>
    %le3A_408 = arith.cmpf ole, %squeeze3A_405, %squeeze3A_407 : vector<256x1024xf32>
    %slice3A_409 = vector.extract_strided_slice %reshape3A_402 {offsets = [0, 0, 0], sizes = [1, 256, 1024], strides = [1, 1, 1]} : vector<2x256x1024xf32> to vector<1x256x1024xf32>
    %squeeze3A_410 = vector.shape_cast %slice3A_409 : vector<1x256x1024xf32> to vector<256x1024xf32>
    %slice3A_411 = vector.extract_strided_slice %reshape3A_402 {offsets = [1, 0, 0], sizes = [1, 256, 1024], strides = [1, 1, 1]} : vector<2x256x1024xf32> to vector<1x256x1024xf32>
    %squeeze3A_412 = vector.shape_cast %slice3A_411 : vector<1x256x1024xf32> to vector<256x1024xf32>
    %select_n3A_413 = arith.select %le3A_408, %squeeze3A_410, %squeeze3A_412 : vector<256x1024xi1>, vector<256x1024xf32>
    %slice3A_414 = vector.extract_strided_slice %reshape3A_403 {offsets = [0, 0, 0], sizes = [1, 256, 1024], strides = [1, 1, 1]} : vector<2x256x1024xi32> to vector<1x256x1024xi32>
    %squeeze3A_415 = vector.shape_cast %slice3A_414 : vector<1x256x1024xi32> to vector<256x1024xi32>
    %slice3A_416 = vector.extract_strided_slice %reshape3A_403 {offsets = [1, 0, 0], sizes = [1, 256, 1024], strides = [1, 1, 1]} : vector<2x256x1024xi32> to vector<1x256x1024xi32>
    %squeeze3A_417 = vector.shape_cast %slice3A_416 : vector<1x256x1024xi32> to vector<256x1024xi32>
    %select_n3A_418 = arith.select %le3A_408, %squeeze3A_415, %squeeze3A_417 : vector<256x1024xi1>, vector<256x1024xi32>
    %reshape3A_419 = vector.shape_cast %select_n3A_413 : vector<256x1024xf32> to vector<2x128x1024xf32>
    %reshape3A_420 = vector.shape_cast %select_n3A_418 : vector<256x1024xi32> to vector<2x128x1024xi32>
    %slice3A_421 = vector.extract_strided_slice %reshape3A_419 {offsets = [0, 0, 0], sizes = [1, 128, 1024], strides = [1, 1, 1]} : vector<2x128x1024xf32> to vector<1x128x1024xf32>
    %squeeze3A_422 = vector.shape_cast %slice3A_421 : vector<1x128x1024xf32> to vector<128x1024xf32>
    %slice3A_423 = vector.extract_strided_slice %reshape3A_419 {offsets = [1, 0, 0], sizes = [1, 128, 1024], strides = [1, 1, 1]} : vector<2x128x1024xf32> to vector<1x128x1024xf32>
    %squeeze3A_424 = vector.shape_cast %slice3A_423 : vector<1x128x1024xf32> to vector<128x1024xf32>
    %le3A_425 = arith.cmpf ole, %squeeze3A_422, %squeeze3A_424 : vector<128x1024xf32>
    %slice3A_426 = vector.extract_strided_slice %reshape3A_419 {offsets = [0, 0, 0], sizes = [1, 128, 1024], strides = [1, 1, 1]} : vector<2x128x1024xf32> to vector<1x128x1024xf32>
    %squeeze3A_427 = vector.shape_cast %slice3A_426 : vector<1x128x1024xf32> to vector<128x1024xf32>
    %slice3A_428 = vector.extract_strided_slice %reshape3A_419 {offsets = [1, 0, 0], sizes = [1, 128, 1024], strides = [1, 1, 1]} : vector<2x128x1024xf32> to vector<1x128x1024xf32>
    %squeeze3A_429 = vector.shape_cast %slice3A_428 : vector<1x128x1024xf32> to vector<128x1024xf32>
    %select_n3A_430 = arith.select %le3A_425, %squeeze3A_427, %squeeze3A_429 : vector<128x1024xi1>, vector<128x1024xf32>
    %slice3A_431 = vector.extract_strided_slice %reshape3A_420 {offsets = [0, 0, 0], sizes = [1, 128, 1024], strides = [1, 1, 1]} : vector<2x128x1024xi32> to vector<1x128x1024xi32>
    %squeeze3A_432 = vector.shape_cast %slice3A_431 : vector<1x128x1024xi32> to vector<128x1024xi32>
    %slice3A_433 = vector.extract_strided_slice %reshape3A_420 {offsets = [1, 0, 0], sizes = [1, 128, 1024], strides = [1, 1, 1]} : vector<2x128x1024xi32> to vector<1x128x1024xi32>
    %squeeze3A_434 = vector.shape_cast %slice3A_433 : vector<1x128x1024xi32> to vector<128x1024xi32>
    %select_n3A_435 = arith.select %le3A_425, %squeeze3A_432, %squeeze3A_434 : vector<128x1024xi1>, vector<128x1024xi32>
    %reshape3A_436 = vector.shape_cast %select_n3A_430 : vector<128x1024xf32> to vector<2x64x1024xf32>
    %reshape3A_437 = vector.shape_cast %select_n3A_435 : vector<128x1024xi32> to vector<2x64x1024xi32>
    %slice3A_438 = vector.extract_strided_slice %reshape3A_436 {offsets = [0, 0, 0], sizes = [1, 64, 1024], strides = [1, 1, 1]} : vector<2x64x1024xf32> to vector<1x64x1024xf32>
    %squeeze3A_439 = vector.shape_cast %slice3A_438 : vector<1x64x1024xf32> to vector<64x1024xf32>
    %slice3A_440 = vector.extract_strided_slice %reshape3A_436 {offsets = [1, 0, 0], sizes = [1, 64, 1024], strides = [1, 1, 1]} : vector<2x64x1024xf32> to vector<1x64x1024xf32>
    %squeeze3A_441 = vector.shape_cast %slice3A_440 : vector<1x64x1024xf32> to vector<64x1024xf32>
    %le3A_442 = arith.cmpf ole, %squeeze3A_439, %squeeze3A_441 : vector<64x1024xf32>
    %slice3A_443 = vector.extract_strided_slice %reshape3A_436 {offsets = [0, 0, 0], sizes = [1, 64, 1024], strides = [1, 1, 1]} : vector<2x64x1024xf32> to vector<1x64x1024xf32>
    %squeeze3A_444 = vector.shape_cast %slice3A_443 : vector<1x64x1024xf32> to vector<64x1024xf32>
    %slice3A_445 = vector.extract_strided_slice %reshape3A_436 {offsets = [1, 0, 0], sizes = [1, 64, 1024], strides = [1, 1, 1]} : vector<2x64x1024xf32> to vector<1x64x1024xf32>
    %squeeze3A_446 = vector.shape_cast %slice3A_445 : vector<1x64x1024xf32> to vector<64x1024xf32>
    %select_n3A_447 = arith.select %le3A_442, %squeeze3A_444, %squeeze3A_446 : vector<64x1024xi1>, vector<64x1024xf32>
    %slice3A_448 = vector.extract_strided_slice %reshape3A_437 {offsets = [0, 0, 0], sizes = [1, 64, 1024], strides = [1, 1, 1]} : vector<2x64x1024xi32> to vector<1x64x1024xi32>
    %squeeze3A_449 = vector.shape_cast %slice3A_448 : vector<1x64x1024xi32> to vector<64x1024xi32>
    %slice3A_450 = vector.extract_strided_slice %reshape3A_437 {offsets = [1, 0, 0], sizes = [1, 64, 1024], strides = [1, 1, 1]} : vector<2x64x1024xi32> to vector<1x64x1024xi32>
    %squeeze3A_451 = vector.shape_cast %slice3A_450 : vector<1x64x1024xi32> to vector<64x1024xi32>
    %select_n3A_452 = arith.select %le3A_442, %squeeze3A_449, %squeeze3A_451 : vector<64x1024xi1>, vector<64x1024xi32>
    %reshape3A_453 = vector.shape_cast %select_n3A_447 : vector<64x1024xf32> to vector<2x32x1024xf32>
    %reshape3A_454 = vector.shape_cast %select_n3A_452 : vector<64x1024xi32> to vector<2x32x1024xi32>
    %slice3A_455 = vector.extract_strided_slice %reshape3A_453 {offsets = [0, 0, 0], sizes = [1, 32, 1024], strides = [1, 1, 1]} : vector<2x32x1024xf32> to vector<1x32x1024xf32>
    %squeeze3A_456 = vector.shape_cast %slice3A_455 : vector<1x32x1024xf32> to vector<32x1024xf32>
    %slice3A_457 = vector.extract_strided_slice %reshape3A_453 {offsets = [1, 0, 0], sizes = [1, 32, 1024], strides = [1, 1, 1]} : vector<2x32x1024xf32> to vector<1x32x1024xf32>
    %squeeze3A_458 = vector.shape_cast %slice3A_457 : vector<1x32x1024xf32> to vector<32x1024xf32>
    %le3A_459 = arith.cmpf ole, %squeeze3A_456, %squeeze3A_458 : vector<32x1024xf32>
    %slice3A_460 = vector.extract_strided_slice %reshape3A_453 {offsets = [0, 0, 0], sizes = [1, 32, 1024], strides = [1, 1, 1]} : vector<2x32x1024xf32> to vector<1x32x1024xf32>
    %squeeze3A_461 = vector.shape_cast %slice3A_460 : vector<1x32x1024xf32> to vector<32x1024xf32>
    %slice3A_462 = vector.extract_strided_slice %reshape3A_453 {offsets = [1, 0, 0], sizes = [1, 32, 1024], strides = [1, 1, 1]} : vector<2x32x1024xf32> to vector<1x32x1024xf32>
    %squeeze3A_463 = vector.shape_cast %slice3A_462 : vector<1x32x1024xf32> to vector<32x1024xf32>
    %select_n3A_464 = arith.select %le3A_459, %squeeze3A_461, %squeeze3A_463 : vector<32x1024xi1>, vector<32x1024xf32>
    %slice3A_465 = vector.extract_strided_slice %reshape3A_454 {offsets = [0, 0, 0], sizes = [1, 32, 1024], strides = [1, 1, 1]} : vector<2x32x1024xi32> to vector<1x32x1024xi32>
    %squeeze3A_466 = vector.shape_cast %slice3A_465 : vector<1x32x1024xi32> to vector<32x1024xi32>
    %slice3A_467 = vector.extract_strided_slice %reshape3A_454 {offsets = [1, 0, 0], sizes = [1, 32, 1024], strides = [1, 1, 1]} : vector<2x32x1024xi32> to vector<1x32x1024xi32>
    %squeeze3A_468 = vector.shape_cast %slice3A_467 : vector<1x32x1024xi32> to vector<32x1024xi32>
    %select_n3A_469 = arith.select %le3A_459, %squeeze3A_466, %squeeze3A_468 : vector<32x1024xi1>, vector<32x1024xi32>
    %reshape3A_470 = vector.shape_cast %select_n3A_464 : vector<32x1024xf32> to vector<2x16x1024xf32>
    %reshape3A_471 = vector.shape_cast %select_n3A_469 : vector<32x1024xi32> to vector<2x16x1024xi32>
    %slice3A_472 = vector.extract_strided_slice %reshape3A_470 {offsets = [0, 0, 0], sizes = [1, 16, 1024], strides = [1, 1, 1]} : vector<2x16x1024xf32> to vector<1x16x1024xf32>
    %squeeze3A_473 = vector.shape_cast %slice3A_472 : vector<1x16x1024xf32> to vector<16x1024xf32>
    %slice3A_474 = vector.extract_strided_slice %reshape3A_470 {offsets = [1, 0, 0], sizes = [1, 16, 1024], strides = [1, 1, 1]} : vector<2x16x1024xf32> to vector<1x16x1024xf32>
    %squeeze3A_475 = vector.shape_cast %slice3A_474 : vector<1x16x1024xf32> to vector<16x1024xf32>
    %le3A_476 = arith.cmpf ole, %squeeze3A_473, %squeeze3A_475 : vector<16x1024xf32>
    %slice3A_477 = vector.extract_strided_slice %reshape3A_470 {offsets = [0, 0, 0], sizes = [1, 16, 1024], strides = [1, 1, 1]} : vector<2x16x1024xf32> to vector<1x16x1024xf32>
    %squeeze3A_478 = vector.shape_cast %slice3A_477 : vector<1x16x1024xf32> to vector<16x1024xf32>
    %slice3A_479 = vector.extract_strided_slice %reshape3A_470 {offsets = [1, 0, 0], sizes = [1, 16, 1024], strides = [1, 1, 1]} : vector<2x16x1024xf32> to vector<1x16x1024xf32>
    %squeeze3A_480 = vector.shape_cast %slice3A_479 : vector<1x16x1024xf32> to vector<16x1024xf32>
    %select_n3A_481 = arith.select %le3A_476, %squeeze3A_478, %squeeze3A_480 : vector<16x1024xi1>, vector<16x1024xf32>
    %slice3A_482 = vector.extract_strided_slice %reshape3A_471 {offsets = [0, 0, 0], sizes = [1, 16, 1024], strides = [1, 1, 1]} : vector<2x16x1024xi32> to vector<1x16x1024xi32>
    %squeeze3A_483 = vector.shape_cast %slice3A_482 : vector<1x16x1024xi32> to vector<16x1024xi32>
    %slice3A_484 = vector.extract_strided_slice %reshape3A_471 {offsets = [1, 0, 0], sizes = [1, 16, 1024], strides = [1, 1, 1]} : vector<2x16x1024xi32> to vector<1x16x1024xi32>
    %squeeze3A_485 = vector.shape_cast %slice3A_484 : vector<1x16x1024xi32> to vector<16x1024xi32>
    %select_n3A_486 = arith.select %le3A_476, %squeeze3A_483, %squeeze3A_485 : vector<16x1024xi1>, vector<16x1024xi32>
    %reshape3A_487 = vector.shape_cast %select_n3A_481 : vector<16x1024xf32> to vector<2x8x1024xf32>
    %reshape3A_488 = vector.shape_cast %select_n3A_486 : vector<16x1024xi32> to vector<2x8x1024xi32>
    %slice3A_489 = vector.extract_strided_slice %reshape3A_487 {offsets = [0, 0, 0], sizes = [1, 8, 1024], strides = [1, 1, 1]} : vector<2x8x1024xf32> to vector<1x8x1024xf32>
    %squeeze3A_490 = vector.shape_cast %slice3A_489 : vector<1x8x1024xf32> to vector<8x1024xf32>
    %slice3A_491 = vector.extract_strided_slice %reshape3A_487 {offsets = [1, 0, 0], sizes = [1, 8, 1024], strides = [1, 1, 1]} : vector<2x8x1024xf32> to vector<1x8x1024xf32>
    %squeeze3A_492 = vector.shape_cast %slice3A_491 : vector<1x8x1024xf32> to vector<8x1024xf32>
    %le3A_493 = arith.cmpf ole, %squeeze3A_490, %squeeze3A_492 : vector<8x1024xf32>
    %slice3A_494 = vector.extract_strided_slice %reshape3A_487 {offsets = [0, 0, 0], sizes = [1, 8, 1024], strides = [1, 1, 1]} : vector<2x8x1024xf32> to vector<1x8x1024xf32>
    %squeeze3A_495 = vector.shape_cast %slice3A_494 : vector<1x8x1024xf32> to vector<8x1024xf32>
    %slice3A_496 = vector.extract_strided_slice %reshape3A_487 {offsets = [1, 0, 0], sizes = [1, 8, 1024], strides = [1, 1, 1]} : vector<2x8x1024xf32> to vector<1x8x1024xf32>
    %squeeze3A_497 = vector.shape_cast %slice3A_496 : vector<1x8x1024xf32> to vector<8x1024xf32>
    %select_n3A_498 = arith.select %le3A_493, %squeeze3A_495, %squeeze3A_497 : vector<8x1024xi1>, vector<8x1024xf32>
    %slice3A_499 = vector.extract_strided_slice %reshape3A_488 {offsets = [0, 0, 0], sizes = [1, 8, 1024], strides = [1, 1, 1]} : vector<2x8x1024xi32> to vector<1x8x1024xi32>
    %squeeze3A_500 = vector.shape_cast %slice3A_499 : vector<1x8x1024xi32> to vector<8x1024xi32>
    %slice3A_501 = vector.extract_strided_slice %reshape3A_488 {offsets = [1, 0, 0], sizes = [1, 8, 1024], strides = [1, 1, 1]} : vector<2x8x1024xi32> to vector<1x8x1024xi32>
    %squeeze3A_502 = vector.shape_cast %slice3A_501 : vector<1x8x1024xi32> to vector<8x1024xi32>
    %select_n3A_503 = arith.select %le3A_493, %squeeze3A_500, %squeeze3A_502 : vector<8x1024xi1>, vector<8x1024xi32>
    %reshape3A_504 = vector.shape_cast %select_n3A_498 : vector<8x1024xf32> to vector<2x4x1024xf32>
    %reshape3A_505 = vector.shape_cast %select_n3A_503 : vector<8x1024xi32> to vector<2x4x1024xi32>
    %slice3A_506 = vector.extract_strided_slice %reshape3A_504 {offsets = [0, 0, 0], sizes = [1, 4, 1024], strides = [1, 1, 1]} : vector<2x4x1024xf32> to vector<1x4x1024xf32>
    %squeeze3A_507 = vector.shape_cast %slice3A_506 : vector<1x4x1024xf32> to vector<4x1024xf32>
    %slice3A_508 = vector.extract_strided_slice %reshape3A_504 {offsets = [1, 0, 0], sizes = [1, 4, 1024], strides = [1, 1, 1]} : vector<2x4x1024xf32> to vector<1x4x1024xf32>
    %squeeze3A_509 = vector.shape_cast %slice3A_508 : vector<1x4x1024xf32> to vector<4x1024xf32>
    %le3A_510 = arith.cmpf ole, %squeeze3A_507, %squeeze3A_509 : vector<4x1024xf32>
    %slice3A_511 = vector.extract_strided_slice %reshape3A_504 {offsets = [0, 0, 0], sizes = [1, 4, 1024], strides = [1, 1, 1]} : vector<2x4x1024xf32> to vector<1x4x1024xf32>
    %squeeze3A_512 = vector.shape_cast %slice3A_511 : vector<1x4x1024xf32> to vector<4x1024xf32>
    %slice3A_513 = vector.extract_strided_slice %reshape3A_504 {offsets = [1, 0, 0], sizes = [1, 4, 1024], strides = [1, 1, 1]} : vector<2x4x1024xf32> to vector<1x4x1024xf32>
    %squeeze3A_514 = vector.shape_cast %slice3A_513 : vector<1x4x1024xf32> to vector<4x1024xf32>
    %select_n3A_515 = arith.select %le3A_510, %squeeze3A_512, %squeeze3A_514 : vector<4x1024xi1>, vector<4x1024xf32>
    %slice3A_516 = vector.extract_strided_slice %reshape3A_505 {offsets = [0, 0, 0], sizes = [1, 4, 1024], strides = [1, 1, 1]} : vector<2x4x1024xi32> to vector<1x4x1024xi32>
    %squeeze3A_517 = vector.shape_cast %slice3A_516 : vector<1x4x1024xi32> to vector<4x1024xi32>
    %slice3A_518 = vector.extract_strided_slice %reshape3A_505 {offsets = [1, 0, 0], sizes = [1, 4, 1024], strides = [1, 1, 1]} : vector<2x4x1024xi32> to vector<1x4x1024xi32>
    %squeeze3A_519 = vector.shape_cast %slice3A_518 : vector<1x4x1024xi32> to vector<4x1024xi32>
    %select_n3A_520 = arith.select %le3A_510, %squeeze3A_517, %squeeze3A_519 : vector<4x1024xi1>, vector<4x1024xi32>
    %reshape3A_521 = vector.shape_cast %select_n3A_515 : vector<4x1024xf32> to vector<2x2x1024xf32>
    %reshape3A_522 = vector.shape_cast %select_n3A_520 : vector<4x1024xi32> to vector<2x2x1024xi32>
    %slice3A_523 = vector.extract_strided_slice %reshape3A_521 {offsets = [0, 0, 0], sizes = [1, 2, 1024], strides = [1, 1, 1]} : vector<2x2x1024xf32> to vector<1x2x1024xf32>
    %squeeze3A_524 = vector.shape_cast %slice3A_523 : vector<1x2x1024xf32> to vector<2x1024xf32>
    %slice3A_525 = vector.extract_strided_slice %reshape3A_521 {offsets = [1, 0, 0], sizes = [1, 2, 1024], strides = [1, 1, 1]} : vector<2x2x1024xf32> to vector<1x2x1024xf32>
    %squeeze3A_526 = vector.shape_cast %slice3A_525 : vector<1x2x1024xf32> to vector<2x1024xf32>
    %le3A_527 = arith.cmpf ole, %squeeze3A_524, %squeeze3A_526 : vector<2x1024xf32>
    %slice3A_528 = vector.extract_strided_slice %reshape3A_521 {offsets = [0, 0, 0], sizes = [1, 2, 1024], strides = [1, 1, 1]} : vector<2x2x1024xf32> to vector<1x2x1024xf32>
    %squeeze3A_529 = vector.shape_cast %slice3A_528 : vector<1x2x1024xf32> to vector<2x1024xf32>
    %slice3A_530 = vector.extract_strided_slice %reshape3A_521 {offsets = [1, 0, 0], sizes = [1, 2, 1024], strides = [1, 1, 1]} : vector<2x2x1024xf32> to vector<1x2x1024xf32>
    %squeeze3A_531 = vector.shape_cast %slice3A_530 : vector<1x2x1024xf32> to vector<2x1024xf32>
    %select_n3A_532 = arith.select %le3A_527, %squeeze3A_529, %squeeze3A_531 : vector<2x1024xi1>, vector<2x1024xf32>
    %slice3A_533 = vector.extract_strided_slice %reshape3A_522 {offsets = [0, 0, 0], sizes = [1, 2, 1024], strides = [1, 1, 1]} : vector<2x2x1024xi32> to vector<1x2x1024xi32>
    %squeeze3A_534 = vector.shape_cast %slice3A_533 : vector<1x2x1024xi32> to vector<2x1024xi32>
    %slice3A_535 = vector.extract_strided_slice %reshape3A_522 {offsets = [1, 0, 0], sizes = [1, 2, 1024], strides = [1, 1, 1]} : vector<2x2x1024xi32> to vector<1x2x1024xi32>
    %squeeze3A_536 = vector.shape_cast %slice3A_535 : vector<1x2x1024xi32> to vector<2x1024xi32>
    %select_n3A_537 = arith.select %le3A_527, %squeeze3A_534, %squeeze3A_536 : vector<2x1024xi1>, vector<2x1024xi32>
    %reshape3A_538 = vector.shape_cast %select_n3A_532 : vector<2x1024xf32> to vector<2x1x1024xf32>
    %reshape3A_539 = vector.shape_cast %select_n3A_537 : vector<2x1024xi32> to vector<2x1x1024xi32>
    %slice3A_540 = vector.extract_strided_slice %reshape3A_538 {offsets = [0, 0, 0], sizes = [1, 1, 1024], strides = [1, 1, 1]} : vector<2x1x1024xf32> to vector<1x1x1024xf32>
    %squeeze3A_541 = vector.shape_cast %slice3A_540 : vector<1x1x1024xf32> to vector<1x1024xf32>
    %slice3A_542 = vector.extract_strided_slice %reshape3A_538 {offsets = [1, 0, 0], sizes = [1, 1, 1024], strides = [1, 1, 1]} : vector<2x1x1024xf32> to vector<1x1x1024xf32>
    %squeeze3A_543 = vector.shape_cast %slice3A_542 : vector<1x1x1024xf32> to vector<1x1024xf32>
    %le3A_544 = arith.cmpf ole, %squeeze3A_541, %squeeze3A_543 : vector<1x1024xf32>
    %slice3A_545 = vector.extract_strided_slice %reshape3A_538 {offsets = [0, 0, 0], sizes = [1, 1, 1024], strides = [1, 1, 1]} : vector<2x1x1024xf32> to vector<1x1x1024xf32>
    %squeeze3A_546 = vector.shape_cast %slice3A_545 : vector<1x1x1024xf32> to vector<1x1024xf32>
    %slice3A_547 = vector.extract_strided_slice %reshape3A_538 {offsets = [1, 0, 0], sizes = [1, 1, 1024], strides = [1, 1, 1]} : vector<2x1x1024xf32> to vector<1x1x1024xf32>
    %squeeze3A_548 = vector.shape_cast %slice3A_547 : vector<1x1x1024xf32> to vector<1x1024xf32>
    %select_n3A_549 = arith.select %le3A_544, %squeeze3A_546, %squeeze3A_548 : vector<1x1024xi1>, vector<1x1024xf32>
    %slice3A_550 = vector.extract_strided_slice %reshape3A_539 {offsets = [0, 0, 0], sizes = [1, 1, 1024], strides = [1, 1, 1]} : vector<2x1x1024xi32> to vector<1x1x1024xi32>
    %squeeze3A_551 = vector.shape_cast %slice3A_550 : vector<1x1x1024xi32> to vector<1x1024xi32>
    %slice3A_552 = vector.extract_strided_slice %reshape3A_539 {offsets = [1, 0, 0], sizes = [1, 1, 1024], strides = [1, 1, 1]} : vector<2x1x1024xi32> to vector<1x1x1024xi32>
    %squeeze3A_553 = vector.shape_cast %slice3A_552 : vector<1x1x1024xi32> to vector<1x1024xi32>
    %select_n3A_554 = arith.select %le3A_544, %squeeze3A_551, %squeeze3A_553 : vector<1x1024xi1>, vector<1x1024xi32>
    %max3A_555 = arith.constant 0.000000e+00 : f32
    %max3A_556 = vector.broadcast %max3A_555 : f32 to vector<1x1024xf32>
    %max3A_557 = arith.maximumf %select_n3A_549, %max3A_556 : vector<1x1024xf32>
    %sqrt3A_558 = math.sqrt %max3A_557 : vector<1x1024xf32>
    %add3A_559 = arith.constant 9.99999993E-9 : f32
    %add3A_560 = vector.broadcast %add3A_559 : f32 to vector<1x1024xf32>
    %add3A_561 = arith.addf %sqrt3A_558, %add3A_560 : vector<1x1024xf32>
    %div3A_562 = arith.constant 1.000000e+00 : f32
    %div3A_563 = vector.broadcast %div3A_562 : f32 to vector<1x1024xf32>
    %div3A_564 = arith.divf %div3A_563, %add3A_561 : vector<1x1024xf32>
    %add3A_565 = arith.addf %div3A_192, %div3A_377 : vector<1x1024xf32>
    %add3A_566 = arith.addf %add3A_565, %div3A_564 : vector<1x1024xf32>
    %concatenate3A = tpu.concatenate %select_n3A_185, %select_n3A_367, %select_n3A_554 in 0 : vector<1x1024xi32>, vector<1x1024xi32>, vector<1x1024xi32> -> vector<3x1024xi32>
    %mul3A_567 = arith.constant 1024 : i32
    %mul3A_568 = arith.muli %arg0, %mul3A_567 : i32
    %add3A_569 = vector.broadcast %mul3A_568 : i32 to vector<3x1024xi32>
    %add3A_570 = arith.addi %concatenate3A, %add3A_569 : vector<3x1024xi32>
    %swap3A = arith.constant 0 : index
    %swap3A_571 = arith.constant 0 : index
    %swap3A_572 = arith.constant 0 : index
    %swap3A_573 = vector.load %arg4[%swap3A, %swap3A_571, %swap3A_572] : memref<1x3x1024xi32, #tpu.memory_space<vmem>>, vector<1x3x1024xi32>
    %swap3A_574 = vector.shape_cast %swap3A_573 : vector<1x3x1024xi32> to vector<3x1024xi32>
    %swap3A_575 = vector.shape_cast %add3A_570 : vector<3x1024xi32> to vector<1x3x1024xi32>
    tpu.vector_store %arg4[%swap3A, %swap3A_571, %swap3A_572], %swap3A_575 {strides = array<i32>} : memref<1x3x1024xi32, #tpu.memory_space<vmem>>, vector<1x3x1024xi32>,
    %div3A_576 = arith.divf %div3A_192, %add3A_566 : vector<1x1024xf32>
    %div3A_577 = arith.divf %div3A_377, %add3A_566 : vector<1x1024xf32>
    %div3A_578 = arith.divf %div3A_564, %add3A_566 : vector<1x1024xf32>
    %concatenate3A_579 = tpu.concatenate %div3A_576, %div3A_577, %div3A_578 in 0 : vector<1x1024xf32>, vector<1x1024xf32>, vector<1x1024xf32> -> vector<3x1024xf32>
    %transpose3A = tpu.transpose %concatenate3A_579, [1, 0] : vector<3x1024xf32> -> vector<1024x3xf32>
    %swap3A_580 = arith.constant 0 : index
    %swap3A_581 = arith.constant 0 : index
    %swap3A_582 = arith.constant 0 : index
    %swap3A_583 = vector.load %arg5[%swap3A_580, %swap3A_581, %swap3A_582] : memref<1x1024x3xf32, #tpu.memory_space<vmem>>, vector<1x1024x3xf32>
    %swap3A_584 = vector.shape_cast %swap3A_583 : vector<1x1024x3xf32> to vector<1024x3xf32>
    %swap3A_585 = vector.shape_cast %transpose3A : vector<1024x3xf32> to vector<1x1024x3xf32>
    tpu.vector_store %arg5[%swap3A_580, %swap3A_581, %swap3A_582], %swap3A_585 {strides = array<i32>} : memref<1x1024x3xf32, #tpu.memory_space<vmem>>, vector<1x1024x3xf32>,
    return
  }
  func.func @transform_0(%arg0: i32, %arg1: i32) -> (i32, i32, i32) {
    %c0_i32 = arith.constant 0 : i32
    %c0_i32_0 = arith.constant 0 : i32
    return %arg0, %c0_i32, %arg1 : i32, i32, i32
  }
  func.func @transform_1(%arg0: i32, %arg1: i32) -> (i32, i32, i32) {
    %c0_i32 = arith.constant 0 : i32
    %c0_i32_0 = arith.constant 0 : i32
    %c0_i32_1 = arith.constant 0 : i32
    return %arg0, %c0_i32, %c0_i32_0 : i32, i32, i32
  }
  func.func @transform_2(%arg0: i32, %arg1: i32) -> (i32, i32, i32) {
    %c0_i32 = arith.constant 0 : i32
    %c0_i32_0 = arith.constant 0 : i32
    return %arg0, %c0_i32, %arg1 : i32, i32, i32
  }
  func.func @transform_3(%arg0: i32, %arg1: i32) -> (i32, i32, i32) {
    %c0_i32 = arith.constant 0 : i32
    %c0_i32_0 = arith.constant 0 : i32
    return %arg0, %arg1, %c0_i32 : i32, i32, i32
  }
}

module attributes {stable_mosaic.version = 14 : i64} {
  func.func @_conv0_kernel(%arg0: i32, %arg1: i32, %arg2: memref<1024x128xf32, #tpu.memory_space<vmem>>, %arg3: memref<1024x128xf32, #tpu.memory_space<vmem>>, %arg4: memref<1024x128xf32, #tpu.memory_space<vmem>>, %arg5: memref<1x1024x3xf32, #tpu.memory_space<vmem>>, %arg6: memref<1x64x1024xf32, #tpu.memory_space<vmem>>, %arg7: memref<1x32x512xf32, #tpu.memory_space<vmem>>, %arg8: memref<1x64x1xf32, #tpu.memory_space<vmem>>, %arg9: memref<128x224xf32, #tpu.memory_space<vmem>>, %arg10: memref<1x128x1024xf32, #tpu.memory_space<vmem>>, %arg11: memref<128x1xf32, #tpu.memory_space<vmem>>, %arg12: memref<128x1xf32, #tpu.memory_space<vmem>>) attributes {dimension_semantics = [#tpu.dimension_semantics<arbitrary>, #tpu.dimension_semantics<arbitrary>], iteration_bounds = array<i64: 8, 4>, scalar_prefetch = 0 : i64, scratch_operands = 0 : i64, tpu.core_type = #tpu.core_type<tc>, window_params = [{transform_indices = @transform_0, window_bounds = array<i64: 1024, 128>}, {transform_indices = @transform_1, window_bounds = array<i64: 1024, 128>}, {transform_indices = @transform_2, window_bounds = array<i64: 1024, 128>}, {transform_indices = @transform_3, window_bounds = array<i64: 1, 1024, 3>}, {transform_indices = @transform_4, window_bounds = array<i64: 1, 64, 1024>}, {transform_indices = @transform_5, window_bounds = array<i64: 1, 32, 512>}, {transform_indices = @transform_6, window_bounds = array<i64: 1, 64, 1>}, {pipeline_mode = #tpu.pipeline_mode<synchronous>, transform_indices = @transform_7, window_bounds = array<i64: 128, 224>}, {transform_indices = @transform_8, window_bounds = array<i64: 1, 128, 1024>}, {pipeline_mode = #tpu.pipeline_mode<synchronous>, transform_indices = @transform_9, window_bounds = array<i64: 128, 1>}, {pipeline_mode = #tpu.pipeline_mode<synchronous>, transform_indices = @transform_10, window_bounds = array<i64: 128, 1>}]} {
    %get3A = arith.constant 0 : index
    %get3A_0 = arith.constant 0 : index
    %get3A_1 = arith.constant 0 : index
    %get3A_2 = vector.load %arg5[%get3A, %get3A_0, %get3A_1] : memref<1x1024x3xf32, #tpu.memory_space<vmem>>, vector<1x1024x3xf32>
    %get3A_3 = vector.shape_cast %get3A_2 : vector<1x1024x3xf32> to vector<1024x3xf32>
    %slice3A = vector.extract_strided_slice %get3A_3 {offsets = [0, 0], sizes = [1024, 1], strides = [1, 1]} : vector<1024x3xf32> to vector<1024x1xf32>
    %get3A_4 = arith.constant 0 : index
    %get3A_5 = arith.constant 0 : index
    %get3A_6 = vector.load %arg2[%get3A_4, %get3A_5] : memref<1024x128xf32, #tpu.memory_space<vmem>>, vector<1024x128xf32>
    %mul3A = vector.broadcast %slice3A : vector<1024x1xf32> to vector<1024x128xf32>
    %mul3A_7 = arith.mulf %mul3A, %get3A_6 : vector<1024x128xf32>
    %slice3A_8 = vector.extract_strided_slice %get3A_3 {offsets = [0, 1], sizes = [1024, 1], strides = [1, 1]} : vector<1024x3xf32> to vector<1024x1xf32>
    %get3A_9 = arith.constant 0 : index
    %get3A_10 = arith.constant 0 : index
    %get3A_11 = vector.load %arg3[%get3A_9, %get3A_10] : memref<1024x128xf32, #tpu.memory_space<vmem>>, vector<1024x128xf32>
    %mul3A_12 = vector.broadcast %slice3A_8 : vector<1024x1xf32> to vector<1024x128xf32>
    %mul3A_13 = arith.mulf %mul3A_12, %get3A_11 : vector<1024x128xf32>
    %add3A = arith.addf %mul3A_7, %mul3A_13 : vector<1024x128xf32>
    %slice3A_14 = vector.extract_strided_slice %get3A_3 {offsets = [0, 2], sizes = [1024, 1], strides = [1, 1]} : vector<1024x3xf32> to vector<1024x1xf32>
    %get3A_15 = arith.constant 0 : index
    %get3A_16 = arith.constant 0 : index
    %get3A_17 = vector.load %arg4[%get3A_15, %get3A_16] : memref<1024x128xf32, #tpu.memory_space<vmem>>, vector<1024x128xf32>
    %mul3A_18 = vector.broadcast %slice3A_14 : vector<1024x1xf32> to vector<1024x128xf32>
    %mul3A_19 = arith.mulf %mul3A_18, %get3A_17 : vector<1024x128xf32>
    %add3A_20 = arith.addf %add3A, %mul3A_19 : vector<1024x128xf32>
    %transpose3A = tpu.transpose %add3A_20, [1, 0] : vector<1024x128xf32> -> vector<128x1024xf32>
    %get3A_21 = arith.constant 0 : index
    %get3A_22 = arith.constant 0 : index
    %get3A_23 = arith.constant 0 : index
    %get3A_24 = vector.load %arg6[%get3A_21, %get3A_22, %get3A_23] : memref<1x64x1024xf32, #tpu.memory_space<vmem>>, vector<1x64x1024xf32>
    %get3A_25 = vector.shape_cast %get3A_24 : vector<1x64x1024xf32> to vector<64x1024xf32>
    %get3A_26 = arith.constant 0 : index
    %get3A_27 = arith.constant 0 : index
    %get3A_28 = arith.constant 0 : index
    %get3A_29 = vector.load %arg8[%get3A_26, %get3A_27, %get3A_28] : memref<1x64x1xf32, #tpu.memory_space<vmem>>, vector<1x64x1xf32>
    %get3A_30 = vector.shape_cast %get3A_29 : vector<1x64x1xf32> to vector<64x1xf32>
    %mul3A_31 = vector.broadcast %get3A_30 : vector<64x1xf32> to vector<64x1024xf32>
    %mul3A_32 = arith.mulf %get3A_25, %mul3A_31 : vector<64x1024xf32>
    %get3A_33 = arith.constant 0 : index
    %get3A_34 = arith.constant 0 : index
    %get3A_35 = arith.constant 0 : index
    %get3A_36 = vector.load %arg7[%get3A_33, %get3A_34, %get3A_35] : memref<1x32x512xf32, #tpu.memory_space<vmem>>, vector<1x32x512xf32>
    %get3A_37 = vector.shape_cast %get3A_36 : vector<1x32x512xf32> to vector<32x512xf32>
    %concatenate3A = tpu.concatenate %get3A_37, %get3A_37 in 1 : vector<32x512xf32>, vector<32x512xf32> -> vector<32x1024xf32>
    %concatenate3A_38 = tpu.concatenate %transpose3A, %mul3A_32, %concatenate3A in 0 : vector<128x1024xf32>, vector<64x1024xf32>, vector<32x1024xf32> -> vector<224x1024xf32>
    %get3A_39 = arith.constant 0 : index
    %get3A_40 = arith.constant 0 : index
    %get3A_41 = vector.load %arg9[%get3A_39, %get3A_40] : memref<128x224xf32, #tpu.memory_space<vmem>>, vector<128x224xf32>
    %dot_general3A = arith.constant dense<0.000000e+00> : vector<128x1024xf32>
    %dot_general3A_42 = tpu.matmul %get3A_41, %concatenate3A_38, %dot_general3A {dimension_numbers = #tpu.dot_dimension_numbers<[1], [0], [0], [1], [0, 0, 1, 1], [], []>, transpose_lhs_hint = false} : vector<128x224xf32>, vector<224x1024xf32>, vector<128x1024xf32> -> vector<128x1024xf32>
    %swap3A = arith.constant 0 : index
    %swap3A_43 = arith.constant 0 : index
    %swap3A_44 = arith.constant 0 : index
    %swap3A_45 = vector.load %arg10[%swap3A, %swap3A_43, %swap3A_44] : memref<1x128x1024xf32, #tpu.memory_space<vmem>>, vector<1x128x1024xf32>
    %swap3A_46 = vector.shape_cast %swap3A_45 : vector<1x128x1024xf32> to vector<128x1024xf32>
    %swap3A_47 = vector.shape_cast %dot_general3A_42 : vector<128x1024xf32> to vector<1x128x1024xf32>
    tpu.vector_store %arg10[%swap3A, %swap3A_43, %swap3A_44], %swap3A_47 {strides = array<i32>} : memref<1x128x1024xf32, #tpu.memory_space<vmem>>, vector<1x128x1024xf32>,
    %eq3A = arith.constant 0 : i32
    %eq3A_48 = arith.cmpi eq, %arg0, %eq3A : i32
    %eq3A_49 = arith.constant 0 : i32
    %eq3A_50 = arith.cmpi eq, %arg1, %eq3A_49 : i32
    %and3A = arith.andi %eq3A_48, %eq3A_50 : i1
    %convert_element_type3A = arith.extui %and3A : i1 to i32
    %cond3A = arith.constant 0 : i32
    %cond3A_51 = arith.cmpi ne, %convert_element_type3A, %cond3A : i32
    scf.if %cond3A_51 {
      %broadcast_in_dim3A_71 = arith.constant 0.000000e+00 : f32
      %broadcast_in_dim3A_72 = vector.broadcast %broadcast_in_dim3A_71 : f32 to vector<128x1xf32>
      %swap3A_73 = arith.constant 0 : index
      %swap3A_74 = arith.constant 0 : index
      %swap3A_75 = vector.load %arg11[%swap3A_73, %swap3A_74] : memref<128x1xf32, #tpu.memory_space<vmem>>, vector<128x1xf32>
      tpu.vector_store %arg11[%swap3A_73, %swap3A_74], %broadcast_in_dim3A_72 {strides = array<i32>} : memref<128x1xf32, #tpu.memory_space<vmem>>, vector<128x1xf32>,
      %broadcast_in_dim3A_76 = arith.constant 0.000000e+00 : f32
      %broadcast_in_dim3A_77 = vector.broadcast %broadcast_in_dim3A_76 : f32 to vector<128x1xf32>
      %swap3A_78 = arith.constant 0 : index
      %swap3A_79 = arith.constant 0 : index
      %swap3A_80 = vector.load %arg12[%swap3A_78, %swap3A_79] : memref<128x1xf32, #tpu.memory_space<vmem>>, vector<128x1xf32>
      tpu.vector_store %arg12[%swap3A_78, %swap3A_79], %broadcast_in_dim3A_77 {strides = array<i32>} : memref<128x1xf32, #tpu.memory_space<vmem>>, vector<128x1xf32>,
    } else {
    }
    %get3A_52 = arith.constant 0 : index
    %get3A_53 = arith.constant 0 : index
    %get3A_54 = vector.load %arg11[%get3A_52, %get3A_53] : memref<128x1xf32, #tpu.memory_space<vmem>>, vector<128x1xf32>
    %reduce_sum3A = arith.constant dense<0.000000e+00> : vector<128xf32>
    %reduce_sum3A_55 = vector.multi_reduction <add>, %dot_general3A_42, %reduce_sum3A [1] : vector<128x1024xf32> to vector<128xf32>
    %broadcast_in_dim3A = vector.shape_cast %reduce_sum3A_55 : vector<128xf32> to vector<128x1xf32>
    %add3A_56 = arith.addf %get3A_54, %broadcast_in_dim3A : vector<128x1xf32>
    %swap3A_57 = arith.constant 0 : index
    %swap3A_58 = arith.constant 0 : index
    %swap3A_59 = vector.load %arg11[%swap3A_57, %swap3A_58] : memref<128x1xf32, #tpu.memory_space<vmem>>, vector<128x1xf32>
    tpu.vector_store %arg11[%swap3A_57, %swap3A_58], %add3A_56 {strides = array<i32>} : memref<128x1xf32, #tpu.memory_space<vmem>>, vector<128x1xf32>,
    %get3A_60 = arith.constant 0 : index
    %get3A_61 = arith.constant 0 : index
    %get3A_62 = vector.load %arg12[%get3A_60, %get3A_61] : memref<128x1xf32, #tpu.memory_space<vmem>>, vector<128x1xf32>
    %mul3A_63 = arith.mulf %dot_general3A_42, %dot_general3A_42 : vector<128x1024xf32>
    %reduce_sum3A_64 = arith.constant dense<0.000000e+00> : vector<128xf32>
    %reduce_sum3A_65 = vector.multi_reduction <add>, %mul3A_63, %reduce_sum3A_64 [1] : vector<128x1024xf32> to vector<128xf32>
    %broadcast_in_dim3A_66 = vector.shape_cast %reduce_sum3A_65 : vector<128xf32> to vector<128x1xf32>
    %add3A_67 = arith.addf %get3A_62, %broadcast_in_dim3A_66 : vector<128x1xf32>
    %swap3A_68 = arith.constant 0 : index
    %swap3A_69 = arith.constant 0 : index
    %swap3A_70 = vector.load %arg12[%swap3A_68, %swap3A_69] : memref<128x1xf32, #tpu.memory_space<vmem>>, vector<128x1xf32>
    tpu.vector_store %arg12[%swap3A_68, %swap3A_69], %add3A_67 {strides = array<i32>} : memref<128x1xf32, #tpu.memory_space<vmem>>, vector<128x1xf32>,
    return
  }
  func.func @transform_0(%arg0: i32, %arg1: i32) -> (i32, i32) {
    %mul3A = arith.constant 4 : i32
    %mul3A_0 = arith.muli %arg0, %mul3A : i32
    %add3A = arith.constant 0 : i32
    %add3A_1 = arith.addi %add3A, %mul3A_0 : i32
    %add3A_2 = arith.addi %add3A_1, %arg1 : i32
    %c0_i32 = arith.constant 0 : i32
    %c0_i32_3 = arith.constant 0 : i32
    return %add3A_2, %c0_i32 : i32, i32
  }
  func.func @transform_1(%arg0: i32, %arg1: i32) -> (i32, i32) {
    %mul3A = arith.constant 4 : i32
    %mul3A_0 = arith.muli %arg0, %mul3A : i32
    %add3A = arith.constant 32 : i32
    %add3A_1 = arith.addi %add3A, %mul3A_0 : i32
    %add3A_2 = arith.addi %add3A_1, %arg1 : i32
    %c0_i32 = arith.constant 0 : i32
    %c0_i32_3 = arith.constant 0 : i32
    return %add3A_2, %c0_i32 : i32, i32
  }
  func.func @transform_2(%arg0: i32, %arg1: i32) -> (i32, i32) {
    %mul3A = arith.constant 4 : i32
    %mul3A_0 = arith.muli %arg0, %mul3A : i32
    %add3A = arith.constant 64 : i32
    %add3A_1 = arith.addi %add3A, %mul3A_0 : i32
    %add3A_2 = arith.addi %add3A_1, %arg1 : i32
    %c0_i32 = arith.constant 0 : i32
    %c0_i32_3 = arith.constant 0 : i32
    return %add3A_2, %c0_i32 : i32, i32
  }
  func.func @transform_3(%arg0: i32, %arg1: i32) -> (i32, i32, i32) {
    %c0_i32 = arith.constant 0 : i32
    %c0_i32_0 = arith.constant 0 : i32
    return %arg0, %arg1, %c0_i32 : i32, i32, i32
  }
  func.func @transform_4(%arg0: i32, %arg1: i32) -> (i32, i32, i32) {
    %c0_i32 = arith.constant 0 : i32
    %c0_i32_0 = arith.constant 0 : i32
    return %arg0, %c0_i32, %arg1 : i32, i32, i32
  }
  func.func @transform_5(%arg0: i32, %arg1: i32) -> (i32, i32, i32) {
    %c0_i32 = arith.constant 0 : i32
    %c0_i32_0 = arith.constant 0 : i32
    %c0_i32_1 = arith.constant 0 : i32
    return %arg0, %c0_i32, %c0_i32_0 : i32, i32, i32
  }
  func.func @transform_6(%arg0: i32, %arg1: i32) -> (i32, i32, i32) {
    %c0_i32 = arith.constant 0 : i32
    %c0_i32_0 = arith.constant 0 : i32
    %c0_i32_1 = arith.constant 0 : i32
    return %arg0, %c0_i32, %c0_i32_0 : i32, i32, i32
  }
  func.func @transform_7(%arg0: i32, %arg1: i32) -> (i32, i32) {
    %c0_i32 = arith.constant 0 : i32
    %c0_i32_0 = arith.constant 0 : i32
    %c0_i32_1 = arith.constant 0 : i32
    return %c0_i32, %c0_i32_0 : i32, i32
  }
  func.func @transform_8(%arg0: i32, %arg1: i32) -> (i32, i32, i32) {
    %c0_i32 = arith.constant 0 : i32
    %c0_i32_0 = arith.constant 0 : i32
    return %arg0, %c0_i32, %arg1 : i32, i32, i32
  }
  func.func @transform_9(%arg0: i32, %arg1: i32) -> (i32, i32) {
    %c0_i32 = arith.constant 0 : i32
    %c0_i32_0 = arith.constant 0 : i32
    %c0_i32_1 = arith.constant 0 : i32
    return %c0_i32, %c0_i32_0 : i32, i32
  }
  func.func @transform_10(%arg0: i32, %arg1: i32) -> (i32, i32) {
    %c0_i32 = arith.constant 0 : i32
    %c0_i32_0 = arith.constant 0 : i32
    %c0_i32_1 = arith.constant 0 : i32
    return %c0_i32, %c0_i32_0 : i32, i32
  }
}

module attributes {stable_mosaic.version = 14 : i64} {
  func.func @_gate_kernel(%arg0: i32, %arg1: memref<1x64x4096xf32, #tpu.memory_space<vmem>>, %arg2: memref<16x64xf32, #tpu.memory_space<vmem>>, %arg3: memref<64x16xf32, #tpu.memory_space<vmem>>, %arg4: memref<1x64x1xf32, #tpu.memory_space<vmem>>) attributes {dimension_semantics = [#tpu.dimension_semantics<arbitrary>], iteration_bounds = array<i64: 8>, scalar_prefetch = 0 : i64, scratch_operands = 0 : i64, tpu.core_type = #tpu.core_type<tc>, window_params = [{transform_indices = @transform_0, window_bounds = array<i64: 1, 64, 4096>}, {pipeline_mode = #tpu.pipeline_mode<synchronous>, transform_indices = @transform_1, window_bounds = array<i64: 16, 64>}, {pipeline_mode = #tpu.pipeline_mode<synchronous>, transform_indices = @transform_2, window_bounds = array<i64: 64, 16>}, {transform_indices = @transform_3, window_bounds = array<i64: 1, 64, 1>}]} {
    %get3A = arith.constant 0 : index
    %get3A_0 = arith.constant 0 : index
    %get3A_1 = arith.constant 0 : index
    %get3A_2 = vector.load %arg1[%get3A, %get3A_0, %get3A_1] : memref<1x64x4096xf32, #tpu.memory_space<vmem>>, vector<1x64x4096xf32>
    %get3A_3 = vector.shape_cast %get3A_2 : vector<1x64x4096xf32> to vector<64x4096xf32>
    %reduce_max3A = arith.constant dense<0xFF800000> : vector<64xf32>
    %reduce_max3A_4 = vector.multi_reduction <maximumf>, %get3A_3, %reduce_max3A [1] : vector<64x4096xf32> to vector<64xf32>
    %broadcast_in_dim3A = vector.shape_cast %reduce_max3A_4 : vector<64xf32> to vector<64x1xf32>
    %get3A_5 = arith.constant 0 : index
    %get3A_6 = arith.constant 0 : index
    %get3A_7 = vector.load %arg2[%get3A_5, %get3A_6] : memref<16x64xf32, #tpu.memory_space<vmem>>, vector<16x64xf32>
    %dot_general3A = arith.constant dense<0.000000e+00> : vector<16x1xf32>
    %dot_general3A_8 = tpu.matmul %get3A_7, %broadcast_in_dim3A, %dot_general3A {dimension_numbers = #tpu.dot_dimension_numbers<[1], [0], [0], [1], [0, 0, 1, 1], [], []>, precision = #tpu.contract_precision<fp32>, transpose_lhs_hint = false} : vector<16x64xf32>, vector<64x1xf32>, vector<16x1xf32> -> vector<16x1xf32>
    %max3A = arith.constant 0.000000e+00 : f32
    %max3A_9 = vector.broadcast %max3A : f32 to vector<16x1xf32>
    %max3A_10 = arith.maximumf %dot_general3A_8, %max3A_9 : vector<16x1xf32>
    %get3A_11 = arith.constant 0 : index
    %get3A_12 = arith.constant 0 : index
    %get3A_13 = vector.load %arg3[%get3A_11, %get3A_12] : memref<64x16xf32, #tpu.memory_space<vmem>>, vector<64x16xf32>
    %dot_general3A_14 = arith.constant dense<0.000000e+00> : vector<64x1xf32>
    %dot_general3A_15 = tpu.matmul %get3A_13, %max3A_10, %dot_general3A_14 {dimension_numbers = #tpu.dot_dimension_numbers<[1], [0], [0], [1], [0, 0, 1, 1], [], []>, precision = #tpu.contract_precision<fp32>, transpose_lhs_hint = false} : vector<64x16xf32>, vector<16x1xf32>, vector<64x1xf32> -> vector<64x1xf32>
    %logistic3A = arith.negf %dot_general3A_15 : vector<64x1xf32>
    %logistic3A_16 = math.exp %logistic3A : vector<64x1xf32>
    %logistic3A_17 = arith.constant 1.000000e+00 : f32
    %logistic3A_18 = vector.broadcast %logistic3A_17 : f32 to vector<64x1xf32>
    %logistic3A_19 = arith.addf %logistic3A_18, %logistic3A_16 : vector<64x1xf32>
    %logistic3A_20 = arith.divf %logistic3A_18, %logistic3A_19 : vector<64x1xf32>
    %swap3A = arith.constant 0 : index
    %swap3A_21 = arith.constant 0 : index
    %swap3A_22 = arith.constant 0 : index
    %swap3A_23 = vector.load %arg4[%swap3A, %swap3A_21, %swap3A_22] : memref<1x64x1xf32, #tpu.memory_space<vmem>>, vector<1x64x1xf32>
    %swap3A_24 = vector.shape_cast %swap3A_23 : vector<1x64x1xf32> to vector<64x1xf32>
    %swap3A_25 = vector.shape_cast %logistic3A_20 : vector<64x1xf32> to vector<1x64x1xf32>
    tpu.vector_store %arg4[%swap3A, %swap3A_21, %swap3A_22], %swap3A_25 {strides = array<i32>} : memref<1x64x1xf32, #tpu.memory_space<vmem>>, vector<1x64x1xf32>,
    return
  }
  func.func @transform_0(%arg0: i32) -> (i32, i32, i32) {
    %c0_i32 = arith.constant 0 : i32
    %c0_i32_0 = arith.constant 0 : i32
    %c0_i32_1 = arith.constant 0 : i32
    return %arg0, %c0_i32, %c0_i32_0 : i32, i32, i32
  }
  func.func @transform_1(%arg0: i32) -> (i32, i32) {
    %c0_i32 = arith.constant 0 : i32
    %c0_i32_0 = arith.constant 0 : i32
    %c0_i32_1 = arith.constant 0 : i32
    return %c0_i32, %c0_i32_0 : i32, i32
  }
  func.func @transform_2(%arg0: i32) -> (i32, i32) {
    %c0_i32 = arith.constant 0 : i32
    %c0_i32_0 = arith.constant 0 : i32
    %c0_i32_1 = arith.constant 0 : i32
    return %c0_i32, %c0_i32_0 : i32, i32
  }
  func.func @transform_3(%arg0: i32) -> (i32, i32, i32) {
    %c0_i32 = arith.constant 0 : i32
    %c0_i32_0 = arith.constant 0 : i32
    %c0_i32_1 = arith.constant 0 : i32
    return %arg0, %c0_i32, %c0_i32_0 : i32, i32, i32
  }
}

module attributes {stable_mosaic.version = 14 : i64} {
  func.func @_mid_kernel(%arg0: i32, %arg1: memref<1x128x4096xf32, #tpu.memory_space<vmem>>, %arg2: memref<128x1xf32, #tpu.memory_space<vmem>>, %arg3: memref<128x1xf32, #tpu.memory_space<vmem>>, %arg4: memref<128x1xf32, #tpu.memory_space<vmem>>, %arg5: memref<128x1xf32, #tpu.memory_space<vmem>>, %arg6: memref<128x128xf32, #tpu.memory_space<vmem>>, %arg7: memref<1x128x4096xf32, #tpu.memory_space<vmem>>, %arg8: memref<128x1xf32, #tpu.memory_space<vmem>>, %arg9: memref<128x1xf32, #tpu.memory_space<vmem>>) attributes {dimension_semantics = [#tpu.dimension_semantics<arbitrary>], iteration_bounds = array<i64: 8>, scalar_prefetch = 0 : i64, scratch_operands = 0 : i64, tpu.core_type = #tpu.core_type<tc>, window_params = [{transform_indices = @transform_0, window_bounds = array<i64: 1, 128, 4096>}, {pipeline_mode = #tpu.pipeline_mode<synchronous>, transform_indices = @transform_1, window_bounds = array<i64: 128, 1>}, {pipeline_mode = #tpu.pipeline_mode<synchronous>, transform_indices = @transform_2, window_bounds = array<i64: 128, 1>}, {pipeline_mode = #tpu.pipeline_mode<synchronous>, transform_indices = @transform_3, window_bounds = array<i64: 128, 1>}, {pipeline_mode = #tpu.pipeline_mode<synchronous>, transform_indices = @transform_4, window_bounds = array<i64: 128, 1>}, {pipeline_mode = #tpu.pipeline_mode<synchronous>, transform_indices = @transform_5, window_bounds = array<i64: 128, 128>}, {transform_indices = @transform_6, window_bounds = array<i64: 1, 128, 4096>}, {pipeline_mode = #tpu.pipeline_mode<synchronous>, transform_indices = @transform_7, window_bounds = array<i64: 128, 1>}, {pipeline_mode = #tpu.pipeline_mode<synchronous>, transform_indices = @transform_8, window_bounds = array<i64: 128, 1>}]} {
    %get3A = arith.constant 0 : index
    %get3A_0 = arith.constant 0 : index
    %get3A_1 = vector.load %arg2[%get3A, %get3A_0] : memref<128x1xf32, #tpu.memory_space<vmem>>, vector<128x1xf32>
    %div3A = arith.constant 3.276800e+04 : f32
    %div3A_2 = vector.broadcast %div3A : f32 to vector<128x1xf32>
    %div3A_3 = arith.divf %get3A_1, %div3A_2 : vector<128x1xf32>
    %get3A_4 = arith.constant 0 : index
    %get3A_5 = arith.constant 0 : index
    %get3A_6 = vector.load %arg3[%get3A_4, %get3A_5] : memref<128x1xf32, #tpu.memory_space<vmem>>, vector<128x1xf32>
    %div3A_7 = arith.constant 3.276800e+04 : f32
    %div3A_8 = vector.broadcast %div3A_7 : f32 to vector<128x1xf32>
    %div3A_9 = arith.divf %get3A_6, %div3A_8 : vector<128x1xf32>
    %mul3A = arith.mulf %div3A_3, %div3A_3 : vector<128x1xf32>
    %sub3A = arith.subf %div3A_9, %mul3A : vector<128x1xf32>
    %add3A = arith.constant 9.99999974E-6 : f32
    %add3A_10 = vector.broadcast %add3A : f32 to vector<128x1xf32>
    %add3A_11 = arith.addf %sub3A, %add3A_10 : vector<128x1xf32>
    %rsqrt3A = math.rsqrt %add3A_11 : vector<128x1xf32>
    %get3A_12 = arith.constant 0 : index
    %get3A_13 = arith.constant 0 : index
    %get3A_14 = vector.load %arg4[%get3A_12, %get3A_13] : memref<128x1xf32, #tpu.memory_space<vmem>>, vector<128x1xf32>
    %mul3A_15 = arith.mulf %get3A_14, %rsqrt3A : vector<128x1xf32>
    %get3A_16 = arith.constant 0 : index
    %get3A_17 = arith.constant 0 : index
    %get3A_18 = vector.load %arg5[%get3A_16, %get3A_17] : memref<128x1xf32, #tpu.memory_space<vmem>>, vector<128x1xf32>
    %mul3A_19 = arith.mulf %div3A_3, %mul3A_15 : vector<128x1xf32>
    %sub3A_20 = arith.subf %get3A_18, %mul3A_19 : vector<128x1xf32>
    %get3A_21 = arith.constant 0 : index
    %get3A_22 = arith.constant 0 : index
    %get3A_23 = arith.constant 0 : index
    %get3A_24 = vector.load %arg1[%get3A_21, %get3A_22, %get3A_23] : memref<1x128x4096xf32, #tpu.memory_space<vmem>>, vector<1x128x4096xf32>
    %get3A_25 = vector.shape_cast %get3A_24 : vector<1x128x4096xf32> to vector<128x4096xf32>
    %mul3A_26 = vector.broadcast %mul3A_15 : vector<128x1xf32> to vector<128x4096xf32>
    %mul3A_27 = arith.mulf %get3A_25, %mul3A_26 : vector<128x4096xf32>
    %add3A_28 = vector.broadcast %sub3A_20 : vector<128x1xf32> to vector<128x4096xf32>
    %add3A_29 = arith.addf %mul3A_27, %add3A_28 : vector<128x4096xf32>
    %max3A = arith.constant 0.000000e+00 : f32
    %max3A_30 = vector.broadcast %max3A : f32 to vector<128x4096xf32>
    %max3A_31 = arith.maximumf %add3A_29, %max3A_30 : vector<128x4096xf32>
    %get3A_32 = arith.constant 0 : index
    %get3A_33 = arith.constant 0 : index
    %get3A_34 = vector.load %arg6[%get3A_32, %get3A_33] : memref<128x128xf32, #tpu.memory_space<vmem>>, vector<128x128xf32>
    %dot_general3A = arith.constant dense<0.000000e+00> : vector<128x4096xf32>
    %dot_general3A_35 = tpu.matmul %get3A_34, %max3A_31, %dot_general3A {dimension_numbers = #tpu.dot_dimension_numbers<[1], [0], [0], [1], [0, 0, 1, 1], [], []>, transpose_lhs_hint = false} : vector<128x128xf32>, vector<128x4096xf32>, vector<128x4096xf32> -> vector<128x4096xf32>
    %swap3A = arith.constant 0 : index
    %swap3A_36 = arith.constant 0 : index
    %swap3A_37 = arith.constant 0 : index
    %swap3A_38 = vector.load %arg7[%swap3A, %swap3A_36, %swap3A_37] : memref<1x128x4096xf32, #tpu.memory_space<vmem>>, vector<1x128x4096xf32>
    %swap3A_39 = vector.shape_cast %swap3A_38 : vector<1x128x4096xf32> to vector<128x4096xf32>
    %swap3A_40 = vector.shape_cast %dot_general3A_35 : vector<128x4096xf32> to vector<1x128x4096xf32>
    tpu.vector_store %arg7[%swap3A, %swap3A_36, %swap3A_37], %swap3A_40 {strides = array<i32>} : memref<1x128x4096xf32, #tpu.memory_space<vmem>>, vector<1x128x4096xf32>,
    %eq3A = arith.constant 0 : i32
    %eq3A_41 = arith.cmpi eq, %arg0, %eq3A : i32
    %convert_element_type3A = arith.extui %eq3A_41 : i1 to i32
    %cond3A = arith.constant 0 : i32
    %cond3A_42 = arith.cmpi ne, %convert_element_type3A, %cond3A : i32
    scf.if %cond3A_42 {
      %broadcast_in_dim3A_62 = arith.constant 0.000000e+00 : f32
      %broadcast_in_dim3A_63 = vector.broadcast %broadcast_in_dim3A_62 : f32 to vector<128x1xf32>
      %swap3A_64 = arith.constant 0 : index
      %swap3A_65 = arith.constant 0 : index
      %swap3A_66 = vector.load %arg8[%swap3A_64, %swap3A_65] : memref<128x1xf32, #tpu.memory_space<vmem>>, vector<128x1xf32>
      tpu.vector_store %arg8[%swap3A_64, %swap3A_65], %broadcast_in_dim3A_63 {strides = array<i32>} : memref<128x1xf32, #tpu.memory_space<vmem>>, vector<128x1xf32>,
      %broadcast_in_dim3A_67 = arith.constant 0.000000e+00 : f32
      %broadcast_in_dim3A_68 = vector.broadcast %broadcast_in_dim3A_67 : f32 to vector<128x1xf32>
      %swap3A_69 = arith.constant 0 : index
      %swap3A_70 = arith.constant 0 : index
      %swap3A_71 = vector.load %arg9[%swap3A_69, %swap3A_70] : memref<128x1xf32, #tpu.memory_space<vmem>>, vector<128x1xf32>
      tpu.vector_store %arg9[%swap3A_69, %swap3A_70], %broadcast_in_dim3A_68 {strides = array<i32>} : memref<128x1xf32, #tpu.memory_space<vmem>>, vector<128x1xf32>,
    } else {
    }
    %get3A_43 = arith.constant 0 : index
    %get3A_44 = arith.constant 0 : index
    %get3A_45 = vector.load %arg8[%get3A_43, %get3A_44] : memref<128x1xf32, #tpu.memory_space<vmem>>, vector<128x1xf32>
    %reduce_sum3A = arith.constant dense<0.000000e+00> : vector<128xf32>
    %reduce_sum3A_46 = vector.multi_reduction <add>, %dot_general3A_35, %reduce_sum3A [1] : vector<128x4096xf32> to vector<128xf32>
    %broadcast_in_dim3A = vector.shape_cast %reduce_sum3A_46 : vector<128xf32> to vector<128x1xf32>
    %add3A_47 = arith.addf %get3A_45, %broadcast_in_dim3A : vector<128x1xf32>
    %swap3A_48 = arith.constant 0 : index
    %swap3A_49 = arith.constant 0 : index
    %swap3A_50 = vector.load %arg8[%swap3A_48, %swap3A_49] : memref<128x1xf32, #tpu.memory_space<vmem>>, vector<128x1xf32>
    tpu.vector_store %arg8[%swap3A_48, %swap3A_49], %add3A_47 {strides = array<i32>} : memref<128x1xf32, #tpu.memory_space<vmem>>, vector<128x1xf32>,
    %get3A_51 = arith.constant 0 : index
    %get3A_52 = arith.constant 0 : index
    %get3A_53 = vector.load %arg9[%get3A_51, %get3A_52] : memref<128x1xf32, #tpu.memory_space<vmem>>, vector<128x1xf32>
    %mul3A_54 = arith.mulf %dot_general3A_35, %dot_general3A_35 : vector<128x4096xf32>
    %reduce_sum3A_55 = arith.constant dense<0.000000e+00> : vector<128xf32>
    %reduce_sum3A_56 = vector.multi_reduction <add>, %mul3A_54, %reduce_sum3A_55 [1] : vector<128x4096xf32> to vector<128xf32>
    %broadcast_in_dim3A_57 = vector.shape_cast %reduce_sum3A_56 : vector<128xf32> to vector<128x1xf32>
    %add3A_58 = arith.addf %get3A_53, %broadcast_in_dim3A_57 : vector<128x1xf32>
    %swap3A_59 = arith.constant 0 : index
    %swap3A_60 = arith.constant 0 : index
    %swap3A_61 = vector.load %arg9[%swap3A_59, %swap3A_60] : memref<128x1xf32, #tpu.memory_space<vmem>>, vector<128x1xf32>
    tpu.vector_store %arg9[%swap3A_59, %swap3A_60], %add3A_58 {strides = array<i32>} : memref<128x1xf32, #tpu.memory_space<vmem>>, vector<128x1xf32>,
    return
  }
  func.func @transform_0(%arg0: i32) -> (i32, i32, i32) {
    %c0_i32 = arith.constant 0 : i32
    %c0_i32_0 = arith.constant 0 : i32
    %c0_i32_1 = arith.constant 0 : i32
    return %arg0, %c0_i32, %c0_i32_0 : i32, i32, i32
  }
  func.func @transform_1(%arg0: i32) -> (i32, i32) {
    %c0_i32 = arith.constant 0 : i32
    %c0_i32_0 = arith.constant 0 : i32
    %c0_i32_1 = arith.constant 0 : i32
    return %c0_i32, %c0_i32_0 : i32, i32
  }
  func.func @transform_2(%arg0: i32) -> (i32, i32) {
    %c0_i32 = arith.constant 0 : i32
    %c0_i32_0 = arith.constant 0 : i32
    %c0_i32_1 = arith.constant 0 : i32
    return %c0_i32, %c0_i32_0 : i32, i32
  }
  func.func @transform_3(%arg0: i32) -> (i32, i32) {
    %c0_i32 = arith.constant 0 : i32
    %c0_i32_0 = arith.constant 0 : i32
    %c0_i32_1 = arith.constant 0 : i32
    return %c0_i32, %c0_i32_0 : i32, i32
  }
  func.func @transform_4(%arg0: i32) -> (i32, i32) {
    %c0_i32 = arith.constant 0 : i32
    %c0_i32_0 = arith.constant 0 : i32
    %c0_i32_1 = arith.constant 0 : i32
    return %c0_i32, %c0_i32_0 : i32, i32
  }
  func.func @transform_5(%arg0: i32) -> (i32, i32) {
    %c0_i32 = arith.constant 0 : i32
    %c0_i32_0 = arith.constant 0 : i32
    %c0_i32_1 = arith.constant 0 : i32
    return %c0_i32, %c0_i32_0 : i32, i32
  }
  func.func @transform_6(%arg0: i32) -> (i32, i32, i32) {
    %c0_i32 = arith.constant 0 : i32
    %c0_i32_0 = arith.constant 0 : i32
    %c0_i32_1 = arith.constant 0 : i32
    return %arg0, %c0_i32, %c0_i32_0 : i32, i32, i32
  }
  func.func @transform_7(%arg0: i32) -> (i32, i32) {
    %c0_i32 = arith.constant 0 : i32
    %c0_i32_0 = arith.constant 0 : i32
    %c0_i32_1 = arith.constant 0 : i32
    return %c0_i32, %c0_i32_0 : i32, i32
  }
  func.func @transform_8(%arg0: i32) -> (i32, i32) {
    %c0_i32 = arith.constant 0 : i32
    %c0_i32_0 = arith.constant 0 : i32
    %c0_i32_1 = arith.constant 0 : i32
    return %c0_i32, %c0_i32_0 : i32, i32
  }
}

module attributes {stable_mosaic.version = 14 : i64} {
  func.func @_out_kernel(%arg0: i32, %arg1: memref<1x128x4096xf32, #tpu.memory_space<vmem>>, %arg2: memref<128x1xf32, #tpu.memory_space<vmem>>, %arg3: memref<128x1xf32, #tpu.memory_space<vmem>>, %arg4: memref<128x1xf32, #tpu.memory_space<vmem>>, %arg5: memref<128x1xf32, #tpu.memory_space<vmem>>, %arg6: memref<1x128x4096xf32, #tpu.memory_space<vmem>>) attributes {dimension_semantics = [#tpu.dimension_semantics<arbitrary>], iteration_bounds = array<i64: 8>, scalar_prefetch = 0 : i64, scratch_operands = 0 : i64, tpu.core_type = #tpu.core_type<tc>, window_params = [{transform_indices = @transform_0, window_bounds = array<i64: 1, 128, 4096>}, {pipeline_mode = #tpu.pipeline_mode<synchronous>, transform_indices = @transform_1, window_bounds = array<i64: 128, 1>}, {pipeline_mode = #tpu.pipeline_mode<synchronous>, transform_indices = @transform_2, window_bounds = array<i64: 128, 1>}, {pipeline_mode = #tpu.pipeline_mode<synchronous>, transform_indices = @transform_3, window_bounds = array<i64: 128, 1>}, {pipeline_mode = #tpu.pipeline_mode<synchronous>, transform_indices = @transform_4, window_bounds = array<i64: 128, 1>}, {transform_indices = @transform_5, window_bounds = array<i64: 1, 128, 4096>}]} {
    %get3A = arith.constant 0 : index
    %get3A_0 = arith.constant 0 : index
    %get3A_1 = vector.load %arg2[%get3A, %get3A_0] : memref<128x1xf32, #tpu.memory_space<vmem>>, vector<128x1xf32>
    %div3A = arith.constant 3.276800e+04 : f32
    %div3A_2 = vector.broadcast %div3A : f32 to vector<128x1xf32>
    %div3A_3 = arith.divf %get3A_1, %div3A_2 : vector<128x1xf32>
    %get3A_4 = arith.constant 0 : index
    %get3A_5 = arith.constant 0 : index
    %get3A_6 = vector.load %arg3[%get3A_4, %get3A_5] : memref<128x1xf32, #tpu.memory_space<vmem>>, vector<128x1xf32>
    %div3A_7 = arith.constant 3.276800e+04 : f32
    %div3A_8 = vector.broadcast %div3A_7 : f32 to vector<128x1xf32>
    %div3A_9 = arith.divf %get3A_6, %div3A_8 : vector<128x1xf32>
    %mul3A = arith.mulf %div3A_3, %div3A_3 : vector<128x1xf32>
    %sub3A = arith.subf %div3A_9, %mul3A : vector<128x1xf32>
    %add3A = arith.constant 9.99999974E-6 : f32
    %add3A_10 = vector.broadcast %add3A : f32 to vector<128x1xf32>
    %add3A_11 = arith.addf %sub3A, %add3A_10 : vector<128x1xf32>
    %rsqrt3A = math.rsqrt %add3A_11 : vector<128x1xf32>
    %get3A_12 = arith.constant 0 : index
    %get3A_13 = arith.constant 0 : index
    %get3A_14 = vector.load %arg4[%get3A_12, %get3A_13] : memref<128x1xf32, #tpu.memory_space<vmem>>, vector<128x1xf32>
    %mul3A_15 = arith.mulf %get3A_14, %rsqrt3A : vector<128x1xf32>
    %get3A_16 = arith.constant 0 : index
    %get3A_17 = arith.constant 0 : index
    %get3A_18 = vector.load %arg5[%get3A_16, %get3A_17] : memref<128x1xf32, #tpu.memory_space<vmem>>, vector<128x1xf32>
    %mul3A_19 = arith.mulf %div3A_3, %mul3A_15 : vector<128x1xf32>
    %sub3A_20 = arith.subf %get3A_18, %mul3A_19 : vector<128x1xf32>
    %get3A_21 = arith.constant 0 : index
    %get3A_22 = arith.constant 0 : index
    %get3A_23 = arith.constant 0 : index
    %get3A_24 = vector.load %arg1[%get3A_21, %get3A_22, %get3A_23] : memref<1x128x4096xf32, #tpu.memory_space<vmem>>, vector<1x128x4096xf32>
    %get3A_25 = vector.shape_cast %get3A_24 : vector<1x128x4096xf32> to vector<128x4096xf32>
    %mul3A_26 = vector.broadcast %mul3A_15 : vector<128x1xf32> to vector<128x4096xf32>
    %mul3A_27 = arith.mulf %get3A_25, %mul3A_26 : vector<128x4096xf32>
    %add3A_28 = vector.broadcast %sub3A_20 : vector<128x1xf32> to vector<128x4096xf32>
    %add3A_29 = arith.addf %mul3A_27, %add3A_28 : vector<128x4096xf32>
    %max3A = arith.constant 0.000000e+00 : f32
    %max3A_30 = vector.broadcast %max3A : f32 to vector<128x4096xf32>
    %max3A_31 = arith.maximumf %add3A_29, %max3A_30 : vector<128x4096xf32>
    %swap3A = arith.constant 0 : index
    %swap3A_32 = arith.constant 0 : index
    %swap3A_33 = arith.constant 0 : index
    %swap3A_34 = vector.load %arg6[%swap3A, %swap3A_32, %swap3A_33] : memref<1x128x4096xf32, #tpu.memory_space<vmem>>, vector<1x128x4096xf32>
    %swap3A_35 = vector.shape_cast %swap3A_34 : vector<1x128x4096xf32> to vector<128x4096xf32>
    %swap3A_36 = vector.shape_cast %max3A_31 : vector<128x4096xf32> to vector<1x128x4096xf32>
    tpu.vector_store %arg6[%swap3A, %swap3A_32, %swap3A_33], %swap3A_36 {strides = array<i32>} : memref<1x128x4096xf32, #tpu.memory_space<vmem>>, vector<1x128x4096xf32>,
    return
  }
  func.func @transform_0(%arg0: i32) -> (i32, i32, i32) {
    %c0_i32 = arith.constant 0 : i32
    %c0_i32_0 = arith.constant 0 : i32
    %c0_i32_1 = arith.constant 0 : i32
    return %arg0, %c0_i32, %c0_i32_0 : i32, i32, i32
  }
  func.func @transform_1(%arg0: i32) -> (i32, i32) {
    %c0_i32 = arith.constant 0 : i32
    %c0_i32_0 = arith.constant 0 : i32
    %c0_i32_1 = arith.constant 0 : i32
    return %c0_i32, %c0_i32_0 : i32, i32
  }
  func.func @transform_2(%arg0: i32) -> (i32, i32) {
    %c0_i32 = arith.constant 0 : i32
    %c0_i32_0 = arith.constant 0 : i32
    %c0_i32_1 = arith.constant 0 : i32
    return %c0_i32, %c0_i32_0 : i32, i32
  }
  func.func @transform_3(%arg0: i32) -> (i32, i32) {
    %c0_i32 = arith.constant 0 : i32
    %c0_i32_0 = arith.constant 0 : i32
    %c0_i32_1 = arith.constant 0 : i32
    return %c0_i32, %c0_i32_0 : i32, i32
  }
  func.func @transform_4(%arg0: i32) -> (i32, i32) {
    %c0_i32 = arith.constant 0 : i32
    %c0_i32_0 = arith.constant 0 : i32
    %c0_i32_1 = arith.constant 0 : i32
    return %c0_i32, %c0_i32_0 : i32, i32
  }
  func.func @transform_5(%arg0: i32) -> (i32, i32, i32) {
    %c0_i32 = arith.constant 0 : i32
    %c0_i32_0 = arith.constant 0 : i32
    %c0_i32_1 = arith.constant 0 : i32
    return %arg0, %c0_i32, %c0_i32_0 : i32, i32, i32
  }
}

</mosaic_0001>

<sc_bundles>
// kernel: kernel.8.cloned.1.call-start
scs
__scs_entry_jumppad:
0x0: {  	(pc) =	sbr.rel $0x88, $3  }
0x1: {  	(tag) =	ssettag $0x0;
	lr =	simm.s32 $0x1  }
0x2: {  	[smem:$0x3F94] =	sst lr;
	_ =	strace $0xD0000000  }
0x3: {  	_ = 	snop  }
0x4: {  	_ = 	snop  }
0x5: {  	_ = 	snop  }
0x6: {  	_ = 	snop  }
0x7: {  	_ = 	snop  }
__scs_overlays_trampoline_lowered:
0x8: {  	[smem:$0x3FA3] =	sst s0  }
0x9: {  	[smem:$0x3FA4] =	sst s1  }
0xa: {  	[smem:$0x3FA5] =	sst s2  }
0xb: {  	[smem:$0x3FA6] =	sst s3  }
0xc: {  	[smem:$0x3FA7] =	sst s4  }
0xd: {  	[smem:$0x3FA8] =	sst s5  }
0xe: {  	[smem:$0x3FA9] =	sst s6  }
0xf: {  	[smem:$0x3FAA] =	sst s7  }
0x10: {  	[smem:$0x3FAB] =	sst s8  }
0x11: {  	[smem:$0x3FAC] =	sst s9;
	s0 =	simm.s32 @!p0 $0x0  }
0x12: {  	s1 =	sld [smem:$0x3F92];
	s0 =	simm.s32 @p0 $0x1  }
0x13: {  	[smem:$0x3FAD] =	sst s0;
	s0 =	simm.s32 @!p1 $0x0  }
0x14: {  	s2 =	sld [smem:$0x3F91];
	s0 =	simm.s32 @p1 $0x1  }
0x15: {  	[smem:$0x3FAE] =	sst s0;
	s0 =	simm.s32 @!p2 $0x0  }
0x16: {  	s3 =	sld [smem:$0x3FDB];
	s0 =	simm.s32 @p2 $0x1  }
0x17: {  	s4 =	simm.s32 $0x1BF5;
	[smem:$0x3FB0] =	sst s0  }
0x18: {  	s0 =	sld [smem:$0x3F93];
	_ =	swait.ge [sflag:s4], $0x0  }
0x19: {  	s7 =	sld [smem:$0x3F94]  }
0x1a: {  	s8 =	sadd.s32 $0xFFFFE003, lr  }
0x1b: {  	s9 =	sadd.s32 $0xFFFFFEF7, lr;
	s5 =	simm.s32 $0xFFFFFFFF;
	p2 =	slt.u32 s8, $0xFFFFF086  }
0x1c: {  	p1 =	slt.u32 s9, $0xF7A;
	s5 =	simm.s32 @!p2 $0x0  }
0x1d: {  	s5 =	simm.s32 @p1 $0x1;
	p0 =	seq.s32 s7, s2  }
0x1e: {  	s7 =	smul.u32 @!p0 $0xF7A, s2;
	p2 =	seq.s32 @!p0 s5, $0x0  }
0x1f: {  	s9 =	smul.u32 $0xF7A, s1;
	s8 =	simm.s32 @!p0 $0x1BF5;
	p2 =	por !p2, p0  }
0x20: {  	[sflag:s8] =	ssyncset.s32 @!p0 $0xFFFFF086;
	s6 =	sadd.s32 @!p0 s3, s7;
	s7 =	simm.s32 @!p0 $0x108  }
0x21: {  	s3 =	sadd.s32 s3, s9;
	s6 =	sadd.s32 @!p0 $0x88, s6;
	s7 =	simm.s32 @p2 $0x1082  }
0x22: {  	[simem:s7], [sflag:s8] =	dma.local @!p0 [hbm:s6], $0xF7A  }
0x23: {  	s9 =	sor.u32 $0xD0000000, s2;
	s6 =	simm.s32 $0x108;
	_ =	swait.ge @!p0 [sflag:s8], $0x0  }
0x24: {  	s3 =	sadd.s32 $0x88, s3;
	s6 =	simm.s32 @!p1 $0x1082;
	[sflag:s4] =	ssyncset.s32 $0xFFFFF086  }
0x25: {  	[simem:s6], [sflag:s4] =	dma.local [hbm:s3], $0xF7A  }
0x26: {  	[smem:$0x3F94] =	sst s1;
	(tag) =	ssettag s2;
	_ =	strace s9  }
0x27: {  	s1 =	sld [smem:$0x3FA4]  }
0x28: {  	s2 =	sld [smem:$0x3FA5]  }
0x29: {  	s4 =	sld [smem:$0x3FA7]  }
0x2a: {  	p0 =	seq.s32 s5, $0x0;
	s5 =	sld [smem:$0x3FA8]  }
0x2b: {  	s6 =	sld [smem:$0x3FA9]  }
0x2c: {  	s7 =	sld [smem:$0x3FAA]  }
0x2d: {  	s3 =	simm.s32 $0x108;
	s8 =	sld [smem:$0x3FAB]  }
0x2e: {  	s3 =	simm.s32 @!p0 $0x1082;
	s9 =	sld [smem:$0x3FAC]  }
0x2f: {  	lr =	sadd.s32 s0, s3;
	s0 =	sld [smem:$0x3FA3]  }
0x30: {  	s3 =	sld [smem:$0x3FA6]  }
0x31: {  	[smem:$0x3FAF] =	sst s10  }
0x32: {  	s10 =	sld [smem:$0x3FAD];
	_ =	sdelay $0x3  }
0x33: {  	p0 =	seq.s32 s10, $0x1;
	s10 =	sld [smem:$0x3FAF];
	_ =	sdelay $0x3  }
0x34: {  	[smem:$0x3FAF] =	sst s10  }
0x35: {  	s10 =	sld [smem:$0x3FAE];
	_ =	sdelay $0x3  }
0x36: {  	p1 =	seq.s32 s10, $0x1;
	s10 =	sld [smem:$0x3FAF];
	_ =	sdelay $0x3  }
0x37: {  	[smem:$0x3FAF] =	sst s10  }
0x38: {  	s10 =	sld [smem:$0x3FB0]  }
0x39: {  	_ = 	snop;
	(pc) =	sbr.ind lr, $3  }
0x3a: {  	_ = 	snop  }
0x3b: {  	_ = 	snop  }
0x3c: {  	p2 =	seq.s32 s10, $0x1;
	s10 =	sld [smem:$0x3FAF]  }
0x3d: {  	_ =	shalt  }
0x3e: {  	_ =	shalt  }
0x3f: {  	_ =	shalt  }
0x40: {  	_ =	shalt  }
0x41: {  	_ =	shalt  }
0x42: {  	_ =	shalt  }
0x43: {  	_ =	shalt  }
0x44: {  	_ =	shalt  }
0x45: {  	_ =	shalt  }
0x46: {  	_ =	shalt  }
0x47: {  	_ =	shalt  }
0x48: {  	_ =	shalt  }
0x49: {  	_ =	shalt  }
0x4a: {  	_ =	shalt  }
0x4b: {  	_ =	shalt  }
0x4c: {  	_ =	shalt  }
0x4d: {  	_ =	shalt  }
0x4e: {  	_ =	shalt  }
0x4f: {  	_ =	shalt  }
0x50: {  	_ =	shalt  }
0x51: {  	_ =	shalt  }
0x52: {  	_ =	shalt  }
0x53: {  	_ =	shalt  }
0x54: {  	_ =	shalt  }
0x55: {  	_ =	shalt  }
0x56: {  	_ =	shalt  }
0x57: {  	_ =	shalt  }
0x58: {  	_ =	shalt  }
0x59: {  	_ =	shalt  }
0x5a: {  	_ =	shalt  }
0x5b: {  	_ =	shalt  }
0x5c: {  	_ =	shalt  }
0x5d: {  	_ =	shalt  }
0x5e: {  	_ =	shalt  }
0x5f: {  	_ =	shalt  }
0x60: {  	_ =	shalt  }
0x61: {  	_ =	shalt  }
0x62: {  	_ =	shalt  }
0x63: {  	_ =	shalt  }
0x64: {  	_ =	shalt  }
0x65: {  	_ =	shalt  }
0x66: {  	_ =	shalt  }
0x67: {  	_ =	shalt  }
0x68: {  	_ =	shalt  }
0x69: {  	_ =	shalt  }
0x6a: {  	_ =	shalt  }
0x6b: {  	_ =	shalt  }
0x6c: {  	_ =	shalt  }
0x6d: {  	_ =	shalt  }
0x6e: {  	_ =	shalt  }
0x6f: {  	_ =	shalt  }
0x70: {  	_ =	shalt  }
0x71: {  	_ =	shalt  }
0x72: {  	_ =	shalt  }
0x73: {  	_ =	shalt  }
0x74: {  	_ =	shalt  }
0x75: {  	_ =	shalt  }
0x76: {  	_ =	shalt  }
0x77: {  	_ =	shalt  }
0x78: {  	_ =	shalt  }
0x79: {  	_ =	shalt  }
0x7a: {  	_ =	shalt  }
0x7b: {  	_ =	shalt  }
0x7c: {  	_ =	shalt  }
0x7d: {  	_ =	shalt  }
0x7e: {  	_ =	shalt  }
0x7f: {  	_ =	shalt  }
0x80: {  	_ =	shalt  }
0x81: {  	_ =	shalt  }
0x82: {  	_ =	shalt  }
0x83: {  	_ =	shalt  }
0x84: {  	_ =	shalt  }
0x85: {  	_ =	shalt  }
0x86: {  	_ =	shalt  }
0x87: {  	_ =	shalt  }
.Lfunc_end0:
.L_simem_size_0:
called_computation_lowered:
.L_overlay_start_0:
0x88: {  	s2 =	sld [smem:$0x3FD9]  }
0x89: {  	s3 =	sld [smem:$0x3FFE];
	_ =	sdelay $0x1  }
0x8a: {  	s1 =	srdreg.scid  }
0x8b: {  	s0 =	sand.u32 $0x1, s1  }
0x8c: {  	s16 =	sshll.u32 s0, $0xA;
	s2 =	sadd.s32 s3, s2  }
0x8d: {  	s2 =	sadd.s32 s2, s16  }
0x8e: {  	[smem:$0x3FBB] =	sst s2  }
0x8f: {  	_ = 	snop  }
0x90: {  	(tm) =	ssettm $0x1  }
0x91: {  	s17 =	sld [smem:$0x3FFB];
	_ =	sdelay $0x3  }
0x92: {  	_ =	strace s17  }
0x93: {  	s2 =	sld [smem:$0x3FFC];
	_ =	sdelay $0x3  }
0x94: {  	_ =	strace s2  }
0x95: {  	s2 =	sld [smem:$0x3FFD];
	_ =	sdelay $0x3  }
0x96: {  	_ =	strace s2  }
0x97: {  	_ =	strace $0x8FFFFFFF  }
0x98: {  	s18 =	sld [smem:$0x3FDB];
	_ =	sdelay $0x1  }
0x99: {  	s19 =	simm.s32 $_scs_section_size  }
0x9a: {  	s4 =	simm.s32 $_size__tile_overlayer_lowered;
	s5 =	simm.s32 $_tile_overlayer_lowered  }
0x9b: {  	s22 =	simm.s32 $0x1BFF;
	s21 =	sshll.u32 s5, $0x1;
	s2 =	sadd.s32 s19, s18  }
0x9c: {  	s6 =	simm.s32 $0x0;
	s20 =	sshll.u32 s4, $0x1;
	s4 =	sadd.s32 s21, s2  }
0x9d: {  	[timem:s6], [sflag:s22] =	dma.local [hbm:s4], s20  }
0x9e: {  	_ =	swait.ge [sflag:s22], s20  }
0x9f: {  	s3 =	ssub.s32 $0x0, s20;
	[sflag:s22] =	ssyncset.done $0x0  }
0xa0: {  	[sflag:s22] =	ssyncadd.s32 s3;
	_ =	sdelay $0x1  }
0xa1: {  	s23 =	simm.s32 $0x1B8B  }
0xa2: {  	_ =	swait.ge [sflag:s23], $0x1  }
0xa3: {  	[sflag:s23] =	ssyncset.done $0x0  }
0xa4: {  	s25 =	simm.s32 $0x1B8E;
	s24 =	sld [smem:$0x3FFE];
	[sflag:s23] =	ssyncadd.s32 $0xFFFFFFFF  }
0xa5: {  	s26 =	simm.s32 $execute0_lowered;
	[smem:$0x3FD2] =	sst s25  }
0xa6: {  	s4 =	sshll.u32 s26, $0x1;
	_ =	strace $0x80000046;
	[dreg:$0x1] =	wrdreg $0xFFFFFFFF  }
0xa7: {  	s28 =	simm.s32 $_size_execute0_lowered;
	s2 =	sadd.s32 s2, s4;
	[dreg:$0x0] =	wrdreg $0x0  }
0xa8: {  	s4 =	sshll.u32 s28, $0x1;
	[dreg:$0x2] =	wrdreg s2  }
0xa9: {  	[dreg:$0x3] =	wrdreg s4  }
0xaa: {  	[dreg:$0x4] =	wrdreg $0xC0  }
0xab: {  	_ =	task [dreg:s6], $0x5FFFF  }
0xac: {  	[dreg:$0x1] =	wrdreg $0xFFFFFFFF  }
0xad: {  	[dreg:$0x0] =	wrdreg $0x60  }
0xae: {  	[dreg:$0x2] =	wrdreg s24  }
0xaf: {  	[dreg:$0x3] =	wrdreg $0x9  }
0xb0: {  	_ =	task.clear_ibuf [dreg:s6], $0x4FFFF;
	_ =	strace $0x90000046  }
0xb1: {  	s29 =	simm.s32 $0x9;
	_ =	strace $0x80000048  }
0xb2: {  	_ =	swait.ge [sflag:s29], $0x1  }
0xb3: {  	[sflag:s29] =	ssyncadd.s32 $0xFFFFFFFF  }
0xb4: {  	_ =	strace $0x90000048  }
0xb5: {  	_ =	sfence  }
0xb6: {  	s30 =	sld [smem:$0x0];
	_ =	sdelay $0x2  }
0xb7: {  	s31 =	sshll.u32 s1, $0xD;
	s1 =	sshrl.u32 s1, $0x2  }
0xb8: {  	s3 =	sand.u32 $0x4000, s31;
	s1 =	sadd.s32 s1, s30  }
0xb9: {  	s0 =	sor.u32 s3, s0;
	s1 =	sshll.u32 s1, $0x11  }
0xba: {  	s0 =	sor.u32 s1, s0  }
0xbb: {  	s0 =	sadd.s32 $0x8F2B, s0  }
0xbc: {  	[sflag:s0] =	ssyncadd.remote.s32 $0x1  }
0xbd: {  	_ =	sfence.sel $0xFFFF  }
0xbe: {  	[dreg:$0x0] =	wrdreg $0xFFFFFFFF;
	(pc) =	sbr.abs _section_cstart, $3  }
0xbf: {  	[dreg:$0x1] =	wrdreg $0xFFFFFFFF  }
0xc0: {  	_ =	task.clear_ibuf [dreg:s6], $0x2FFFF;
	_ =	strace $0x9FFFFFFF  }
0xc1: {  	(tm) =	ssettm $0x7FFFFFFF  }
tec
execute0_lowered:
.L_overlay_start_1:
0x0: {  	(tag) =	ssettag $0x1  }
0x1: {  	s0 =	rddreg [dreg:$0x0]  }
0x2: {  	s4 =	stileid.u32;
	s1 =	srdreg.scid  }
0x3: {  	s30 =	simm.s32 $0x400;
	s31 =	simm.s32 $0x800;
	s29 =	simm.s32 $0x880  }
0x4: {  	s28 =	simm.s32 $0x900;
	p0 =	por $0x0, $0x0;
	s2 =	sshll.u32 s4, $0x1  }
0x5: {  	s3 =	sand.u32 $0x1, s1;
	s19 =	sshrl.u32 s4, $0x1;
	s21 =	sadd.s32 $0x2A00, s0  }
0x6: {  	s9 =	sadd.s32 $0x25A00, s0;
	s25 =	sadd.s32 $0x26200, s0;
	s10 =	sadd.s32 $0x26A00, s0  }
0x7: {  	s14 =	sadd.s32 $0x27200, s0;
	s18 =	sadd.s32 $0x27A00, s0;
	s20 =	sand.u32 $0x2, s2  }
0x8: {  	s2 =	simm.s32 $0x0;
	s5 =	smul.u32 $0x3000, s19;
	s4 =	sor.u32 s3, s20  }
0x9: {  	s1 =	sshll.u32 s19, $0x10;
	s6 =	sshll.u32 s4, $0xA;
	s4 =	sshll.u32 s4, $0xE  }
0xa: {  	[smem:$0x7FF] =	sst s2;
	s3 =	ssub.s32 $0x2, s3;
	s1 =	sor.u32 s4, s1  }
0xb: {  	_ =	strace $0x80000047;
	s5 =	sor.u32 s5, s6;
	s4 =	sadd.s32 s9, s1  }
0xc: {  	s7 =	sshrl.u32 s5, $0x3;
	s26 =	sadd.s32 s1, s25;
	[dreg:$0x5] =	wrdreg s4  }
0xd: {  	s8 =	sadd.s32 $0x1000, s5;
	s11 =	sadd.s32 s1, s10;
	[dreg:$0x8] =	wrdreg s26  }
0xe: {  	s5 =	sadd.s32 $0x2000, s5;
	s15 =	sadd.s32 s1, s14;
	[dreg:$0xb] =	wrdreg s11  }
0xf: {  	s6 =	sor.u32 $0x100000, s1;
	s19 =	sadd.s32 s1, s18;
	[dreg:$0xe] =	wrdreg s15  }
0x10: {  	s7 =	sadd.s32 s21, s7;
	s8 =	sshrl.u32 s8, $0x3;
	[dreg:$0x11] =	wrdreg s19  }
0x11: {  	s5 =	sshrl.u32 s5, $0x3;
	s24 =	sadd.s32 s9, s6;
	[dreg:$0x2] =	wrdreg s7  }
0x12: {  	s13 =	sadd.s32 s6, s10;
	s17 =	sadd.s32 s6, s14;
	[dreg:$0x7] =	wrdreg s24  }
0x13: {  	s26 =	sadd.s32 $0x28A00, s0;
	s11 =	sadd.s32 $0x29200, s0;
	[dreg:$0xd] =	wrdreg s13  }
0x14: {  	s4 =	simm.s32 $0x8C00;
	s22 =	sadd.s32 s21, s8;
	[dreg:$0x10] =	wrdreg s17  }
0x15: {  	s19 =	simm.s32 $0x200;
	s5 =	sadd.s32 s21, s5;
	[dreg:$0x3] =	wrdreg s22  }
0x16: {  	s21 =	sadd.s32 s6, s18;
	[dreg:$0x4] =	wrdreg s5;
	s5 =	sor.u32 $0x80000, s1  }
0x17: {  	s7 =	sadd.s32 $0x5A00, s0;
	[dreg:$0x13] =	wrdreg s21;
	s23 =	sadd.s32 s9, s5  }
0x18: {  	s17 =	simm.s32 $0x680;
	s8 =	sadd.s32 s5, s25;
	[dreg:$0x6] =	wrdreg s23  }
0x19: {  	s22 =	sadd.s32 $0x28200, s0;
	s9 =	sadd.s32 s6, s25;
	[dreg:$0x9] =	wrdreg s8  }
0x1a: {  	s21 =	simm.s32 $0xA00;
	s12 =	sadd.s32 s5, s10;
	[dreg:$0xa] =	wrdreg s9  }
0x1b: {  	s16 =	sadd.s32 s5, s14;
	s20 =	sadd.s32 s5, s18;
	[dreg:$0xc] =	wrdreg s12  }
0x1c: {  	s24 =	sadd.s32 s5, s22;
	s25 =	sadd.s32 s6, s22;
	[dreg:$0xf] =	wrdreg s16  }
0x1d: {  	s10 =	sadd.s32 s6, s26;
	s13 =	sadd.s32 s5, s11;
	[dreg:$0x12] =	wrdreg s20  }
0x1e: {  	s14 =	sadd.s32 s6, s11;
	s6 =	simm.s32 $0xC00;
	[dreg:$0x15] =	wrdreg s24  }
0x1f: {  	s18 =	simm.s32 $0xA80;
	s23 =	sadd.s32 s1, s22;
	[dreg:$0x16] =	wrdreg s25  }
0x20: {  	s8 =	sadd.s32 s1, s26;
	s9 =	sadd.s32 s5, s26;
	[dreg:$0x19] =	wrdreg s10  }
0x21: {  	s1 =	sadd.s32 s1, s11;
	s12 =	sshrl.u32 s3, $0x1;
	[dreg:$0x1b] =	wrdreg s13  }
0x22: {  	[dreg:$0x1c] =	wrdreg s14;
	s5 =	simm.s32 $0x4C00;
	s26 =	simm.s32 $0x480  }
0x23: {  	s25 =	simm.s32 $0x100;
	s22 =	simm.s32 $0x180;
	s24 =	simm.s32 $0x980  }
0x24: {  	s20 =	simm.s32 $0x600;
	s16 =	simm.s32 $0x280;
	s3 =	ssub.s32 s3, s12  }
0x25: {  	s13 =	simm.s32 $0x300;
	[dreg:$0x14] =	wrdreg s23;
	s15 =	smax.u32 s3, $0x1  }
0x26: {  	s14 =	simm.s32 $0x700;
	[dreg:$0x17] =	wrdreg s8;
	p1 =	sne.s32 s15, $0x1  }
.Ltmp0:
0x27: {  	s10 =	simm.s32 $0x380;
	[dreg:$0x18] =	wrdreg s9;
	(pc) =	sbr.rel @!p1 .LBB2_3-.Ltmp0, $4  }
0x28: {  	s11 =	simm.s32 $0x780;
	[dreg:$0x1a] =	wrdreg s1;
	s9 =	simm.s32 $0x80  }
0x29: {  	s8 =	simm.s32 $0x1;
	[dreg:$0x1d] =	wrdreg s26;
	s26 =	simm.s32 $0x500  }
0x2a: {  	s23 =	simm.s32 $0x580;
	s12 =	simm.s32 $0xB80;
	s1 =	rddreg [dreg:$0x2]  }
0x2b: {  	s3 =	simm.s32 $0x2;
	s0 =	sadd.s32 $0xFFFFFFFF, s15;
	s15 =	simm.s32 $0xB00  }
0x2c: {  	[tilespmem:s2], [sflag:$0x2] =	stream.linear.gather [hbm4b:s1+s2], $0x400, $0x38;
	[tilespmem:$0xCC00] =	vst v63  }
0x2d: {  	_ =	swait.ge [sflag:s3], $0x400  }
0x2e: {  	[sflag:s3] =	ssyncset.done $0x0  }
0x2f: {  	s1 =	rddreg [dreg:$0x3];
	[sflag:s3] =	ssyncadd.s32 $0xFFFFFC00  }
0x30: {  	[tilespmem:s30], [sflag:$0x2] =	stream.linear.gather [hbm4b:s1+s2], $0x400, $0x38;
	[tilespmem:$0xCC00] =	vst v63  }
0x31: {  	_ =	swait.ge [sflag:s3], $0x400  }
0x32: {  	[sflag:s3] =	ssyncset.done $0x0  }
0x33: {  	s1 =	rddreg [dreg:$0x4];
	[sflag:s3] =	ssyncadd.s32 $0xFFFFFC00  }
0x34: {  	[tilespmem:s31], [sflag:$0x2] =	stream.linear.gather [hbm4b:s1+s2], $0x400, $0x38;
	[tilespmem:$0xCC00] =	vst v63  }
0x35: {  	_ =	swait.ge [sflag:s3], $0x400  }
0x36: {  	[sflag:s3] =	ssyncset.done $0x0  }
0x37: {  	[sflag:s3] =	ssyncadd.s32 $0xFFFFFC00  }
0x38: {  	[tilespmem:s6], [sflag:$0x1] =	stream.indirect.gather [hbm4b:s7+s9], $0x80, s2, s9, $0xb8;
	[tilespmem:$0xCC00] =	vst v63  }
0x39: {  	_ = 	snop  }
0x3a: {  	[tilespmem:s5], [sflag:$0x1] =	stream.indirect.gather [hbm4b:s7+s9], $0x80, s30, s9, $0xb8;
	[tilespmem:$0xCC00] =	vst v63  }
0x3b: {  	_ = 	snop  }
0x3c: {  	[tilespmem:s4], [sflag:$0x1] =	stream.indirect.gather [hbm4b:s7+s9], $0x80, s31, s9, $0xb8;
	[tilespmem:$0xCC00] =	vst v63  }
0x3d: {  	_ =	swait.ge [sflag:s8], $0x4000  }
0x3e: {  	[sflag:s8] =	ssyncset.done $0x0  }
0x3f: {  	[sflag:s8] =	ssyncadd.s32 $0xFFFFC000  }
0x40: {  	_ =	swait.ge [sflag:s8], $0x4000  }
0x41: {  	[sflag:s8] =	ssyncset.done $0x0  }
0x42: {  	[sflag:s8] =	ssyncadd.s32 $0xFFFFC000  }
0x43: {  	_ =	swait.ge [sflag:s8], $0x4000  }
0x44: {  	[sflag:s8] =	ssyncset.done $0x0  }
0x45: {  	s1 =	rddreg [dreg:$0x5];
	[sflag:s8] =	ssyncadd.s32 $0xFFFFC000  }
0x46: {  	[hbm4b:s1+s2] =	stream.linear.scatter [tilespmem:s6], [sflag:$0x2], $0x4000, $0x38;
	[tilespmem:$0xCC00] =	vst v63  }
0x47: {  	_ =	swait.ge [sflag:s3], $0x4000  }
0x48: {  	[sflag:s3] =	ssyncset.done $0x0  }
0x49: {  	s1 =	rddreg [dreg:$0x6];
	[sflag:s3] =	ssyncadd.s32 $0xFFFFC000  }
0x4a: {  	[hbm4b:s1+s2] =	stream.linear.scatter [tilespmem:s5], [sflag:$0x2], $0x4000, $0x38;
	[tilespmem:$0xCC00] =	vst v63  }
0x4b: {  	_ =	swait.ge [sflag:s3], $0x4000  }
0x4c: {  	[sflag:s3] =	ssyncset.done $0x0  }
0x4d: {  	s1 =	rddreg [dreg:$0x7];
	[sflag:s3] =	ssyncadd.s32 $0xFFFFC000  }
0x4e: {  	[hbm4b:s1+s2] =	stream.linear.scatter [tilespmem:s4], [sflag:$0x2], $0x4000, $0x38;
	[tilespmem:$0xCC00] =	vst v63  }
0x4f: {  	_ =	swait.ge [sflag:s3], $0x4000  }
0x50: {  	[sflag:s3] =	ssyncset.done $0x0  }
0x51: {  	[sflag:s3] =	ssyncadd.s32 $0xFFFFC000  }
0x52: {  	[tilespmem:s6], [sflag:$0x1] =	stream.indirect.gather [hbm4b:s7+s9], $0x80, s9, s9, $0xb8;
	[tilespmem:$0xCC00] =	vst v63  }
0x53: {  	s1 =	rddreg [dreg:$0x1d]  }
0x54: {  	[tilespmem:s5], [sflag:$0x1] =	stream.indirect.gather [hbm4b:s7+s9], $0x80, s1, s9, $0xb8;
	[tilespmem:$0xCC00] =	vst v63  }
0x55: {  	_ = 	snop  }
0x56: {  	[tilespmem:s4], [sflag:$0x1] =	stream.indirect.gather [hbm4b:s7+s9], $0x80, s29, s9, $0xb8;
	[tilespmem:$0xCC00] =	vst v63  }
0x57: {  	_ =	swait.ge [sflag:s8], $0x4000  }
0x58: {  	[sflag:s8] =	ssyncset.done $0x0  }
0x59: {  	[sflag:s8] =	ssyncadd.s32 $0xFFFFC000  }
0x5a: {  	_ =	swait.ge [sflag:s8], $0x4000  }
0x5b: {  	[sflag:s8] =	ssyncset.done $0x0  }
0x5c: {  	[sflag:s8] =	ssyncadd.s32 $0xFFFFC000  }
0x5d: {  	_ =	swait.ge [sflag:s8], $0x4000  }
0x5e: {  	[sflag:s8] =	ssyncset.done $0x0  }
0x5f: {  	s1 =	rddreg [dreg:$0x8];
	[sflag:s8] =	ssyncadd.s32 $0xFFFFC000  }
0x60: {  	[hbm4b:s1+s2] =	stream.linear.scatter [tilespmem:s6], [sflag:$0x2], $0x4000, $0x38;
	[tilespmem:$0xCC00] =	vst v63  }
0x61: {  	_ =	swait.ge [sflag:s3], $0x4000  }
0x62: {  	[sflag:s3] =	ssyncset.done $0x0  }
0x63: {  	s1 =	rddreg [dreg:$0x9];
	[sflag:s3] =	ssyncadd.s32 $0xFFFFC000  }
0x64: {  	[hbm4b:s1+s2] =	stream.linear.scatter [tilespmem:s5], [sflag:$0x2], $0x4000, $0x38;
	[tilespmem:$0xCC00] =	vst v63  }
0x65: {  	_ =	swait.ge [sflag:s3], $0x4000  }
0x66: {  	[sflag:s3] =	ssyncset.done $0x0  }
0x67: {  	s1 =	rddreg [dreg:$0xa];
	[sflag:s3] =	ssyncadd.s32 $0xFFFFC000  }
0x68: {  	[hbm4b:s1+s2] =	stream.linear.scatter [tilespmem:s4], [sflag:$0x2], $0x4000, $0x38;
	[tilespmem:$0xCC00] =	vst v63  }
0x69: {  	_ =	swait.ge [sflag:s3], $0x4000  }
0x6a: {  	[sflag:s3] =	ssyncset.done $0x0  }
0x6b: {  	[sflag:s3] =	ssyncadd.s32 $0xFFFFC000  }
0x6c: {  	[tilespmem:s6], [sflag:$0x1] =	stream.indirect.gather [hbm4b:s7+s9], $0x80, s25, s9, $0xb8;
	[tilespmem:$0xCC00] =	vst v63  }
0x6d: {  	_ = 	snop  }
0x6e: {  	[tilespmem:s5], [sflag:$0x1] =	stream.indirect.gather [hbm4b:s7+s9], $0x80, s26, s9, $0xb8;
	[tilespmem:$0xCC00] =	vst v63  }
0x6f: {  	_ = 	snop  }
0x70: {  	[tilespmem:s4], [sflag:$0x1] =	stream.indirect.gather [hbm4b:s7+s9], $0x80, s28, s9, $0xb8;
	[tilespmem:$0xCC00] =	vst v63  }
0x71: {  	_ =	swait.ge [sflag:s8], $0x4000  }
0x72: {  	[sflag:s8] =	ssyncset.done $0x0  }
0x73: {  	[sflag:s8] =	ssyncadd.s32 $0xFFFFC000  }
0x74: {  	_ =	swait.ge [sflag:s8], $0x4000  }
0x75: {  	[sflag:s8] =	ssyncset.done $0x0  }
0x76: {  	[sflag:s8] =	ssyncadd.s32 $0xFFFFC000  }
0x77: {  	_ =	swait.ge [sflag:s8], $0x4000  }
0x78: {  	[sflag:s8] =	ssyncset.done $0x0  }
0x79: {  	s1 =	rddreg [dreg:$0xb];
	[sflag:s8] =	ssyncadd.s32 $0xFFFFC000  }
0x7a: {  	[hbm4b:s1+s2] =	stream.linear.scatter [tilespmem:s6], [sflag:$0x2], $0x4000, $0x38;
	[tilespmem:$0xCC00] =	vst v63  }
0x7b: {  	_ =	swait.ge [sflag:s3], $0x4000  }
0x7c: {  	[sflag:s3] =	ssyncset.done $0x0  }
0x7d: {  	s1 =	rddreg [dreg:$0xc];
	[sflag:s3] =	ssyncadd.s32 $0xFFFFC000  }
0x7e: {  	[hbm4b:s1+s2] =	stream.linear.scatter [tilespmem:s5], [sflag:$0x2], $0x4000, $0x38;
	[tilespmem:$0xCC00] =	vst v63  }
0x7f: {  	_ =	swait.ge [sflag:s3], $0x4000  }
0x80: {  	[sflag:s3] =	ssyncset.done $0x0  }
0x81: {  	s1 =	rddreg [dreg:$0xd];
	[sflag:s3] =	ssyncadd.s32 $0xFFFFC000  }
0x82: {  	[hbm4b:s1+s2] =	stream.linear.scatter [tilespmem:s4], [sflag:$0x2], $0x4000, $0x38;
	[tilespmem:$0xCC00] =	vst v63  }
0x83: {  	_ =	swait.ge [sflag:s3], $0x4000  }
0x84: {  	[sflag:s3] =	ssyncset.done $0x0  }
0x85: {  	[sflag:s3] =	ssyncadd.s32 $0xFFFFC000  }
0x86: {  	[tilespmem:s6], [sflag:$0x1] =	stream.indirect.gather [hbm4b:s7+s9], $0x80, s22, s9, $0xb8;
	[tilespmem:$0xCC00] =	vst v63  }
0x87: {  	_ = 	snop  }
0x88: {  	[tilespmem:s5], [sflag:$0x1] =	stream.indirect.gather [hbm4b:s7+s9], $0x80, s23, s9, $0xb8;
	[tilespmem:$0xCC00] =	vst v63  }
0x89: {  	_ = 	snop  }
0x8a: {  	[tilespmem:s4], [sflag:$0x1] =	stream.indirect.gather [hbm4b:s7+s9], $0x80, s24, s9, $0xb8;
	[tilespmem:$0xCC00] =	vst v63  }
0x8b: {  	_ =	swait.ge [sflag:s8], $0x4000  }
0x8c: {  	[sflag:s8] =	ssyncset.done $0x0  }
0x8d: {  	[sflag:s8] =	ssyncadd.s32 $0xFFFFC000  }
0x8e: {  	_ =	swait.ge [sflag:s8], $0x4000  }
0x8f: {  	[sflag:s8] =	ssyncset.done $0x0  }
0x90: {  	[sflag:s8] =	ssyncadd.s32 $0xFFFFC000  }
0x91: {  	_ =	swait.ge [sflag:s8], $0x4000  }
0x92: {  	[sflag:s8] =	ssyncset.done $0x0  }
0x93: {  	s1 =	rddreg [dreg:$0xe];
	[sflag:s8] =	ssyncadd.s32 $0xFFFFC000  }
0x94: {  	[hbm4b:s1+s2] =	stream.linear.scatter [tilespmem:s6], [sflag:$0x2], $0x4000, $0x38;
	[tilespmem:$0xCC00] =	vst v63  }
0x95: {  	_ =	swait.ge [sflag:s3], $0x4000  }
0x96: {  	[sflag:s3] =	ssyncset.done $0x0  }
0x97: {  	s1 =	rddreg [dreg:$0xf];
	[sflag:s3] =	ssyncadd.s32 $0xFFFFC000  }
0x98: {  	[hbm4b:s1+s2] =	stream.linear.scatter [tilespmem:s5], [sflag:$0x2], $0x4000, $0x38;
	[tilespmem:$0xCC00] =	vst v63  }
0x99: {  	_ =	swait.ge [sflag:s3], $0x4000  }
0x9a: {  	[sflag:s3] =	ssyncset.done $0x0  }
0x9b: {  	s1 =	rddreg [dreg:$0x10];
	[sflag:s3] =	ssyncadd.s32 $0xFFFFC000  }
0x9c: {  	[hbm4b:s1+s2] =	stream.linear.scatter [tilespmem:s4], [sflag:$0x2], $0x4000, $0x38;
	[tilespmem:$0xCC00] =	vst v63  }
0x9d: {  	_ =	swait.ge [sflag:s3], $0x4000  }
0x9e: {  	[sflag:s3] =	ssyncset.done $0x0  }
0x9f: {  	[sflag:s3] =	ssyncadd.s32 $0xFFFFC000  }
0xa0: {  	[tilespmem:s6], [sflag:$0x1] =	stream.indirect.gather [hbm4b:s7+s9], $0x80, s19, s9, $0xb8;
	[tilespmem:$0xCC00] =	vst v63  }
0xa1: {  	_ = 	snop  }
0xa2: {  	[tilespmem:s5], [sflag:$0x1] =	stream.indirect.gather [hbm4b:s7+s9], $0x80, s20, s9, $0xb8;
	[tilespmem:$0xCC00] =	vst v63  }
0xa3: {  	_ = 	snop  }
0xa4: {  	[tilespmem:s4], [sflag:$0x1] =	stream.indirect.gather [hbm4b:s7+s9], $0x80, s21, s9, $0xb8;
	[tilespmem:$0xCC00] =	vst v63  }
0xa5: {  	_ =	swait.ge [sflag:s8], $0x4000  }
0xa6: {  	[sflag:s8] =	ssyncset.done $0x0  }
0xa7: {  	[sflag:s8] =	ssyncadd.s32 $0xFFFFC000  }
0xa8: {  	_ =	swait.ge [sflag:s8], $0x4000  }
0xa9: {  	[sflag:s8] =	ssyncset.done $0x0  }
0xaa: {  	[sflag:s8] =	ssyncadd.s32 $0xFFFFC000  }
0xab: {  	_ =	swait.ge [sflag:s8], $0x4000  }
0xac: {  	[sflag:s8] =	ssyncset.done $0x0  }
0xad: {  	s1 =	rddreg [dreg:$0x11];
	[sflag:s8] =	ssyncadd.s32 $0xFFFFC000  }
0xae: {  	[hbm4b:s1+s2] =	stream.linear.scatter [tilespmem:s6], [sflag:$0x2], $0x4000, $0x38;
	[tilespmem:$0xCC00] =	vst v63  }
0xaf: {  	_ =	swait.ge [sflag:s3], $0x4000  }
0xb0: {  	[sflag:s3] =	ssyncset.done $0x0  }
0xb1: {  	s1 =	rddreg [dreg:$0x12];
	[sflag:s3] =	ssyncadd.s32 $0xFFFFC000  }
0xb2: {  	[hbm4b:s1+s2] =	stream.linear.scatter [tilespmem:s5], [sflag:$0x2], $0x4000, $0x38;
	[tilespmem:$0xCC00] =	vst v63  }
0xb3: {  	_ =	swait.ge [sflag:s3], $0x4000  }
0xb4: {  	[sflag:s3] =	ssyncset.done $0x0  }
0xb5: {  	s1 =	rddreg [dreg:$0x13];
	[sflag:s3] =	ssyncadd.s32 $0xFFFFC000  }
0xb6: {  	[hbm4b:s1+s2] =	stream.linear.scatter [tilespmem:s4], [sflag:$0x2], $0x4000, $0x38;
	[tilespmem:$0xCC00] =	vst v63  }
0xb7: {  	_ =	swait.ge [sflag:s3], $0x4000  }
0xb8: {  	[sflag:s3] =	ssyncset.done $0x0  }
0xb9: {  	[sflag:s3] =	ssyncadd.s32 $0xFFFFC000  }
0xba: {  	[tilespmem:s6], [sflag:$0x1] =	stream.indirect.gather [hbm4b:s7+s9], $0x80, s16, s9, $0xb8;
	[tilespmem:$0xCC00] =	vst v63  }
0xbb: {  	_ = 	snop  }
0xbc: {  	[tilespmem:s5], [sflag:$0x1] =	stream.indirect.gather [hbm4b:s7+s9], $0x80, s17, s9, $0xb8;
	[tilespmem:$0xCC00] =	vst v63  }
0xbd: {  	_ = 	snop  }
0xbe: {  	[tilespmem:s4], [sflag:$0x1] =	stream.indirect.gather [hbm4b:s7+s9], $0x80, s18, s9, $0xb8;
	[tilespmem:$0xCC00] =	vst v63  }
0xbf: {  	_ =	swait.ge [sflag:s8], $0x4000  }
0xc0: {  	[sflag:s8] =	ssyncset.done $0x0  }
0xc1: {  	[sflag:s8] =	ssyncadd.s32 $0xFFFFC000  }
0xc2: {  	_ =	swait.ge [sflag:s8], $0x4000  }
0xc3: {  	[sflag:s8] =	ssyncset.done $0x0  }
0xc4: {  	[sflag:s8] =	ssyncadd.s32 $0xFFFFC000  }
0xc5: {  	_ =	swait.ge [sflag:s8], $0x4000  }
0xc6: {  	[sflag:s8] =	ssyncset.done $0x0  }
0xc7: {  	s1 =	rddreg [dreg:$0x14];
	[sflag:s8] =	ssyncadd.s32 $0xFFFFC000  }
0xc8: {  	[hbm4b:s1+s2] =	stream.linear.scatter [tilespmem:s6], [sflag:$0x2], $0x4000, $0x38;
	[tilespmem:$0xCC00] =	vst v63  }
0xc9: {  	_ =	swait.ge [sflag:s3], $0x4000  }
0xca: {  	[sflag:s3] =	ssyncset.done $0x0  }
0xcb: {  	s1 =	rddreg [dreg:$0x15];
	[sflag:s3] =	ssyncadd.s32 $0xFFFFC000  }
0xcc: {  	[hbm4b:s1+s2] =	stream.linear.scatter [tilespmem:s5], [sflag:$0x2], $0x4000, $0x38;
	[tilespmem:$0xCC00] =	vst v63  }
0xcd: {  	_ =	swait.ge [sflag:s3], $0x4000  }
0xce: {  	[sflag:s3] =	ssyncset.done $0x0  }
0xcf: {  	s1 =	rddreg [dreg:$0x16];
	[sflag:s3] =	ssyncadd.s32 $0xFFFFC000  }
0xd0: {  	[hbm4b:s1+s2] =	stream.linear.scatter [tilespmem:s4], [sflag:$0x2], $0x4000, $0x38;
	[tilespmem:$0xCC00] =	vst v63  }
0xd1: {  	_ =	swait.ge [sflag:s3], $0x4000  }
0xd2: {  	[sflag:s3] =	ssyncset.done $0x0  }
0xd3: {  	[sflag:s3] =	ssyncadd.s32 $0xFFFFC000  }
0xd4: {  	[tilespmem:s6], [sflag:$0x1] =	stream.indirect.gather [hbm4b:s7+s9], $0x80, s13, s9, $0xb8;
	[tilespmem:$0xCC00] =	vst v63  }
0xd5: {  	_ = 	snop  }
0xd6: {  	[tilespmem:s5], [sflag:$0x1] =	stream.indirect.gather [hbm4b:s7+s9], $0x80, s14, s9, $0xb8;
	[tilespmem:$0xCC00] =	vst v63  }
0xd7: {  	_ = 	snop  }
0xd8: {  	[tilespmem:s4], [sflag:$0x1] =	stream.indirect.gather [hbm4b:s7+s9], $0x80, s15, s9, $0xb8;
	[tilespmem:$0xCC00] =	vst v63  }
0xd9: {  	_ =	swait.ge [sflag:s8], $0x4000  }
0xda: {  	[sflag:s8] =	ssyncset.done $0x0  }
0xdb: {  	[sflag:s8] =	ssyncadd.s32 $0xFFFFC000  }
0xdc: {  	_ =	swait.ge [sflag:s8], $0x4000  }
0xdd: {  	[sflag:s8] =	ssyncset.done $0x0  }
0xde: {  	[sflag:s8] =	ssyncadd.s32 $0xFFFFC000  }
0xdf: {  	_ =	swait.ge [sflag:s8], $0x4000  }
0xe0: {  	[sflag:s8] =	ssyncset.done $0x0  }
0xe1: {  	s1 =	rddreg [dreg:$0x17];
	[sflag:s8] =	ssyncadd.s32 $0xFFFFC000  }
0xe2: {  	[hbm4b:s1+s2] =	stream.linear.scatter [tilespmem:s6], [sflag:$0x2], $0x4000, $0x38;
	[tilespmem:$0xCC00] =	vst v63  }
0xe3: {  	_ =	swait.ge [sflag:s3], $0x4000  }
0xe4: {  	[sflag:s3] =	ssyncset.done $0x0  }
0xe5: {  	s1 =	rddreg [dreg:$0x18];
	[sflag:s3] =	ssyncadd.s32 $0xFFFFC000  }
0xe6: {  	[hbm4b:s1+s2] =	stream.linear.scatter [tilespmem:s5], [sflag:$0x2], $0x4000, $0x38;
	[tilespmem:$0xCC00] =	vst v63  }
0xe7: {  	_ =	swait.ge [sflag:s3], $0x4000  }
0xe8: {  	[sflag:s3] =	ssyncset.done $0x0  }
0xe9: {  	s1 =	rddreg [dreg:$0x19];
	[sflag:s3] =	ssyncadd.s32 $0xFFFFC000  }
0xea: {  	[hbm4b:s1+s2] =	stream.linear.scatter [tilespmem:s4], [sflag:$0x2], $0x4000, $0x38;
	[tilespmem:$0xCC00] =	vst v63  }
0xeb: {  	_ =	swait.ge [sflag:s3], $0x4000  }
0xec: {  	[sflag:s3] =	ssyncset.done $0x0  }
0xed: {  	[sflag:s3] =	ssyncadd.s32 $0xFFFFC000  }
0xee: {  	[tilespmem:s6], [sflag:$0x1] =	stream.indirect.gather [hbm4b:s7+s9], $0x80, s10, s9, $0xb8;
	[tilespmem:$0xCC00] =	vst v63  }
0xef: {  	_ = 	snop  }
0xf0: {  	[tilespmem:s5], [sflag:$0x1] =	stream.indirect.gather [hbm4b:s7+s9], $0x80, s11, s9, $0xb8;
	[tilespmem:$0xCC00] =	vst v63  }
0xf1: {  	_ = 	snop  }
0xf2: {  	[tilespmem:s4], [sflag:$0x1] =	stream.indirect.gather [hbm4b:s7+s9], $0x80, s12, s9, $0xb8;
	[tilespmem:$0xCC00] =	vst v63  }
0xf3: {  	_ =	swait.ge [sflag:s8], $0x4000  }
0xf4: {  	[sflag:s8] =	ssyncset.done $0x0  }
0xf5: {  	[sflag:s8] =	ssyncadd.s32 $0xFFFFC000  }
0xf6: {  	_ =	swait.ge [sflag:s8], $0x4000  }
0xf7: {  	[sflag:s8] =	ssyncset.done $0x0  }
0xf8: {  	[sflag:s8] =	ssyncadd.s32 $0xFFFFC000  }
0xf9: {  	_ =	swait.ge [sflag:s8], $0x4000  }
0xfa: {  	[sflag:s8] =	ssyncset.done $0x0  }
0xfb: {  	s1 =	rddreg [dreg:$0x1a];
	[sflag:s8] =	ssyncadd.s32 $0xFFFFC000  }
0xfc: {  	[hbm4b:s1+s2] =	stream.linear.scatter [tilespmem:s6], [sflag:$0x2], $0x4000, $0x38;
	[tilespmem:$0xCC00] =	vst v63  }
0xfd: {  	_ =	swait.ge [sflag:s3], $0x4000  }
0xfe: {  	[sflag:s3] =	ssyncset.done $0x0  }
0xff: {  	s1 =	rddreg [dreg:$0x1b];
	[sflag:s3] =	ssyncadd.s32 $0xFFFFC000  }
0x100: {  	[hbm4b:s1+s2] =	stream.linear.scatter [tilespmem:s5], [sflag:$0x2], $0x4000, $0x38;
	[tilespmem:$0xCC00] =	vst v63  }
0x101: {  	p1 =	sne.s32 s0, $0x1;
	_ =	swait.ge [sflag:s3], $0x4000  }
.Ltmp1:
0x102: {  	[sflag:s3] =	ssyncset.done $0x0;
	(pc) =	sbr.rel @!p1 .LBB2_3-.Ltmp1, $4  }
0x103: {  	s1 =	rddreg [dreg:$0x1c];
	[sflag:s3] =	ssyncadd.s32 $0xFFFFC000  }
0x104: {  	[hbm4b:s1+s2] =	stream.linear.scatter [tilespmem:s4], [sflag:$0x2], $0x4000, $0x38;
	[tilespmem:$0xCC00] =	vst v63  }
0x105: {  	s0 =	sadd.s32 $0xFFFFFFFF, s0;
	_ =	swait.ge [sflag:s3], $0x4000  }
0x106: {  	p0 =	por $0x1, $0x1;
	s1 =	rddreg [dreg:$0x2];
	[sflag:s3] =	ssyncset.done $0x0  }
.LBB2_2:
0x107: {  	[sflag:s3] =	ssyncadd.s32 $0xFFFFC000  }
0x108: {  	[tilespmem:s2], [sflag:$0x2] =	stream.linear.gather [hbm4b:s1+s2], $0x400, $0x38;
	[tilespmem:$0xCC00] =	vst v63  }
0x109: {  	_ =	swait.ge [sflag:s3], $0x400  }
0x10a: {  	[sflag:s3] =	ssyncset.done $0x0  }
0x10b: {  	s1 =	rddreg [dreg:$0x3];
	[sflag:s3] =	ssyncadd.s32 $0xFFFFFC00  }
0x10c: {  	[tilespmem:s30], [sflag:$0x2] =	stream.linear.gather [hbm4b:s1+s2], $0x400, $0x38;
	[tilespmem:$0xCC00] =	vst v63  }
0x10d: {  	_ =	swait.ge [sflag:s3], $0x400  }
0x10e: {  	[sflag:s3] =	ssyncset.done $0x0  }
0x10f: {  	s1 =	rddreg [dreg:$0x4];
	[sflag:s3] =	ssyncadd.s32 $0xFFFFFC00  }
0x110: {  	[tilespmem:s31], [sflag:$0x2] =	stream.linear.gather [hbm4b:s1+s2], $0x400, $0x38;
	[tilespmem:$0xCC00] =	vst v63  }
0x111: {  	_ =	swait.ge [sflag:s3], $0x400  }
0x112: {  	[sflag:s3] =	ssyncset.done $0x0  }
0x113: {  	[sflag:s3] =	ssyncadd.s32 $0xFFFFFC00  }
0x114: {  	[tilespmem:s6], [sflag:$0x1] =	stream.indirect.gather [hbm4b:s7+s9], $0x80, s2, s9, $0xb8;
	[tilespmem:$0xCC00] =	vst v63  }
0x115: {  	_ = 	snop  }
0x116: {  	[tilespmem:s5], [sflag:$0x1] =	stream.indirect.gather [hbm4b:s7+s9], $0x80, s30, s9, $0xb8;
	[tilespmem:$0xCC00] =	vst v63  }
0x117: {  	_ = 	snop  }
0x118: {  	[tilespmem:s4], [sflag:$0x1] =	stream.indirect.gather [hbm4b:s7+s9], $0x80, s31, s9, $0xb8;
	[tilespmem:$0xCC00] =	vst v63  }
0x119: {  	_ =	swait.ge [sflag:s8], $0x4000  }
0x11a: {  	[sflag:s8] =	ssyncset.done $0x0  }
0x11b: {  	[sflag:s8] =	ssyncadd.s32 $0xFFFFC000  }
0x11c: {  	_ =	swait.ge [sflag:s8], $0x4000  }
0x11d: {  	[sflag:s8] =	ssyncset.done $0x0  }
0x11e: {  	[sflag:s8] =	ssyncadd.s32 $0xFFFFC000  }
0x11f: {  	_ =	swait.ge [sflag:s8], $0x4000  }
0x120: {  	[sflag:s8] =	ssyncset.done $0x0  }
0x121: {  	s1 =	rddreg [dreg:$0x5];
	[sflag:s8] =	ssyncadd.s32 $0xFFFFC000  }
0x122: {  	[hbm4b:s1+s2] =	stream.linear.scatter [tilespmem:s6], [sflag:$0x2], $0x4000, $0x38;
	[tilespmem:$0xCC00] =	vst v63  }
0x123: {  	_ =	swait.ge [sflag:s3], $0x4000  }
0x124: {  	[sflag:s3] =	ssyncset.done $0x0  }
0x125: {  	s1 =	rddreg [dreg:$0x6];
	[sflag:s3] =	ssyncadd.s32 $0xFFFFC000  }
0x126: {  	[hbm4b:s1+s2] =	stream.linear.scatter [tilespmem:s5], [sflag:$0x2], $0x4000, $0x38;
	[tilespmem:$0xCC00] =	vst v63  }
0x127: {  	_ =	swait.ge [sflag:s3], $0x4000  }
0x128: {  	[sflag:s3] =	ssyncset.done $0x0  }
0x129: {  	s1 =	rddreg [dreg:$0x7];
	[sflag:s3] =	ssyncadd.s32 $0xFFFFC000  }
0x12a: {  	[hbm4b:s1+s2] =	stream.linear.scatter [tilespmem:s4], [sflag:$0x2], $0x4000, $0x38;
	[tilespmem:$0xCC00] =	vst v63  }
0x12b: {  	_ =	swait.ge [sflag:s3], $0x4000  }
0x12c: {  	[sflag:s3] =	ssyncset.done $0x0  }
0x12d: {  	[sflag:s3] =	ssyncadd.s32 $0xFFFFC000  }
0x12e: {  	[tilespmem:s6], [sflag:$0x1] =	stream.indirect.gather [hbm4b:s7+s9], $0x80, s9, s9, $0xb8;
	[tilespmem:$0xCC00] =	vst v63  }
0x12f: {  	s1 =	rddreg [dreg:$0x1d]  }
0x130: {  	[tilespmem:s5], [sflag:$0x1] =	stream.indirect.gather [hbm4b:s7+s9], $0x80, s1, s9, $0xb8;
	[tilespmem:$0xCC00] =	vst v63  }
0x131: {  	_ = 	snop  }
0x132: {  	[tilespmem:s4], [sflag:$0x1] =	stream.indirect.gather [hbm4b:s7+s9], $0x80, s29, s9, $0xb8;
	[tilespmem:$0xCC00] =	vst v63  }
0x133: {  	_ =	swait.ge [sflag:s8], $0x4000  }
0x134: {  	[sflag:s8] =	ssyncset.done $0x0  }
0x135: {  	[sflag:s8] =	ssyncadd.s32 $0xFFFFC000  }
0x136: {  	_ =	swait.ge [sflag:s8], $0x4000  }
0x137: {  	[sflag:s8] =	ssyncset.done $0x0  }
0x138: {  	[sflag:s8] =	ssyncadd.s32 $0xFFFFC000  }
0x139: {  	_ =	swait.ge [sflag:s8], $0x4000  }
0x13a: {  	[sflag:s8] =	ssyncset.done $0x0  }
0x13b: {  	s1 =	rddreg [dreg:$0x8];
	[sflag:s8] =	ssyncadd.s32 $0xFFFFC000  }
0x13c: {  	[hbm4b:s1+s2] =	stream.linear.scatter [tilespmem:s6], [sflag:$0x2], $0x4000, $0x38;
	[tilespmem:$0xCC00] =	vst v63  }
0x13d: {  	_ =	swait.ge [sflag:s3], $0x4000  }
0x13e: {  	[sflag:s3] =	ssyncset.done $0x0  }
0x13f: {  	s1 =	rddreg [dreg:$0x9];
	[sflag:s3] =	ssyncadd.s32 $0xFFFFC000  }
0x140: {  	[hbm4b:s1+s2] =	stream.linear.scatter [tilespmem:s5], [sflag:$0x2], $0x4000, $0x38;
	[tilespmem:$0xCC00] =	vst v63  }
0x141: {  	_ =	swait.ge [sflag:s3], $0x4000  }
0x142: {  	[sflag:s3] =	ssyncset.done $0x0  }
0x143: {  	s1 =	rddreg [dreg:$0xa];
	[sflag:s3] =	ssyncadd.s32 $0xFFFFC000  }
0x144: {  	[hbm4b:s1+s2] =	stream.linear.scatter [tilespmem:s4], [sflag:$0x2], $0x4000, $0x38;
	[tilespmem:$0xCC00] =	vst v63  }
0x145: {  	_ =	swait.ge [sflag:s3], $0x4000  }
0x146: {  	[sflag:s3] =	ssyncset.done $0x0  }
0x147: {  	[sflag:s3] =	ssyncadd.s32 $0xFFFFC000  }
0x148: {  	[tilespmem:s6], [sflag:$0x1] =	stream.indirect.gather [hbm4b:s7+s9], $0x80, s25, s9, $0xb8;
	[tilespmem:$0xCC00] =	vst v63  }
0x149: {  	_ = 	snop  }
0x14a: {  	[tilespmem:s5], [sflag:$0x1] =	stream.indirect.gather [hbm4b:s7+s9], $0x80, s26, s9, $0xb8;
	[tilespmem:$0xCC00] =	vst v63  }
0x14b: {  	_ = 	snop  }
0x14c: {  	[tilespmem:s4], [sflag:$0x1] =	stream.indirect.gather [hbm4b:s7+s9], $0x80, s28, s9, $0xb8;
	[tilespmem:$0xCC00] =	vst v63  }
0x14d: {  	_ =	swait.ge [sflag:s8], $0x4000  }
0x14e: {  	[sflag:s8] =	ssyncset.done $0x0  }
0x14f: {  	[sflag:s8] =	ssyncadd.s32 $0xFFFFC000  }
0x150: {  	_ =	swait.ge [sflag:s8], $0x4000  }
0x151: {  	[sflag:s8] =	ssyncset.done $0x0  }
0x152: {  	[sflag:s8] =	ssyncadd.s32 $0xFFFFC000  }
0x153: {  	_ =	swait.ge [sflag:s8], $0x4000  }
0x154: {  	[sflag:s8] =	ssyncset.done $0x0  }
0x155: {  	s1 =	rddreg [dreg:$0xb];
	[sflag:s8] =	ssyncadd.s32 $0xFFFFC000  }
0x156: {  	[hbm4b:s1+s2] =	stream.linear.scatter [tilespmem:s6], [sflag:$0x2], $0x4000, $0x38;
	[tilespmem:$0xCC00] =	vst v63  }
0x157: {  	_ =	swait.ge [sflag:s3], $0x4000  }
0x158: {  	[sflag:s3] =	ssyncset.done $0x0  }
0x159: {  	s1 =	rddreg [dreg:$0xc];
	[sflag:s3] =	ssyncadd.s32 $0xFFFFC000  }
0x15a: {  	[hbm4b:s1+s2] =	stream.linear.scatter [tilespmem:s5], [sflag:$0x2], $0x4000, $0x38;
	[tilespmem:$0xCC00] =	vst v63  }
0x15b: {  	_ =	swait.ge [sflag:s3], $0x4000  }
0x15c: {  	[sflag:s3] =	ssyncset.done $0x0  }
0x15d: {  	s1 =	rddreg [dreg:$0xd];
	[sflag:s3] =	ssyncadd.s32 $0xFFFFC000  }
0x15e: {  	[hbm4b:s1+s2] =	stream.linear.scatter [tilespmem:s4], [sflag:$0x2], $0x4000, $0x38;
	[tilespmem:$0xCC00] =	vst v63  }
0x15f: {  	_ =	swait.ge [sflag:s3], $0x4000  }
0x160: {  	[sflag:s3] =	ssyncset.done $0x0  }
0x161: {  	[sflag:s3] =	ssyncadd.s32 $0xFFFFC000  }
0x162: {  	[tilespmem:s6], [sflag:$0x1] =	stream.indirect.gather [hbm4b:s7+s9], $0x80, s22, s9, $0xb8;
	[tilespmem:$0xCC00] =	vst v63  }
0x163: {  	_ = 	snop  }
0x164: {  	[tilespmem:s5], [sflag:$0x1] =	stream.indirect.gather [hbm4b:s7+s9], $0x80, s23, s9, $0xb8;
	[tilespmem:$0xCC00] =	vst v63  }
0x165: {  	_ = 	snop  }
0x166: {  	[tilespmem:s4], [sflag:$0x1] =	stream.indirect.gather [hbm4b:s7+s9], $0x80, s24, s9, $0xb8;
	[tilespmem:$0xCC00] =	vst v63  }
0x167: {  	_ =	swait.ge [sflag:s8], $0x4000  }
0x168: {  	[sflag:s8] =	ssyncset.done $0x0  }
0x169: {  	[sflag:s8] =	ssyncadd.s32 $0xFFFFC000  }
0x16a: {  	_ =	swait.ge [sflag:s8], $0x4000  }
0x16b: {  	[sflag:s8] =	ssyncset.done $0x0  }
0x16c: {  	[sflag:s8] =	ssyncadd.s32 $0xFFFFC000  }
0x16d: {  	_ =	swait.ge [sflag:s8], $0x4000  }
0x16e: {  	[sflag:s8] =	ssyncset.done $0x0  }
0x16f: {  	s1 =	rddreg [dreg:$0xe];
	[sflag:s8] =	ssyncadd.s32 $0xFFFFC000  }
0x170: {  	[hbm4b:s1+s2] =	stream.linear.scatter [tilespmem:s6], [sflag:$0x2], $0x4000, $0x38;
	[tilespmem:$0xCC00] =	vst v63  }
0x171: {  	_ =	swait.ge [sflag:s3], $0x4000  }
0x172: {  	[sflag:s3] =	ssyncset.done $0x0  }
0x173: {  	s1 =	rddreg [dreg:$0xf];
	[sflag:s3] =	ssyncadd.s32 $0xFFFFC000  }
0x174: {  	[hbm4b:s1+s2] =	stream.linear.scatter [tilespmem:s5], [sflag:$0x2], $0x4000, $0x38;
	[tilespmem:$0xCC00] =	vst v63  }
0x175: {  	_ =	swait.ge [sflag:s3], $0x4000  }
0x176: {  	[sflag:s3] =	ssyncset.done $0x0  }
0x177: {  	s1 =	rddreg [dreg:$0x10];
	[sflag:s3] =	ssyncadd.s32 $0xFFFFC000  }
0x178: {  	[hbm4b:s1+s2] =	stream.linear.scatter [tilespmem:s4], [sflag:$0x2], $0x4000, $0x38;
	[tilespmem:$0xCC00] =	vst v63  }
0x179: {  	_ =	swait.ge [sflag:s3], $0x4000  }
0x17a: {  	[sflag:s3] =	ssyncset.done $0x0  }
0x17b: {  	[sflag:s3] =	ssyncadd.s32 $0xFFFFC000  }
0x17c: {  	[tilespmem:s6], [sflag:$0x1] =	stream.indirect.gather [hbm4b:s7+s9], $0x80, s19, s9, $0xb8;
	[tilespmem:$0xCC00] =	vst v63  }
0x17d: {  	_ = 	snop  }
0x17e: {  	[tilespmem:s5], [sflag:$0x1] =	stream.indirect.gather [hbm4b:s7+s9], $0x80, s20, s9, $0xb8;
	[tilespmem:$0xCC00] =	vst v63  }
0x17f: {  	_ = 	snop  }
0x180: {  	[tilespmem:s4], [sflag:$0x1] =	stream.indirect.gather [hbm4b:s7+s9], $0x80, s21, s9, $0xb8;
	[tilespmem:$0xCC00] =	vst v63  }
0x181: {  	_ =	swait.ge [sflag:s8], $0x4000  }
0x182: {  	[sflag:s8] =	ssyncset.done $0x0  }
0x183: {  	[sflag:s8] =	ssyncadd.s32 $0xFFFFC000  }
0x184: {  	_ =	swait.ge [sflag:s8], $0x4000  }
0x185: {  	[sflag:s8] =	ssyncset.done $0x0  }
0x186: {  	[sflag:s8] =	ssyncadd.s32 $0xFFFFC000  }
0x187: {  	_ =	swait.ge [sflag:s8], $0x4000  }
0x188: {  	[sflag:s8] =	ssyncset.done $0x0  }
0x189: {  	s1 =	rddreg [dreg:$0x11];
	[sflag:s8] =	ssyncadd.s32 $0xFFFFC000  }
0x18a: {  	[hbm4b:s1+s2] =	stream.linear.scatter [tilespmem:s6], [sflag:$0x2], $0x4000, $0x38;
	[tilespmem:$0xCC00] =	vst v63  }
0x18b: {  	_ =	swait.ge [sflag:s3], $0x4000  }
0x18c: {  	[sflag:s3] =	ssyncset.done $0x0  }
0x18d: {  	s1 =	rddreg [dreg:$0x12];
	[sflag:s3] =	ssyncadd.s32 $0xFFFFC000  }
0x18e: {  	[hbm4b:s1+s2] =	stream.linear.scatter [tilespmem:s5], [sflag:$0x2], $0x4000, $0x38;
	[tilespmem:$0xCC00] =	vst v63  }
0x18f: {  	_ =	swait.ge [sflag:s3], $0x4000  }
0x190: {  	[sflag:s3] =	ssyncset.done $0x0  }
0x191: {  	s1 =	rddreg [dreg:$0x13];
	[sflag:s3] =	ssyncadd.s32 $0xFFFFC000  }
0x192: {  	[hbm4b:s1+s2] =	stream.linear.scatter [tilespmem:s4], [sflag:$0x2], $0x4000, $0x38;
	[tilespmem:$0xCC00] =	vst v63  }
0x193: {  	_ =	swait.ge [sflag:s3], $0x4000  }
0x194: {  	[sflag:s3] =	ssyncset.done $0x0  }
0x195: {  	[sflag:s3] =	ssyncadd.s32 $0xFFFFC000  }
0x196: {  	[tilespmem:s6], [sflag:$0x1] =	stream.indirect.gather [hbm4b:s7+s9], $0x80, s16, s9, $0xb8;
	[tilespmem:$0xCC00] =	vst v63  }
0x197: {  	_ = 	snop  }
0x198: {  	[tilespmem:s5], [sflag:$0x1] =	stream.indirect.gather [hbm4b:s7+s9], $0x80, s17, s9, $0xb8;
	[tilespmem:$0xCC00] =	vst v63  }
0x199: {  	_ = 	snop  }
0x19a: {  	[tilespmem:s4], [sflag:$0x1] =	stream.indirect.gather [hbm4b:s7+s9], $0x80, s18, s9, $0xb8;
	[tilespmem:$0xCC00] =	vst v63  }
0x19b: {  	_ =	swait.ge [sflag:s8], $0x4000  }
0x19c: {  	[sflag:s8] =	ssyncset.done $0x0  }
0x19d: {  	[sflag:s8] =	ssyncadd.s32 $0xFFFFC000  }
0x19e: {  	_ =	swait.ge [sflag:s8], $0x4000  }
0x19f: {  	[sflag:s8] =	ssyncset.done $0x0  }
0x1a0: {  	[sflag:s8] =	ssyncadd.s32 $0xFFFFC000  }
0x1a1: {  	_ =	swait.ge [sflag:s8], $0x4000  }
0x1a2: {  	[sflag:s8] =	ssyncset.done $0x0  }
0x1a3: {  	s1 =	rddreg [dreg:$0x14];
	[sflag:s8] =	ssyncadd.s32 $0xFFFFC000  }
0x1a4: {  	[hbm4b:s1+s2] =	stream.linear.scatter [tilespmem:s6], [sflag:$0x2], $0x4000, $0x38;
	[tilespmem:$0xCC00] =	vst v63  }
0x1a5: {  	_ =	swait.ge [sflag:s3], $0x4000  }
0x1a6: {  	[sflag:s3] =	ssyncset.done $0x0  }
0x1a7: {  	s1 =	rddreg [dreg:$0x15];
	[sflag:s3] =	ssyncadd.s32 $0xFFFFC000  }
0x1a8: {  	[hbm4b:s1+s2] =	stream.linear.scatter [tilespmem:s5], [sflag:$0x2], $0x4000, $0x38;
	[tilespmem:$0xCC00] =	vst v63  }
0x1a9: {  	_ =	swait.ge [sflag:s3], $0x4000  }
0x1aa: {  	[sflag:s3] =	ssyncset.done $0x0  }
0x1ab: {  	s1 =	rddreg [dreg:$0x16];
	[sflag:s3] =	ssyncadd.s32 $0xFFFFC000  }
0x1ac: {  	[hbm4b:s1+s2] =	stream.linear.scatter [tilespmem:s4], [sflag:$0x2], $0x4000, $0x38;
	[tilespmem:$0xCC00] =	vst v63  }
0x1ad: {  	_ =	swait.ge [sflag:s3], $0x4000  }
0x1ae: {  	[sflag:s3] =	ssyncset.done $0x0  }
0x1af: {  	[sflag:s3] =	ssyncadd.s32 $0xFFFFC000  }
0x1b0: {  	[tilespmem:s6], [sflag:$0x1] =	stream.indirect.gather [hbm4b:s7+s9], $0x80, s13, s9, $0xb8;
	[tilespmem:$0xCC00] =	vst v63  }
0x1b1: {  	_ = 	snop  }
0x1b2: {  	[tilespmem:s5], [sflag:$0x1] =	stream.indirect.gather [hbm4b:s7+s9], $0x80, s14, s9, $0xb8;
	[tilespmem:$0xCC00] =	vst v63  }
0x1b3: {  	_ = 	snop  }
0x1b4: {  	[tilespmem:s4], [sflag:$0x1] =	stream.indirect.gather [hbm4b:s7+s9], $0x80, s15, s9, $0xb8;
	[tilespmem:$0xCC00] =	vst v63  }
0x1b5: {  	_ =	swait.ge [sflag:s8], $0x4000  }
0x1b6: {  	[sflag:s8] =	ssyncset.done $0x0  }
0x1b7: {  	[sflag:s8] =	ssyncadd.s32 $0xFFFFC000  }
0x1b8: {  	_ =	swait.ge [sflag:s8], $0x4000  }
0x1b9: {  	[sflag:s8] =	ssyncset.done $0x0  }
0x1ba: {  	[sflag:s8] =	ssyncadd.s32 $0xFFFFC000  }
0x1bb: {  	_ =	swait.ge [sflag:s8], $0x4000  }
0x1bc: {  	[sflag:s8] =	ssyncset.done $0x0  }
0x1bd: {  	s1 =	rddreg [dreg:$0x17];
	[sflag:s8] =	ssyncadd.s32 $0xFFFFC000  }
0x1be: {  	[hbm4b:s1+s2] =	stream.linear.scatter [tilespmem:s6], [sflag:$0x2], $0x4000, $0x38;
	[tilespmem:$0xCC00] =	vst v63  }
0x1bf: {  	_ =	swait.ge [sflag:s3], $0x4000  }
0x1c0: {  	[sflag:s3] =	ssyncset.done $0x0  }
0x1c1: {  	s1 =	rddreg [dreg:$0x18];
	[sflag:s3] =	ssyncadd.s32 $0xFFFFC000  }
0x1c2: {  	[hbm4b:s1+s2] =	stream.linear.scatter [tilespmem:s5], [sflag:$0x2], $0x4000, $0x38;
	[tilespmem:$0xCC00] =	vst v63  }
0x1c3: {  	_ =	swait.ge [sflag:s3], $0x4000  }
0x1c4: {  	[sflag:s3] =	ssyncset.done $0x0  }
0x1c5: {  	s1 =	rddreg [dreg:$0x19];
	[sflag:s3] =	ssyncadd.s32 $0xFFFFC000  }
0x1c6: {  	[hbm4b:s1+s2] =	stream.linear.scatter [tilespmem:s4], [sflag:$0x2], $0x4000, $0x38;
	[tilespmem:$0xCC00] =	vst v63  }
0x1c7: {  	_ =	swait.ge [sflag:s3], $0x4000  }
0x1c8: {  	[sflag:s3] =	ssyncset.done $0x0  }
0x1c9: {  	[sflag:s3] =	ssyncadd.s32 $0xFFFFC000  }
0x1ca: {  	[tilespmem:s6], [sflag:$0x1] =	stream.indirect.gather [hbm4b:s7+s9], $0x80, s10, s9, $0xb8;
	[tilespmem:$0xCC00] =	vst v63  }
0x1cb: {  	_ = 	snop  }
0x1cc: {  	[tilespmem:s5], [sflag:$0x1] =	stream.indirect.gather [hbm4b:s7+s9], $0x80, s11, s9, $0xb8;
	[tilespmem:$0xCC00] =	vst v63  }
0x1cd: {  	_ = 	snop  }
0x1ce: {  	[tilespmem:s4], [sflag:$0x1] =	stream.indirect.gather [hbm4b:s7+s9], $0x80, s12, s9, $0xb8;
	[tilespmem:$0xCC00] =	vst v63  }
0x1cf: {  	_ =	swait.ge [sflag:s8], $0x4000  }
0x1d0: {  	[sflag:s8] =	ssyncset.done $0x0  }
0x1d1: {  	[sflag:s8] =	ssyncadd.s32 $0xFFFFC000  }
0x1d2: {  	_ =	swait.ge [sflag:s8], $0x4000  }
0x1d3: {  	[sflag:s8] =	ssyncset.done $0x0  }
0x1d4: {  	[sflag:s8] =	ssyncadd.s32 $0xFFFFC000  }
0x1d5: {  	_ =	swait.ge [sflag:s8], $0x4000  }
0x1d6: {  	[sflag:s8] =	ssyncset.done $0x0  }
0x1d7: {  	s1 =	rddreg [dreg:$0x1a];
	[sflag:s8] =	ssyncadd.s32 $0xFFFFC000  }
0x1d8: {  	[hbm4b:s1+s2] =	stream.linear.scatter [tilespmem:s6], [sflag:$0x2], $0x4000, $0x38;
	[tilespmem:$0xCC00] =	vst v63  }
0x1d9: {  	_ =	swait.ge [sflag:s3], $0x4000  }
0x1da: {  	[sflag:s3] =	ssyncset.done $0x0  }
0x1db: {  	s1 =	rddreg [dreg:$0x1b];
	[sflag:s3] =	ssyncadd.s32 $0xFFFFC000  }
0x1dc: {  	[hbm4b:s1+s2] =	stream.linear.scatter [tilespmem:s5], [sflag:$0x2], $0x4000, $0x38;
	[tilespmem:$0xCC00] =	vst v63  }
0x1dd: {  	p1 =	sne.s32 s0, $0x1;
	_ =	swait.ge [sflag:s3], $0x4000  }
.Ltmp2:
0x1de: {  	[sflag:s3] =	ssyncset.done $0x0;
	(pc) =	sbr.rel @p1 .LBB2_2-.Ltmp2, $4  }
0x1df: {  	s1 =	rddreg [dreg:$0x1c];
	[sflag:s3] =	ssyncadd.s32 $0xFFFFC000  }
0x1e0: {  	[hbm4b:s1+s2] =	stream.linear.scatter [tilespmem:s4], [sflag:$0x2], $0x4000, $0x38;
	[tilespmem:$0xCC00] =	vst v63  }
0x1e1: {  	_ =	swait.ge [sflag:s3], $0x4000  }
0x1e2: {  	s0 =	sadd.s32 $0xFFFFFFFF, s0;
	s1 =	rddreg [dreg:$0x2];
	[sflag:s3] =	ssyncset.done $0x0  }
.LBB2_3:
0x1e3: {  	[sflag:s3] =	ssyncadd.s32 @p0 $0xFFFFC000  }
0x1e4: {  	[tilespmem:s2], [sflag:$0x2] =	stream.linear.gather [hbm4b:s1+s2], $0x400, $0x38;
	[tilespmem:$0xCC00] =	vst v63  }
0x1e5: {  	_ =	swait.ge [sflag:s3], $0x400  }
0x1e6: {  	[sflag:s3] =	ssyncset.done $0x0  }
0x1e7: {  	s0 =	rddreg [dreg:$0x3];
	[sflag:s3] =	ssyncadd.s32 $0xFFFFFC00  }
0x1e8: {  	[tilespmem:s30], [sflag:$0x2] =	stream.linear.gather [hbm4b:s0+s2], $0x400, $0x38;
	[tilespmem:$0xCC00] =	vst v63  }
0x1e9: {  	_ =	swait.ge [sflag:s3], $0x400  }
0x1ea: {  	[sflag:s3] =	ssyncset.done $0x0  }
0x1eb: {  	s1 =	rddreg [dreg:$0x4];
	[sflag:s3] =	ssyncadd.s32 $0xFFFFFC00  }
0x1ec: {  	[tilespmem:s31], [sflag:$0x2] =	stream.linear.gather [hbm4b:s1+s2], $0x400, $0x38;
	[tilespmem:$0xCC00] =	vst v63  }
0x1ed: {  	_ =	swait.ge [sflag:s3], $0x400  }
0x1ee: {  	[sflag:s3] =	ssyncset.done $0x0  }
0x1ef: {  	[sflag:s3] =	ssyncadd.s32 $0xFFFFFC00  }
0x1f0: {  	[tilespmem:s6], [sflag:$0x1] =	stream.indirect.gather [hbm4b:s7+s9], $0x80, s2, s9, $0xb8;
	[tilespmem:$0xCC00] =	vst v63  }
0x1f1: {  	_ = 	snop  }
0x1f2: {  	[tilespmem:s5], [sflag:$0x1] =	stream.indirect.gather [hbm4b:s7+s9], $0x80, s30, s9, $0xb8;
	[tilespmem:$0xCC00] =	vst v63  }
0x1f3: {  	_ = 	snop  }
0x1f4: {  	[tilespmem:s4], [sflag:$0x1] =	stream.indirect.gather [hbm4b:s7+s9], $0x80, s31, s9, $0xb8;
	[tilespmem:$0xCC00] =	vst v63  }
0x1f5: {  	_ =	swait.ge [sflag:s8], $0x4000  }
0x1f6: {  	[sflag:s8] =	ssyncset.done $0x0  }
0x1f7: {  	[sflag:s8] =	ssyncadd.s32 $0xFFFFC000  }
0x1f8: {  	_ =	swait.ge [sflag:s8], $0x4000  }
0x1f9: {  	[sflag:s8] =	ssyncset.done $0x0  }
0x1fa: {  	[sflag:s8] =	ssyncadd.s32 $0xFFFFC000  }
0x1fb: {  	_ =	swait.ge [sflag:s8], $0x4000  }
0x1fc: {  	[sflag:s8] =	ssyncset.done $0x0  }
0x1fd: {  	s1 =	rddreg [dreg:$0x5];
	[sflag:s8] =	ssyncadd.s32 $0xFFFFC000  }
0x1fe: {  	[hbm4b:s1+s2] =	stream.linear.scatter [tilespmem:s6], [sflag:$0x2], $0x4000, $0x38;
	[tilespmem:$0xCC00] =	vst v63  }
0x1ff: {  	_ =	swait.ge [sflag:s3], $0x4000  }
0x200: {  	[sflag:s3] =	ssyncset.done $0x0  }
0x201: {  	s30 =	rddreg [dreg:$0x6];
	[sflag:s3] =	ssyncadd.s32 $0xFFFFC000  }
0x202: {  	[hbm4b:s30+s2] =	stream.linear.scatter [tilespmem:s5], [sflag:$0x2], $0x4000, $0x38;
	[tilespmem:$0xCC00] =	vst v63  }
0x203: {  	_ =	swait.ge [sflag:s3], $0x4000  }
0x204: {  	[sflag:s3] =	ssyncset.done $0x0  }
0x205: {  	s31 =	rddreg [dreg:$0x7];
	[sflag:s3] =	ssyncadd.s32 $0xFFFFC000  }
0x206: {  	[hbm4b:s31+s2] =	stream.linear.scatter [tilespmem:s4], [sflag:$0x2], $0x4000, $0x38;
	[tilespmem:$0xCC00] =	vst v63  }
0x207: {  	_ =	swait.ge [sflag:s3], $0x4000  }
0x208: {  	[sflag:s3] =	ssyncset.done $0x0  }
0x209: {  	[sflag:s3] =	ssyncadd.s32 $0xFFFFC000  }
0x20a: {  	[tilespmem:s6], [sflag:$0x1] =	stream.indirect.gather [hbm4b:s7+s9], $0x80, s9, s9, $0xb8;
	[tilespmem:$0xCC00] =	vst v63  }
0x20b: {  	s1 =	rddreg [dreg:$0x1d]  }
0x20c: {  	[tilespmem:s5], [sflag:$0x1] =	stream.indirect.gather [hbm4b:s7+s9], $0x80, s1, s9, $0xb8;
	[tilespmem:$0xCC00] =	vst v63  }
0x20d: {  	_ = 	snop  }
0x20e: {  	[tilespmem:s4], [sflag:$0x1] =	stream.indirect.gather [hbm4b:s7+s9], $0x80, s29, s9, $0xb8;
	[tilespmem:$0xCC00] =	vst v63  }
0x20f: {  	_ =	swait.ge [sflag:s8], $0x4000  }
0x210: {  	[sflag:s8] =	ssyncset.done $0x0  }
0x211: {  	[sflag:s8] =	ssyncadd.s32 $0xFFFFC000  }
0x212: {  	_ =	swait.ge [sflag:s8], $0x4000  }
0x213: {  	[sflag:s8] =	ssyncset.done $0x0  }
0x214: {  	[sflag:s8] =	ssyncadd.s32 $0xFFFFC000  }
0x215: {  	_ =	swait.ge [sflag:s8], $0x4000  }
0x216: {  	[sflag:s8] =	ssyncset.done $0x0  }
0x217: {  	s30 =	rddreg [dreg:$0x8];
	[sflag:s8] =	ssyncadd.s32 $0xFFFFC000  }
0x218: {  	[hbm4b:s30+s2] =	stream.linear.scatter [tilespmem:s6], [sflag:$0x2], $0x4000, $0x38;
	[tilespmem:$0xCC00] =	vst v63  }
0x219: {  	_ =	swait.ge [sflag:s3], $0x4000  }
0x21a: {  	[sflag:s3] =	ssyncset.done $0x0  }
0x21b: {  	s31 =	rddreg [dreg:$0x9];
	[sflag:s3] =	ssyncadd.s32 $0xFFFFC000  }
0x21c: {  	[hbm4b:s31+s2] =	stream.linear.scatter [tilespmem:s5], [sflag:$0x2], $0x4000, $0x38;
	[tilespmem:$0xCC00] =	vst v63  }
0x21d: {  	_ =	swait.ge [sflag:s3], $0x4000  }
0x21e: {  	[sflag:s3] =	ssyncset.done $0x0  }
0x21f: {  	s1 =	rddreg [dreg:$0xa];
	[sflag:s3] =	ssyncadd.s32 $0xFFFFC000  }
0x220: {  	[hbm4b:s1+s2] =	stream.linear.scatter [tilespmem:s4], [sflag:$0x2], $0x4000, $0x38;
	[tilespmem:$0xCC00] =	vst v63  }
0x221: {  	_ =	swait.ge [sflag:s3], $0x4000  }
0x222: {  	[sflag:s3] =	ssyncset.done $0x0  }
0x223: {  	[sflag:s3] =	ssyncadd.s32 $0xFFFFC000  }
0x224: {  	[tilespmem:s6], [sflag:$0x1] =	stream.indirect.gather [hbm4b:s7+s9], $0x80, s25, s9, $0xb8;
	[tilespmem:$0xCC00] =	vst v63  }
0x225: {  	_ = 	snop  }
0x226: {  	[tilespmem:s5], [sflag:$0x1] =	stream.indirect.gather [hbm4b:s7+s9], $0x80, s26, s9, $0xb8;
	[tilespmem:$0xCC00] =	vst v63  }
0x227: {  	_ = 	snop  }
0x228: {  	[tilespmem:s4], [sflag:$0x1] =	stream.indirect.gather [hbm4b:s7+s9], $0x80, s28, s9, $0xb8;
	[tilespmem:$0xCC00] =	vst v63  }
0x229: {  	_ =	swait.ge [sflag:s8], $0x4000  }
0x22a: {  	[sflag:s8] =	ssyncset.done $0x0  }
0x22b: {  	[sflag:s8] =	ssyncadd.s32 $0xFFFFC000  }
0x22c: {  	_ =	swait.ge [sflag:s8], $0x4000  }
0x22d: {  	[sflag:s8] =	ssyncset.done $0x0  }
0x22e: {  	[sflag:s8] =	ssyncadd.s32 $0xFFFFC000  }
0x22f: {  	_ =	swait.ge [sflag:s8], $0x4000  }
0x230: {  	[sflag:s8] =	ssyncset.done $0x0  }
0x231: {  	s25 =	rddreg [dreg:$0xb];
	[sflag:s8] =	ssyncadd.s32 $0xFFFFC000  }
0x232: {  	[hbm4b:s25+s2] =	stream.linear.scatter [tilespmem:s6], [sflag:$0x2], $0x4000, $0x38;
	[tilespmem:$0xCC00] =	vst v63  }
0x233: {  	_ =	swait.ge [sflag:s3], $0x4000  }
0x234: {  	[sflag:s3] =	ssyncset.done $0x0  }
0x235: {  	s26 =	rddreg [dreg:$0xc];
	[sflag:s3] =	ssyncadd.s32 $0xFFFFC000  }
0x236: {  	[hbm4b:s26+s2] =	stream.linear.scatter [tilespmem:s5], [sflag:$0x2], $0x4000, $0x38;
	[tilespmem:$0xCC00] =	vst v63  }
0x237: {  	_ =	swait.ge [sflag:s3], $0x4000  }
0x238: {  	[sflag:s3] =	ssyncset.done $0x0  }
0x239: {  	s28 =	rddreg [dreg:$0xd];
	[sflag:s3] =	ssyncadd.s32 $0xFFFFC000  }
0x23a: {  	[hbm4b:s28+s2] =	stream.linear.scatter [tilespmem:s4], [sflag:$0x2], $0x4000, $0x38;
	[tilespmem:$0xCC00] =	vst v63  }
0x23b: {  	_ =	swait.ge [sflag:s3], $0x4000  }
0x23c: {  	[sflag:s3] =	ssyncset.done $0x0  }
0x23d: {  	[sflag:s3] =	ssyncadd.s32 $0xFFFFC000  }
0x23e: {  	[tilespmem:s6], [sflag:$0x1] =	stream.indirect.gather [hbm4b:s7+s9], $0x80, s22, s9, $0xb8;
	[tilespmem:$0xCC00] =	vst v63  }
0x23f: {  	_ = 	snop  }
0x240: {  	[tilespmem:s5], [sflag:$0x1] =	stream.indirect.gather [hbm4b:s7+s9], $0x80, s23, s9, $0xb8;
	[tilespmem:$0xCC00] =	vst v63  }
0x241: {  	_ = 	snop  }
0x242: {  	[tilespmem:s4], [sflag:$0x1] =	stream.indirect.gather [hbm4b:s7+s9], $0x80, s24, s9, $0xb8;
	[tilespmem:$0xCC00] =	vst v63  }
0x243: {  	_ =	swait.ge [sflag:s8], $0x4000  }
0x244: {  	[sflag:s8] =	ssyncset.done $0x0  }
0x245: {  	[sflag:s8] =	ssyncadd.s32 $0xFFFFC000  }
0x246: {  	_ =	swait.ge [sflag:s8], $0x4000  }
0x247: {  	[sflag:s8] =	ssyncset.done $0x0  }
0x248: {  	[sflag:s8] =	ssyncadd.s32 $0xFFFFC000  }
0x249: {  	_ =	swait.ge [sflag:s8], $0x4000  }
0x24a: {  	[sflag:s8] =	ssyncset.done $0x0  }
0x24b: {  	s29 =	rddreg [dreg:$0xe];
	[sflag:s8] =	ssyncadd.s32 $0xFFFFC000  }
0x24c: {  	[hbm4b:s29+s2] =	stream.linear.scatter [tilespmem:s6], [sflag:$0x2], $0x4000, $0x38;
	[tilespmem:$0xCC00] =	vst v63  }
0x24d: {  	_ =	swait.ge [sflag:s3], $0x4000  }
0x24e: {  	[sflag:s3] =	ssyncset.done $0x0  }
0x24f: {  	s30 =	rddreg [dreg:$0xf];
	[sflag:s3] =	ssyncadd.s32 $0xFFFFC000  }
0x250: {  	[hbm4b:s30+s2] =	stream.linear.scatter [tilespmem:s5], [sflag:$0x2], $0x4000, $0x38;
	[tilespmem:$0xCC00] =	vst v63  }
0x251: {  	_ =	swait.ge [sflag:s3], $0x4000  }
0x252: {  	[sflag:s3] =	ssyncset.done $0x0  }
0x253: {  	s31 =	rddreg [dreg:$0x10];
	[sflag:s3] =	ssyncadd.s32 $0xFFFFC000  }
0x254: {  	[hbm4b:s31+s2] =	stream.linear.scatter [tilespmem:s4], [sflag:$0x2], $0x4000, $0x38;
	[tilespmem:$0xCC00] =	vst v63  }
0x255: {  	_ =	swait.ge [sflag:s3], $0x4000  }
0x256: {  	[sflag:s3] =	ssyncset.done $0x0  }
0x257: {  	[sflag:s3] =	ssyncadd.s32 $0xFFFFC000  }
0x258: {  	[tilespmem:s6], [sflag:$0x1] =	stream.indirect.gather [hbm4b:s7+s9], $0x80, s19, s9, $0xb8;
	[tilespmem:$0xCC00] =	vst v63  }
0x259: {  	_ = 	snop  }
0x25a: {  	[tilespmem:s5], [sflag:$0x1] =	stream.indirect.gather [hbm4b:s7+s9], $0x80, s20, s9, $0xb8;
	[tilespmem:$0xCC00] =	vst v63  }
0x25b: {  	_ = 	snop  }
0x25c: {  	[tilespmem:s4], [sflag:$0x1] =	stream.indirect.gather [hbm4b:s7+s9], $0x80, s21, s9, $0xb8;
	[tilespmem:$0xCC00] =	vst v63  }
0x25d: {  	_ =	swait.ge [sflag:s8], $0x4000  }
0x25e: {  	[sflag:s8] =	ssyncset.done $0x0  }
0x25f: {  	[sflag:s8] =	ssyncadd.s32 $0xFFFFC000  }
0x260: {  	_ =	swait.ge [sflag:s8], $0x4000  }
0x261: {  	[sflag:s8] =	ssyncset.done $0x0  }
0x262: {  	[sflag:s8] =	ssyncadd.s32 $0xFFFFC000  }
0x263: {  	_ =	swait.ge [sflag:s8], $0x4000  }
0x264: {  	[sflag:s8] =	ssyncset.done $0x0  }
0x265: {  	s1 =	rddreg [dreg:$0x11];
	[sflag:s8] =	ssyncadd.s32 $0xFFFFC000  }
0x266: {  	[hbm4b:s1+s2] =	stream.linear.scatter [tilespmem:s6], [sflag:$0x2], $0x4000, $0x38;
	[tilespmem:$0xCC00] =	vst v63  }
0x267: {  	_ =	swait.ge [sflag:s3], $0x4000  }
0x268: {  	[sflag:s3] =	ssyncset.done $0x0  }
0x269: {  	s19 =	rddreg [dreg:$0x12];
	[sflag:s3] =	ssyncadd.s32 $0xFFFFC000  }
0x26a: {  	[hbm4b:s19+s2] =	stream.linear.scatter [tilespmem:s5], [sflag:$0x2], $0x4000, $0x38;
	[tilespmem:$0xCC00] =	vst v63  }
0x26b: {  	_ =	swait.ge [sflag:s3], $0x4000  }
0x26c: {  	[sflag:s3] =	ssyncset.done $0x0  }
0x26d: {  	s20 =	rddreg [dreg:$0x13];
	[sflag:s3] =	ssyncadd.s32 $0xFFFFC000  }
0x26e: {  	[hbm4b:s20+s2] =	stream.linear.scatter [tilespmem:s4], [sflag:$0x2], $0x4000, $0x38;
	[tilespmem:$0xCC00] =	vst v63  }
0x26f: {  	_ =	swait.ge [sflag:s3], $0x4000  }
0x270: {  	[sflag:s3] =	ssyncset.done $0x0  }
0x271: {  	[sflag:s3] =	ssyncadd.s32 $0xFFFFC000  }
0x272: {  	[tilespmem:s6], [sflag:$0x1] =	stream.indirect.gather [hbm4b:s7+s9], $0x80, s16, s9, $0xb8;
	[tilespmem:$0xCC00] =	vst v63  }
0x273: {  	_ = 	snop  }
0x274: {  	[tilespmem:s5], [sflag:$0x1] =	stream.indirect.gather [hbm4b:s7+s9], $0x80, s17, s9, $0xb8;
	[tilespmem:$0xCC00] =	vst v63  }
0x275: {  	_ = 	snop  }
0x276: {  	[tilespmem:s4], [sflag:$0x1] =	stream.indirect.gather [hbm4b:s7+s9], $0x80, s18, s9, $0xb8;
	[tilespmem:$0xCC00] =	vst v63  }
0x277: {  	_ =	swait.ge [sflag:s8], $0x4000  }
0x278: {  	[sflag:s8] =	ssyncset.done $0x0  }
0x279: {  	[sflag:s8] =	ssyncadd.s32 $0xFFFFC000  }
0x27a: {  	_ =	swait.ge [sflag:s8], $0x4000  }
0x27b: {  	[sflag:s8] =	ssyncset.done $0x0  }
0x27c: {  	[sflag:s8] =	ssyncadd.s32 $0xFFFFC000  }
0x27d: {  	_ =	swait.ge [sflag:s8], $0x4000  }
0x27e: {  	[sflag:s8] =	ssyncset.done $0x0  }
0x27f: {  	s21 =	rddreg [dreg:$0x14];
	[sflag:s8] =	ssyncadd.s32 $0xFFFFC000  }
0x280: {  	[hbm4b:s21+s2] =	stream.linear.scatter [tilespmem:s6], [sflag:$0x2], $0x4000, $0x38;
	[tilespmem:$0xCC00] =	vst v63  }
0x281: {  	_ =	swait.ge [sflag:s3], $0x4000  }
0x282: {  	[sflag:s3] =	ssyncset.done $0x0  }
0x283: {  	s22 =	rddreg [dreg:$0x15];
	[sflag:s3] =	ssyncadd.s32 $0xFFFFC000  }
0x284: {  	[hbm4b:s22+s2] =	stream.linear.scatter [tilespmem:s5], [sflag:$0x2], $0x4000, $0x38;
	[tilespmem:$0xCC00] =	vst v63  }
0x285: {  	_ =	swait.ge [sflag:s3], $0x4000  }
0x286: {  	[sflag:s3] =	ssyncset.done $0x0  }
0x287: {  	s23 =	rddreg [dreg:$0x16];
	[sflag:s3] =	ssyncadd.s32 $0xFFFFC000  }
0x288: {  	[hbm4b:s23+s2] =	stream.linear.scatter [tilespmem:s4], [sflag:$0x2], $0x4000, $0x38;
	[tilespmem:$0xCC00] =	vst v63  }
0x289: {  	_ =	swait.ge [sflag:s3], $0x4000  }
0x28a: {  	[sflag:s3] =	ssyncset.done $0x0  }
0x28b: {  	[sflag:s3] =	ssyncadd.s32 $0xFFFFC000  }
0x28c: {  	[tilespmem:s6], [sflag:$0x1] =	stream.indirect.gather [hbm4b:s7+s9], $0x80, s13, s9, $0xb8;
	[tilespmem:$0xCC00] =	vst v63  }
0x28d: {  	_ = 	snop  }
0x28e: {  	[tilespmem:s5], [sflag:$0x1] =	stream.indirect.gather [hbm4b:s7+s9], $0x80, s14, s9, $0xb8;
	[tilespmem:$0xCC00] =	vst v63  }
0x28f: {  	_ = 	snop  }
0x290: {  	[tilespmem:s4], [sflag:$0x1] =	stream.indirect.gather [hbm4b:s7+s9], $0x80, s15, s9, $0xb8;
	[tilespmem:$0xCC00] =	vst v63  }
0x291: {  	_ =	swait.ge [sflag:s8], $0x4000  }
0x292: {  	[sflag:s8] =	ssyncset.done $0x0  }
0x293: {  	[sflag:s8] =	ssyncadd.s32 $0xFFFFC000  }
0x294: {  	_ =	swait.ge [sflag:s8], $0x4000  }
0x295: {  	[sflag:s8] =	ssyncset.done $0x0  }
0x296: {  	[sflag:s8] =	ssyncadd.s32 $0xFFFFC000  }
0x297: {  	_ =	swait.ge [sflag:s8], $0x4000  }
0x298: {  	[sflag:s8] =	ssyncset.done $0x0  }
0x299: {  	s24 =	rddreg [dreg:$0x17];
	[sflag:s8] =	ssyncadd.s32 $0xFFFFC000  }
0x29a: {  	[hbm4b:s24+s2] =	stream.linear.scatter [tilespmem:s6], [sflag:$0x2], $0x4000, $0x38;
	[tilespmem:$0xCC00] =	vst v63  }
0x29b: {  	_ =	swait.ge [sflag:s3], $0x4000  }
0x29c: {  	[sflag:s3] =	ssyncset.done $0x0  }
0x29d: {  	s25 =	rddreg [dreg:$0x18];
	[sflag:s3] =	ssyncadd.s32 $0xFFFFC000  }
0x29e: {  	[hbm4b:s25+s2] =	stream.linear.scatter [tilespmem:s5], [sflag:$0x2], $0x4000, $0x38;
	[tilespmem:$0xCC00] =	vst v63  }
0x29f: {  	_ =	swait.ge [sflag:s3], $0x4000  }
0x2a0: {  	[sflag:s3] =	ssyncset.done $0x0  }
0x2a1: {  	s26 =	rddreg [dreg:$0x19];
	[sflag:s3] =	ssyncadd.s32 $0xFFFFC000  }
0x2a2: {  	[hbm4b:s26+s2] =	stream.linear.scatter [tilespmem:s4], [sflag:$0x2], $0x4000, $0x38;
	[tilespmem:$0xCC00] =	vst v63  }
0x2a3: {  	_ =	swait.ge [sflag:s3], $0x4000  }
0x2a4: {  	[sflag:s3] =	ssyncset.done $0x0  }
0x2a5: {  	[sflag:s3] =	ssyncadd.s32 $0xFFFFC000  }
0x2a6: {  	[tilespmem:s6], [sflag:$0x1] =	stream.indirect.gather [hbm4b:s7+s9], $0x80, s10, s9, $0xb8;
	[tilespmem:$0xCC00] =	vst v63  }
0x2a7: {  	_ = 	snop  }
0x2a8: {  	[tilespmem:s5], [sflag:$0x1] =	stream.indirect.gather [hbm4b:s7+s9], $0x80, s11, s9, $0xb8;
	[tilespmem:$0xCC00] =	vst v63  }
0x2a9: {  	_ = 	snop  }
0x2aa: {  	[tilespmem:s4], [sflag:$0x1] =	stream.indirect.gather [hbm4b:s7+s9], $0x80, s12, s9, $0xb8;
	[tilespmem:$0xCC00] =	vst v63  }
0x2ab: {  	_ =	swait.ge [sflag:s8], $0x4000  }
0x2ac: {  	[sflag:s8] =	ssyncset.done $0x0  }
0x2ad: {  	[sflag:s8] =	ssyncadd.s32 $0xFFFFC000  }
0x2ae: {  	_ =	swait.ge [sflag:s8], $0x4000  }
0x2af: {  	[sflag:s8] =	ssyncset.done $0x0  }
0x2b0: {  	[sflag:s8] =	ssyncadd.s32 $0xFFFFC000  }
0x2b1: {  	_ =	swait.ge [sflag:s8], $0x4000  }
0x2b2: {  	[sflag:s8] =	ssyncset.done $0x0  }
0x2b3: {  	s28 =	rddreg [dreg:$0x1a];
	[sflag:s8] =	ssyncadd.s32 $0xFFFFC000  }
0x2b4: {  	[hbm4b:s28+s2] =	stream.linear.scatter [tilespmem:s6], [sflag:$0x2], $0x4000, $0x38;
	[tilespmem:$0xCC00] =	vst v63  }
0x2b5: {  	_ =	swait.ge [sflag:s3], $0x4000  }
0x2b6: {  	[sflag:s3] =	ssyncset.done $0x0  }
0x2b7: {  	s29 =	rddreg [dreg:$0x1b];
	[sflag:s3] =	ssyncadd.s32 $0xFFFFC000  }
0x2b8: {  	[hbm4b:s29+s2] =	stream.linear.scatter [tilespmem:s5], [sflag:$0x2], $0x4000, $0x38;
	[tilespmem:$0xCC00] =	vst v63  }
0x2b9: {  	_ =	swait.ge [sflag:s3], $0x4000  }
0x2ba: {  	[sflag:s3] =	ssyncset.done $0x0  }
0x2bb: {  	s30 =	rddreg [dreg:$0x1c];
	[sflag:s3] =	ssyncadd.s32 $0xFFFFC000  }
0x2bc: {  	[hbm4b:s30+s2] =	stream.linear.scatter [tilespmem:s4], [sflag:$0x2], $0x4000, $0x38;
	[tilespmem:$0xCC00] =	vst v63  }
0x2bd: {  	_ =	swait.ge [sflag:s3], $0x4000  }
0x2be: {  	[sflag:s3] =	ssyncset.done $0x0  }
0x2bf: {  	[sflag:s3] =	ssyncadd.s32 $0xFFFFC000  }
0x2c0: {  	_ =	sfence.sel $0x180000  }
0x2c1: {  	[bflag:$0x0] =	sbarrier.arrive $0xFFFF  }
0x2c2: {  	_ =	strace $0x90000047  }
0x2c3: {  	s31 =	stileid.u32;
	[bflag:$0x2] =	sbarrier.arrive $0xFFFF  }
0x2c4: {  	p0 =	sne.s32 s31, $0x0;
	s0 =	rddreg [dreg:$0x1]  }
0x2c5: {  	s0 =	sadd.s32 @!p0 $0x100000, s0  }
0x2c6: {  	[sflag:s0] =	ssyncadd.tile.s32 @!p0 $0x1;
	_ =	shalt  }
.Lfunc_end2:
_tile_overlayer_lowered:
.L_overlay_start_2:
0x2c7: {  	(tag) =	ssettag $0x2  }
0x2c8: {  	s0 =	rddreg [dreg:$0x0];
	s2 =	stileid.u32  }
0x2c9: {  	s1 =	rddreg [dreg:$0x1];
	p0 =	sne.s32 s2, $0x0  }
0x2ca: {  	s3 =	rddreg [dreg:$0x2];
	[bflag:$0x3] =	sbarrier.arrive $0xFFFF;
	s2 =	simm.s32 @!p0 $0x1C02  }
0x2cb: {  	[timem:s3], [sflag:s2] =	dma.local @!p0 [hbm:s0], s1  }
0x2cc: {  	s0 =	simm.s32 @!p0 $0x2  }
0x2cd: {  	_ =	swait.ge @!p0 [sflag:s0], s1  }
0x2ce: {  	s1 =	ssub.s32 @!p0 $0x0, s1;
	[sflag:s0] =	ssyncset.done @!p0 $0x0  }
0x2cf: {  	[sflag:s0] =	ssyncadd.s32 @!p0 s1  }
0x2d0: {  	[bflag:$0x3] =	sbarrier.arrive $0xFFFF  }
0x2d1: {  	_ =	shalt  }

</sc_bundles>
